<compile_context>
chip_gen: v7x
topology: tpu7x:2x2x1
jax: 0.10.2.dev20260603
libtpu: 0.0.44.dev20260713+nightly
codegen_flags: <defaults>
</compile_context>

<pallas_src>
import functools

import jax
import jax.numpy as jnp
from jax import lax
from jax.experimental import pallas as pl
from jax.experimental.pallas import tpu as pltpu
from jax.experimental.pallas import tpu_sc as plsc

N = 10000
NP = 10240
F_IN = 128
F_HID = 128
F_OUT = 64
E = 320000
NC = 2
NS = 16
CH = 128
EPT = (E // (NS * CH)) * CH
KS = EPT // CH
KSL = (E - (NS - 1) * EPT) // CH
EPW = (E // (NC * NS * CH)) * CH
KW = EPW // CH
KWL = (E - (NC * NS - 1) * EPW) // CH
RPT = NP // NS
BR = NP // 8

_mesh = plsc.VectorSubcoreMesh(core_axis_name="c", subcore_axis_name="s")



@functools.partial(
    pl.kernel, mesh=_mesh,
    compiler_params=pltpu.CompilerParams(use_tc_tiling_on_sc=False),
    out_type=jax.ShapeDtypeStruct((NC, NP), jnp.float32),
    scratch_types=[
        pltpu.VMEM((KWL, CH), jnp.int32),
        pltpu.VMEM((CH,), jnp.float32),
        pltpu.VMEM_SHARED((NP,), jnp.float32),
    ],
)
def _sc_degree(ei_hbm, zeros_hbm, out_hbm, idx_v, ones_v, acc_sh):
    cid = lax.axis_index("c")
    sid = lax.axis_index("s")
    w = cid * NS + sid
    kw = jnp.where(w == NC * NS - 1, KWL, KW)
    for i in range(CH // 16):
        ones_v[pl.ds(i * 16, 16)] = jnp.ones((16,), jnp.float32)
    pltpu.sync_copy(zeros_hbm.at[pl.ds(sid * RPT, RPT)],
                    acc_sh.at[pl.ds(sid * RPT, RPT)])

    @pl.when(w == NC * NS - 1)
    def _tail():
        pltpu.sync_copy(ei_hbm.at[1, pl.ds(w * KW, KWL)], idx_v)

    @pl.when(w != NC * NS - 1)
    def _full():
        pltpu.sync_copy(ei_hbm.at[1, pl.ds(w * KW, KW)],
                        idx_v.at[pl.ds(0, KW)])

    plsc.subcore_barrier()

    def body(j, carry):
        pltpu.sync_copy(ones_v, acc_sh.at[idx_v.at[j]], add=True)
        return carry

    lax.fori_loop(0, kw, body, 0)
    plsc.subcore_barrier()
    pltpu.sync_copy(acc_sh.at[pl.ds(sid * RPT, RPT)],
                    out_hbm.at[cid, pl.ds(sid * RPT, RPT)])



def _make_sc_scatter(f2):
    @functools.partial(
        pl.kernel, mesh=_mesh,
        compiler_params=pltpu.CompilerParams(use_tc_tiling_on_sc=False),
        out_type=jax.ShapeDtypeStruct((NC, NP, f2), jnp.float32),
        scratch_types=[
            pltpu.VMEM((4, 2, CH), jnp.int32),
            pltpu.VMEM((3, CH, f2), jnp.float32),
            pltpu.VMEM_SHARED((NP, f2), jnp.float32),
            pltpu.VMEM_SHARED((NP, f2), jnp.float32),
            pltpu.SemaphoreType.DMA,
            pltpu.SemaphoreType.DMA,
            pltpu.SemaphoreType.DMA,
        ],
    )
    def _sc_scatter(ei_hbm, y_hbm, out_hbm, idx, rows, y_sh,
                    acc_sh, sem_i, sem_g, sem_s):
        cid = lax.axis_index("c")
        sid = lax.axis_index("s")
        sl = pl.ds(sid * RPT, RPT)
        cb = sid * KS
        ks = jnp.where(sid == NS - 1, KSL, KS)

        def load_idx(j, slot, sync=False):
            s_cp = pltpu.make_async_copy(ei_hbm.at[0, cb + j],
                                         idx.at[slot, 0], sem_i)
            d_cp = pltpu.make_async_copy(ei_hbm.at[1, cb + j],
                                         idx.at[slot, 1], sem_i)
            s_cp.start()
            d_cp.start()
            if sync:
                s_cp.wait()
                d_cp.wait()

        def wait_idx(j, slot):
            pltpu.make_async_copy(ei_hbm.at[0, cb + j], idx.at[slot, 0],
                                  sem_i).wait()
            pltpu.make_async_copy(ei_hbm.at[1, cb + j], idx.at[slot, 1],
                                  sem_i).wait()

        pltpu.sync_copy(y_hbm.at[cid, sl], y_sh.at[sl])
        pltpu.sync_copy(y_hbm.at[cid, sl], acc_sh.at[sl])
        load_idx(0, 0, sync=True)
        plsc.subcore_barrier()

        pltpu.async_copy(y_sh.at[idx.at[0, 0]], rows.at[0], sem_g)
        load_idx(1, 1)

        def body(j, carry):
            rs = lax.rem(j, 3)
            ds = lax.rem(j, 4)
            pltpu.make_async_copy(y_sh.at[idx.at[ds, 0]], rows.at[rs],
                                  sem_g).wait()
            pltpu.async_copy(rows.at[rs], acc_sh.at[idx.at[ds, 1]], sem_s,
                             add=True)

            @pl.when(j >= 2)
            def _drain():
                pltpu.make_async_copy(rows.at[lax.rem(j + 1, 3)],
                                      acc_sh.at[idx.at[lax.rem(j + 2, 4), 1]],
                                      sem_s).wait()

            @pl.when(j + 1 < ks)
            def _pf():
                wait_idx(j + 1, lax.rem(j + 1, 4))
                pltpu.async_copy(y_sh.at[idx.at[lax.rem(j + 1, 4), 0]],
                                 rows.at[lax.rem(j + 1, 3)], sem_g)

            @pl.when(j + 2 < ks)
            def _pfi():
                load_idx(j + 2, lax.rem(j + 2, 4))

            return carry

        lax.fori_loop(0, ks, body, 0)
        pltpu.make_async_copy(rows.at[lax.rem(ks - 2, 3)],
                              acc_sh.at[idx.at[lax.rem(ks - 2, 4), 1]],
                              sem_s).wait()
        pltpu.make_async_copy(rows.at[lax.rem(ks - 1, 3)],
                              acc_sh.at[idx.at[lax.rem(ks - 1, 4), 1]],
                              sem_s).wait()
        plsc.subcore_barrier()
        pltpu.sync_copy(acc_sh.at[sl], out_hbm.at[cid, sl])

    return _sc_scatter


_sc_scatter_h = _make_sc_scatter(F_HID // 2)
_sc_scatter_o = _make_sc_scatter(F_OUT // 2)



def _tc1_body(x_ref, w_ref, deg_ref, y_ref):
    dis = lax.rsqrt(deg_ref[0, :] + deg_ref[1, :] + 1.0)
    xw = jnp.dot(x_ref[...], w_ref[...], preferred_element_type=jnp.float32)
    y = xw * dis[:, None]
    y_ref[0] = y[:, :F_HID // 2]
    y_ref[1] = y[:, F_HID // 2:]


def _tc1(xp, W1, deg):
    return pl.pallas_call(
        _tc1_body,
        grid=(NP // BR,),
        in_specs=[
            pl.BlockSpec((BR, F_IN), lambda i: (i, 0)),
            pl.BlockSpec((F_IN, F_HID), lambda i: (0, 0)),
            pl.BlockSpec((NC, BR), lambda i: (0, i)),
        ],
        out_specs=pl.BlockSpec((NC, BR, F_HID // 2), lambda i: (0, i, 0)),
        out_shape=jax.ShapeDtypeStruct((NC, NP, F_HID // 2), jnp.float32),
    )(xp, W1, deg)


def _tc2_body(a_ref, deg_ref, b1_ref, w2_ref, y2_ref):
    i = pl.program_id(0)
    dis = lax.rsqrt(deg_ref[0, :] + deg_ref[1, :] + 1.0)
    agg = jnp.concatenate([a_ref[0], a_ref[1]], axis=1)
    h = jnp.maximum(agg * dis[:, None] + b1_ref[...][None, :], 0.0)
    row = i * BR + lax.broadcasted_iota(jnp.int32, (BR, 1), 0)
    h = jnp.where(row < N, h, 0.0)
    hw = jnp.dot(h, w2_ref[...], preferred_element_type=jnp.float32)
    y2 = hw * dis[:, None]
    y2_ref[0] = y2[:, :F_OUT // 2]
    y2_ref[1] = y2[:, F_OUT // 2:]


def _tc2(a, deg, b1, W2):
    return pl.pallas_call(
        _tc2_body,
        grid=(NP // BR,),
        in_specs=[
            pl.BlockSpec((NC, BR, F_HID // 2), lambda i: (0, i, 0)),
            pl.BlockSpec((NC, BR), lambda i: (0, i)),
            pl.BlockSpec((F_HID,), lambda i: (0,)),
            pl.BlockSpec((F_HID, F_OUT), lambda i: (0, 0)),
        ],
        out_specs=pl.BlockSpec((NC, BR, F_OUT // 2), lambda i: (0, i, 0)),
        out_shape=jax.ShapeDtypeStruct((NC, NP, F_OUT // 2), jnp.float32),
    )(a, deg, b1, W2)


def _tc3_body(c_ref, deg_ref, b2_ref, o_ref):
    dis = lax.rsqrt(deg_ref[0, :] + deg_ref[1, :] + 1.0)
    agg = jnp.concatenate([c_ref[0], c_ref[1]], axis=1)
    logits = agg * dis[:, None] + b2_ref[...][None, :]
    m = jnp.max(logits, axis=1, keepdims=True)
    e = jnp.exp(logits - m)
    o_ref[...] = e / jnp.sum(e, axis=1, keepdims=True)


def _tc3(c, deg, b2):
    return pl.pallas_call(
        _tc3_body,
        grid=(NP // BR,),
        in_specs=[
            pl.BlockSpec((NC, BR, F_OUT // 2), lambda i: (0, i, 0)),
            pl.BlockSpec((NC, BR), lambda i: (0, i)),
            pl.BlockSpec((F_OUT,), lambda i: (0,)),
        ],
        out_specs=pl.BlockSpec((BR, F_OUT), lambda i: (i, 0)),
        out_shape=jax.ShapeDtypeStruct((NP, F_OUT), jnp.float32),
    )(c, deg, b2)



def kernel(x, edge_index, W1, b1, W2, b2):
    ei3 = edge_index.astype(jnp.int32).reshape(2, E // CH, CH)
    xp = jnp.pad(x, ((0, NP - N), (0, 0)))
    zeros_np = jnp.zeros((NP,), jnp.float32)

    deg = _sc_degree(ei3, zeros_np)
    y1 = _tc1(xp, W1, deg)
    a = _sc_scatter_h(ei3, y1)
    y2 = _tc2(a, deg, b1, W2)
    c = _sc_scatter_o(ei3, y2)
    out = _tc3(c, deg, b2)
    return out[:N]

# --- scband reference (transcript-rebuilt; emitter-appended) ---
"""Pipeline reference for scband-classifier-model-60370060312681 (READ-ONLY COPY).

The authoritative reference and input builder live on the scoring server;
editing this copy changes nothing except your own understanding.
"""

import jax, jax.numpy as jnp
import numpy as np

N_NODES = 10000
N_FEATURES = 128
N_HIDDEN = 128
N_CLASSES = 64
N_EDGES = 320000


def gcn_conv(x, edge_index, W, b, num_nodes):
    # x: [N, Fin], edge_index: [2, E] (row 0 = src, row 1 = dst)
    src = edge_index[0]
    dst = edge_index[1]
    # add self loops (PyG GCNConv default add_self_loops=True)
    loop = jnp.arange(num_nodes, dtype=edge_index.dtype)
    src = jnp.concatenate([src, loop])
    dst = jnp.concatenate([dst, loop])
    # symmetric normalization D^{-1/2} (A+I) D^{-1/2}
    ones = jnp.ones(src.shape[0], dtype=x.dtype)
    deg = jnp.zeros(num_nodes, dtype=x.dtype).at[dst].add(ones)
    deg_inv_sqrt = jnp.where(deg > 0, jax.lax.rsqrt(jnp.maximum(deg, 1e-12)), 0.0)
    norm = deg_inv_sqrt[src] * deg_inv_sqrt[dst]
    # linear transform then message passing (gather + scatter-add)
    xw = x @ W
    msgs = xw[src] * norm[:, None]
    out = jnp.zeros((num_nodes, W.shape[1]), dtype=x.dtype).at[dst].add(msgs)
    return out + b


def setup_inputs(seed: int = 0) -> dict:
    key = jax.random.key(seed)
    k_x, k_ei, k_w1, k_b1, k_w2, k_b2 = jax.random.split(key, 6)
    x = jax.random.normal(k_x, (N_NODES, N_FEATURES), dtype=jnp.float32)
    edge_index = jax.random.randint(k_ei, (2, N_EDGES), 0, N_NODES, dtype=jnp.int64)
    # GCNConv weights (glorot) and zero bias, as in PyG defaults
    s1 = float(np.sqrt(6.0 / (N_FEATURES + N_HIDDEN)))
    W1 = jax.random.uniform(k_w1, (N_FEATURES, N_HIDDEN), dtype=jnp.float32, minval=-s1, maxval=s1)
    b1 = jnp.zeros((N_HIDDEN,), dtype=jnp.float32)
    s2 = float(np.sqrt(6.0 / (N_HIDDEN + N_CLASSES)))
    W2 = jax.random.uniform(k_w2, (N_HIDDEN, N_CLASSES), dtype=jnp.float32, minval=-s2, maxval=s2)
    b2 = jnp.zeros((N_CLASSES,), dtype=jnp.float32)
    return {"x": x, "edge_index": edge_index, "W1": W1, "b1": b1, "W2": W2, "b2": b2}


def reference(x, edge_index, W1, b1, W2, b2):
    h = gcn_conv(x, edge_index, W1, b1, N_NODES)
    h = jax.nn.relu(h)
    # dropout p=0.1 is identity in eval mode
    out = gcn_conv(h, edge_index, W2, b2, N_NODES)
    return jax.nn.softmax(out, axis=1)

if __name__ == "__main__":
    import jax
    _d = setup_inputs()
    print(jax.jit(kernel)(*tuple(_d.values())))

</pallas_src>

<mosaic_0001>
#map = affine_map<(d0, d1) -> (0, 0, 0)>
#map1 = affine_map<(d0, d1) -> (0)>
#map2 = affine_map<(d0, d1) -> (0, 0)>
module attributes {stable_mosaic.version = 14 : i64} {
  func.func @_sc_degree(%arg0: i32, %arg1: i32, %arg2: memref<2x2500x128xi32, #tpu.memory_space<hbm>>, %arg3: memref<10240xf32, #tpu.memory_space<hbm>>, %arg4: memref<2x10240xf32, #tpu.memory_space<hbm>>, %arg5: memref<82x128xi32, #tpu.memory_space<vmem>>, %arg6: memref<128xf32, #tpu.memory_space<vmem>>, %arg7: memref<10240xf32, #tpu.memory_space<vmem_shared>>) attributes {dimension_semantics = [#tpu.dimension_semantics<core_parallel>, #tpu.dimension_semantics<subcore_parallel>], iteration_bounds = array<i64: 2, 16>, scalar_prefetch = 0 : i64, scratch_operands = 3 : i64, tpu.core_type = #tpu.core_type<sc_vector_subcore>, window_params = [{transform_indices = #map}, {transform_indices = #map1}, {transform_indices = #map2}]} {
    %mul3A = arith.constant 16 : i32
    %mul3A_0 = arith.muli %arg0, %mul3A : i32
    %add3A = arith.addi %mul3A_0, %arg1 : i32
    %eq3A = arith.constant 31 : i32
    %eq3A_1 = arith.cmpi eq, %add3A, %eq3A : i32
    %jit3A = arith.constant 82 : i32
    %jit3A_2 = arith.constant 78 : i32
    %select_n3A = arith.select %eq3A_1, %jit3A, %jit3A_2 : i32
    %broadcast_in_dim3A = arith.constant 1.000000e+00 : f32
    %broadcast_in_dim3A_3 = vector.broadcast %broadcast_in_dim3A : f32 to vector<16xf32>
    %swap3A = arith.constant 0 : index
    %swap3A_4 = tpu.vector_load %arg6[%swap3A] {strides = array<i32>} : memref<128xf32, #tpu.memory_space<vmem>>, vector<16xf32>,
    %swap3A_5 = vector.shape_cast %swap3A_4 : vector<16xf32> to vector<16xf32>
    %swap3A_6 = vector.shape_cast %broadcast_in_dim3A_3 : vector<16xf32> to vector<16xf32>
    tpu.vector_store %arg6[%swap3A], %swap3A_6 {strides = array<i32>} : memref<128xf32, #tpu.memory_space<vmem>>, vector<16xf32>,
    %broadcast_in_dim3A_7 = arith.constant 1.000000e+00 : f32
    %broadcast_in_dim3A_8 = vector.broadcast %broadcast_in_dim3A_7 : f32 to vector<16xf32>
    %swap3A_9 = arith.constant 16 : index
    %swap3A_10 = tpu.vector_load %arg6[%swap3A_9] {strides = array<i32>} : memref<128xf32, #tpu.memory_space<vmem>>, vector<16xf32>,
    %swap3A_11 = vector.shape_cast %swap3A_10 : vector<16xf32> to vector<16xf32>
    %swap3A_12 = vector.shape_cast %broadcast_in_dim3A_8 : vector<16xf32> to vector<16xf32>
    tpu.vector_store %arg6[%swap3A_9], %swap3A_12 {strides = array<i32>} : memref<128xf32, #tpu.memory_space<vmem>>, vector<16xf32>,
    %broadcast_in_dim3A_13 = arith.constant 1.000000e+00 : f32
    %broadcast_in_dim3A_14 = vector.broadcast %broadcast_in_dim3A_13 : f32 to vector<16xf32>
    %swap3A_15 = arith.constant 32 : index
    %swap3A_16 = tpu.vector_load %arg6[%swap3A_15] {strides = array<i32>} : memref<128xf32, #tpu.memory_space<vmem>>, vector<16xf32>,
    %swap3A_17 = vector.shape_cast %swap3A_16 : vector<16xf32> to vector<16xf32>
    %swap3A_18 = vector.shape_cast %broadcast_in_dim3A_14 : vector<16xf32> to vector<16xf32>
    tpu.vector_store %arg6[%swap3A_15], %swap3A_18 {strides = array<i32>} : memref<128xf32, #tpu.memory_space<vmem>>, vector<16xf32>,
    %broadcast_in_dim3A_19 = arith.constant 1.000000e+00 : f32
    %broadcast_in_dim3A_20 = vector.broadcast %broadcast_in_dim3A_19 : f32 to vector<16xf32>
    %swap3A_21 = arith.constant 48 : index
    %swap3A_22 = tpu.vector_load %arg6[%swap3A_21] {strides = array<i32>} : memref<128xf32, #tpu.memory_space<vmem>>, vector<16xf32>,
    %swap3A_23 = vector.shape_cast %swap3A_22 : vector<16xf32> to vector<16xf32>
    %swap3A_24 = vector.shape_cast %broadcast_in_dim3A_20 : vector<16xf32> to vector<16xf32>
    tpu.vector_store %arg6[%swap3A_21], %swap3A_24 {strides = array<i32>} : memref<128xf32, #tpu.memory_space<vmem>>, vector<16xf32>,
    %broadcast_in_dim3A_25 = arith.constant 1.000000e+00 : f32
    %broadcast_in_dim3A_26 = vector.broadcast %broadcast_in_dim3A_25 : f32 to vector<16xf32>
    %swap3A_27 = arith.constant 64 : index
    %swap3A_28 = tpu.vector_load %arg6[%swap3A_27] {strides = array<i32>} : memref<128xf32, #tpu.memory_space<vmem>>, vector<16xf32>,
    %swap3A_29 = vector.shape_cast %swap3A_28 : vector<16xf32> to vector<16xf32>
    %swap3A_30 = vector.shape_cast %broadcast_in_dim3A_26 : vector<16xf32> to vector<16xf32>
    tpu.vector_store %arg6[%swap3A_27], %swap3A_30 {strides = array<i32>} : memref<128xf32, #tpu.memory_space<vmem>>, vector<16xf32>,
    %broadcast_in_dim3A_31 = arith.constant 1.000000e+00 : f32
    %broadcast_in_dim3A_32 = vector.broadcast %broadcast_in_dim3A_31 : f32 to vector<16xf32>
    %swap3A_33 = arith.constant 80 : index
    %swap3A_34 = tpu.vector_load %arg6[%swap3A_33] {strides = array<i32>} : memref<128xf32, #tpu.memory_space<vmem>>, vector<16xf32>,
    %swap3A_35 = vector.shape_cast %swap3A_34 : vector<16xf32> to vector<16xf32>
    %swap3A_36 = vector.shape_cast %broadcast_in_dim3A_32 : vector<16xf32> to vector<16xf32>
    tpu.vector_store %arg6[%swap3A_33], %swap3A_36 {strides = array<i32>} : memref<128xf32, #tpu.memory_space<vmem>>, vector<16xf32>,
    %broadcast_in_dim3A_37 = arith.constant 1.000000e+00 : f32
    %broadcast_in_dim3A_38 = vector.broadcast %broadcast_in_dim3A_37 : f32 to vector<16xf32>
    %swap3A_39 = arith.constant 96 : index
    %swap3A_40 = tpu.vector_load %arg6[%swap3A_39] {strides = array<i32>} : memref<128xf32, #tpu.memory_space<vmem>>, vector<16xf32>,
    %swap3A_41 = vector.shape_cast %swap3A_40 : vector<16xf32> to vector<16xf32>
    %swap3A_42 = vector.shape_cast %broadcast_in_dim3A_38 : vector<16xf32> to vector<16xf32>
    tpu.vector_store %arg6[%swap3A_39], %swap3A_42 {strides = array<i32>} : memref<128xf32, #tpu.memory_space<vmem>>, vector<16xf32>,
    %broadcast_in_dim3A_43 = arith.constant 1.000000e+00 : f32
    %broadcast_in_dim3A_44 = vector.broadcast %broadcast_in_dim3A_43 : f32 to vector<16xf32>
    %swap3A_45 = arith.constant 112 : index
    %swap3A_46 = tpu.vector_load %arg6[%swap3A_45] {strides = array<i32>} : memref<128xf32, #tpu.memory_space<vmem>>, vector<16xf32>,
    %swap3A_47 = vector.shape_cast %swap3A_46 : vector<16xf32> to vector<16xf32>
    %swap3A_48 = vector.shape_cast %broadcast_in_dim3A_44 : vector<16xf32> to vector<16xf32>
    tpu.vector_store %arg6[%swap3A_45], %swap3A_48 {strides = array<i32>} : memref<128xf32, #tpu.memory_space<vmem>>, vector<16xf32>,
    %mul3A_49 = arith.constant 640 : i32
    %mul3A_50 = arith.muli %arg1, %mul3A_49 : i32
    %mul3A_51 = arith.constant 640 : i32
    %mul3A_52 = arith.muli %arg1, %mul3A_51 : i32
    "tpu.region"() ({
      %run_scoped3A = tpu.sem_alloc : memref<!tpu.dma_semaphore, #tpu.memory_space<semaphore_mem>>
      %dma_start3A = tpu.memref_slice %arg7[%mul3A_52] : memref<10240xf32, #tpu.memory_space<vmem_shared>> -> memref<640xf32, #tpu.memory_space<vmem_shared>>
      %dma_start3A_74 = tpu.memref_slice %arg3[%mul3A_50] : memref<10240xf32, #tpu.memory_space<hbm>> -> memref<640xf32, #tpu.memory_space<hbm>>
      tpu.enqueue_dma source(%dma_start3A_74 : memref<640xf32, #tpu.memory_space<hbm>>) target(%dma_start3A : memref<640xf32, #tpu.memory_space<vmem_shared>>) target_semaphore(%run_scoped3A : memref<!tpu.dma_semaphore, #tpu.memory_space<semaphore_mem>>)
      %dma_wait3A = tpu.memref_slice %arg7[%mul3A_52] : memref<10240xf32, #tpu.memory_space<vmem_shared>> -> memref<640xf32, #tpu.memory_space<vmem_shared>>
      %dma_wait3A_75 = tpu.memref_slice %arg3[%mul3A_50] : memref<10240xf32, #tpu.memory_space<hbm>> -> memref<640xf32, #tpu.memory_space<hbm>>
      tpu.wait_dma2 semaphore(%run_scoped3A : memref<!tpu.dma_semaphore, #tpu.memory_space<semaphore_mem>>) src(%dma_wait3A_75 : memref<640xf32, #tpu.memory_space<hbm>>) dst(%dma_wait3A : memref<640xf32, #tpu.memory_space<vmem_shared>>)
      tpu.yield
    }) : () -> ()
    %eq3A_53 = arith.constant 31 : i32
    %eq3A_54 = arith.cmpi eq, %add3A, %eq3A_53 : i32
    %convert_element_type3A = arith.extui %eq3A_54 : i1 to i32
    %cond3A = arith.constant 0 : i32
    %cond3A_55 = arith.cmpi ne, %convert_element_type3A, %cond3A : i32
    scf.if %cond3A_55 {
      %mul3A_74 = arith.constant 78 : i32
      %mul3A_75 = arith.muli %add3A, %mul3A_74 : i32
      %run_scoped3A = arith.constant 1 : i32
      "tpu.region"() ({
        %run_scoped3A_76 = tpu.sem_alloc : memref<!tpu.dma_semaphore, #tpu.memory_space<semaphore_mem>>
        %dma_start3A = arith.constant 0 : i32
        %dma_start3A_77 = tpu.memref_slice %arg2[%run_scoped3A, %mul3A_75, %dma_start3A] : memref<2x2500x128xi32, #tpu.memory_space<hbm>> -> memref<1x82x128xi32, #tpu.memory_space<hbm>>
        %dma_start3A_78 = tpu.memref_squeeze %dma_start3A_77 : memref<1x82x128xi32, #tpu.memory_space<hbm>> -> memref<82x128xi32, #tpu.memory_space<hbm>>
        %dma_start3A_79 = arith.constant 0 : i32
        %dma_start3A_80 = tpu.memref_slice %arg2[%run_scoped3A, %mul3A_75, %dma_start3A_79] : memref<2x2500x128xi32, #tpu.memory_space<hbm>> -> memref<1x82x128xi32, #tpu.memory_space<hbm>>
        %dma_start3A_81 = tpu.memref_squeeze %dma_start3A_80 : memref<1x82x128xi32, #tpu.memory_space<hbm>> -> memref<82x128xi32, #tpu.memory_space<hbm>>
        tpu.enqueue_dma source(%dma_start3A_81 : memref<82x128xi32, #tpu.memory_space<hbm>>) target(%arg5 : memref<82x128xi32, #tpu.memory_space<vmem>>) target_semaphore(%run_scoped3A_76 : memref<!tpu.dma_semaphore, #tpu.memory_space<semaphore_mem>>)
        %dma_wait3A = arith.constant 0 : i32
        %dma_wait3A_82 = tpu.memref_slice %arg2[%run_scoped3A, %mul3A_75, %dma_wait3A] : memref<2x2500x128xi32, #tpu.memory_space<hbm>> -> memref<1x82x128xi32, #tpu.memory_space<hbm>>
        %dma_wait3A_83 = tpu.memref_squeeze %dma_wait3A_82 : memref<1x82x128xi32, #tpu.memory_space<hbm>> -> memref<82x128xi32, #tpu.memory_space<hbm>>
        %dma_wait3A_84 = arith.constant 0 : i32
        %dma_wait3A_85 = tpu.memref_slice %arg2[%run_scoped3A, %mul3A_75, %dma_wait3A_84] : memref<2x2500x128xi32, #tpu.memory_space<hbm>> -> memref<1x82x128xi32, #tpu.memory_space<hbm>>
        %dma_wait3A_86 = tpu.memref_squeeze %dma_wait3A_85 : memref<1x82x128xi32, #tpu.memory_space<hbm>> -> memref<82x128xi32, #tpu.memory_space<hbm>>
        tpu.wait_dma2 semaphore(%run_scoped3A_76 : memref<!tpu.dma_semaphore, #tpu.memory_space<semaphore_mem>>) src(%dma_wait3A_86 : memref<82x128xi32, #tpu.memory_space<hbm>>) dst(%arg5 : memref<82x128xi32, #tpu.memory_space<vmem>>)
        tpu.yield
      }) : () -> ()
    } else {
    }
    %ne3A = arith.constant 31 : i32
    %ne3A_56 = arith.cmpi ne, %add3A, %ne3A : i32
    %convert_element_type3A_57 = arith.extui %ne3A_56 : i1 to i32
    %cond3A_58 = arith.constant 0 : i32
    %cond3A_59 = arith.cmpi ne, %convert_element_type3A_57, %cond3A_58 : i32
    scf.if %cond3A_59 {
      %mul3A_74 = arith.constant 78 : i32
      %mul3A_75 = arith.muli %add3A, %mul3A_74 : i32
      %run_scoped3A = arith.constant 1 : i32
      "tpu.region"() ({
        %run_scoped3A_76 = tpu.sem_alloc : memref<!tpu.dma_semaphore, #tpu.memory_space<semaphore_mem>>
        %dma_start3A = arith.constant 0 : i32
        %dma_start3A_77 = arith.constant 0 : i32
        %dma_start3A_78 = tpu.memref_slice %arg5[%dma_start3A, %dma_start3A_77] : memref<82x128xi32, #tpu.memory_space<vmem>> -> memref<78x128xi32, #tpu.memory_space<vmem>>
        %dma_start3A_79 = arith.constant 0 : i32
        %dma_start3A_80 = tpu.memref_slice %arg2[%run_scoped3A, %mul3A_75, %dma_start3A_79] : memref<2x2500x128xi32, #tpu.memory_space<hbm>> -> memref<1x78x128xi32, #tpu.memory_space<hbm>>
        %dma_start3A_81 = tpu.memref_squeeze %dma_start3A_80 : memref<1x78x128xi32, #tpu.memory_space<hbm>> -> memref<78x128xi32, #tpu.memory_space<hbm>>
        %dma_start3A_82 = arith.constant 0 : i32
        %dma_start3A_83 = arith.constant 0 : i32
        %dma_start3A_84 = tpu.memref_slice %arg5[%dma_start3A_82, %dma_start3A_83] : memref<82x128xi32, #tpu.memory_space<vmem>> -> memref<78x128xi32, #tpu.memory_space<vmem>>
        %dma_start3A_85 = arith.constant 0 : i32
        %dma_start3A_86 = tpu.memref_slice %arg2[%run_scoped3A, %mul3A_75, %dma_start3A_85] : memref<2x2500x128xi32, #tpu.memory_space<hbm>> -> memref<1x78x128xi32, #tpu.memory_space<hbm>>
        %dma_start3A_87 = tpu.memref_squeeze %dma_start3A_86 : memref<1x78x128xi32, #tpu.memory_space<hbm>> -> memref<78x128xi32, #tpu.memory_space<hbm>>
        tpu.enqueue_dma source(%dma_start3A_87 : memref<78x128xi32, #tpu.memory_space<hbm>>) target(%dma_start3A_84 : memref<78x128xi32, #tpu.memory_space<vmem>>) target_semaphore(%run_scoped3A_76 : memref<!tpu.dma_semaphore, #tpu.memory_space<semaphore_mem>>)
        %dma_wait3A = arith.constant 0 : i32
        %dma_wait3A_88 = arith.constant 0 : i32
        %dma_wait3A_89 = tpu.memref_slice %arg5[%dma_wait3A, %dma_wait3A_88] : memref<82x128xi32, #tpu.memory_space<vmem>> -> memref<78x128xi32, #tpu.memory_space<vmem>>
        %dma_wait3A_90 = arith.constant 0 : i32
        %dma_wait3A_91 = tpu.memref_slice %arg2[%run_scoped3A, %mul3A_75, %dma_wait3A_90] : memref<2x2500x128xi32, #tpu.memory_space<hbm>> -> memref<1x78x128xi32, #tpu.memory_space<hbm>>
        %dma_wait3A_92 = tpu.memref_squeeze %dma_wait3A_91 : memref<1x78x128xi32, #tpu.memory_space<hbm>> -> memref<78x128xi32, #tpu.memory_space<hbm>>
        %dma_wait3A_93 = arith.constant 0 : i32
        %dma_wait3A_94 = arith.constant 0 : i32
        %dma_wait3A_95 = tpu.memref_slice %arg5[%dma_wait3A_93, %dma_wait3A_94] : memref<82x128xi32, #tpu.memory_space<vmem>> -> memref<78x128xi32, #tpu.memory_space<vmem>>
        %dma_wait3A_96 = arith.constant 0 : i32
        %dma_wait3A_97 = tpu.memref_slice %arg2[%run_scoped3A, %mul3A_75, %dma_wait3A_96] : memref<2x2500x128xi32, #tpu.memory_space<hbm>> -> memref<1x78x128xi32, #tpu.memory_space<hbm>>
        %dma_wait3A_98 = tpu.memref_squeeze %dma_wait3A_97 : memref<1x78x128xi32, #tpu.memory_space<hbm>> -> memref<78x128xi32, #tpu.memory_space<hbm>>
        tpu.wait_dma2 semaphore(%run_scoped3A_76 : memref<!tpu.dma_semaphore, #tpu.memory_space<semaphore_mem>>) src(%dma_wait3A_98 : memref<78x128xi32, #tpu.memory_space<hbm>>) dst(%dma_wait3A_95 : memref<78x128xi32, #tpu.memory_space<vmem>>)
        tpu.yield
      }) : () -> ()
    } else {
    }
    %barrier3A = arith.constant 0 : index
    tpu.barrier barrier_id(%barrier3A)
    %while3A = arith.constant 0 : i32
    %while3A_60 = arith.constant 0 : i32
    %while3A_61 = arith.subi %select_n3A, %while3A_60 : i32
    %while3A_62 = arith.addi %while3A_60, %while3A_61 : i32
    %while3A_63 = arith.constant 1 : i32
    %while3A_64 = arith.divsi %while3A_61, %while3A_63 : i32
    %while3A_65 = arith.muli %while3A_64, %while3A_63 : i32
    %while3A_66 = arith.addi %while3A_60, %while3A_65 : i32
    %while3A_67 = arith.constant 1 : i32
    scf.for %while3A_74 = %while3A_60 to %while3A_66 step %while3A_67  : i32 {
      "tpu.region"() ({
        %run_scoped3A = tpu.sem_alloc : memref<!tpu.dma_semaphore, #tpu.memory_space<semaphore_mem>>
        %dma_start3A = arith.constant 0 : i32
        %dma_start3A_75 = tpu.memref_slice %arg5[%while3A_74, %dma_start3A] : memref<82x128xi32, #tpu.memory_space<vmem>> -> memref<1x128xi32, #tpu.memory_space<vmem>>
        %dma_start3A_76 = tpu.memref_squeeze %dma_start3A_75 : memref<1x128xi32, #tpu.memory_space<vmem>> -> memref<128xi32, #tpu.memory_space<vmem>>
        %dma_start3A_77 = arith.constant 0 : i32
        %dma_start3A_78 = tpu.memref_slice %arg7[%dma_start3A_77] : memref<10240xf32, #tpu.memory_space<vmem_shared>> -> memref<10240xf32, #tpu.memory_space<vmem_shared>>
        tpu.enqueue_indirect_dma source(%arg6 : memref<128xf32, #tpu.memory_space<vmem>>) target(%dma_start3A_78 : memref<10240xf32, #tpu.memory_space<vmem_shared>>) offsets(%dma_start3A_76 : memref<128xi32, #tpu.memory_space<vmem>>) semaphore(%run_scoped3A : memref<!tpu.dma_semaphore, #tpu.memory_space<semaphore_mem>>) {add = true}
        %dma_wait3A = arith.constant 0 : i32
        %dma_wait3A_79 = tpu.memref_slice %arg5[%while3A_74, %dma_wait3A] : memref<82x128xi32, #tpu.memory_space<vmem>> -> memref<1x128xi32, #tpu.memory_space<vmem>>
        %dma_wait3A_80 = tpu.memref_squeeze %dma_wait3A_79 : memref<1x128xi32, #tpu.memory_space<vmem>> -> memref<128xi32, #tpu.memory_space<vmem>>
        %dma_wait3A_81 = arith.constant 0 : i32
        %dma_wait3A_82 = tpu.memref_slice %arg7[%dma_wait3A_81] : memref<10240xf32, #tpu.memory_space<vmem_shared>> -> memref<10240xf32, #tpu.memory_space<vmem_shared>>
        tpu.wait_indirect_dma semaphore(%run_scoped3A : memref<!tpu.dma_semaphore, #tpu.memory_space<semaphore_mem>>) src(%arg6 : memref<128xf32, #tpu.memory_space<vmem>>) dst(%dma_wait3A_82 : memref<10240xf32, #tpu.memory_space<vmem_shared>>)
        tpu.yield
      }) : () -> ()
    }
    %while3A_68 = arith.constant 1 : i32
    scf.for %while3A_74 = %while3A_66 to %while3A_62 step %while3A_68  : i32 {
      "tpu.region"() ({
        %run_scoped3A = tpu.sem_alloc : memref<!tpu.dma_semaphore, #tpu.memory_space<semaphore_mem>>
        %dma_start3A = arith.constant 0 : i32
        %dma_start3A_75 = tpu.memref_slice %arg5[%while3A_74, %dma_start3A] : memref<82x128xi32, #tpu.memory_space<vmem>> -> memref<1x128xi32, #tpu.memory_space<vmem>>
        %dma_start3A_76 = tpu.memref_squeeze %dma_start3A_75 : memref<1x128xi32, #tpu.memory_space<vmem>> -> memref<128xi32, #tpu.memory_space<vmem>>
        %dma_start3A_77 = arith.constant 0 : i32
        %dma_start3A_78 = tpu.memref_slice %arg7[%dma_start3A_77] : memref<10240xf32, #tpu.memory_space<vmem_shared>> -> memref<10240xf32, #tpu.memory_space<vmem_shared>>
        tpu.enqueue_indirect_dma source(%arg6 : memref<128xf32, #tpu.memory_space<vmem>>) target(%dma_start3A_78 : memref<10240xf32, #tpu.memory_space<vmem_shared>>) offsets(%dma_start3A_76 : memref<128xi32, #tpu.memory_space<vmem>>) semaphore(%run_scoped3A : memref<!tpu.dma_semaphore, #tpu.memory_space<semaphore_mem>>) {add = true}
        %dma_wait3A = arith.constant 0 : i32
        %dma_wait3A_79 = tpu.memref_slice %arg5[%while3A_74, %dma_wait3A] : memref<82x128xi32, #tpu.memory_space<vmem>> -> memref<1x128xi32, #tpu.memory_space<vmem>>
        %dma_wait3A_80 = tpu.memref_squeeze %dma_wait3A_79 : memref<1x128xi32, #tpu.memory_space<vmem>> -> memref<128xi32, #tpu.memory_space<vmem>>
        %dma_wait3A_81 = arith.constant 0 : i32
        %dma_wait3A_82 = tpu.memref_slice %arg7[%dma_wait3A_81] : memref<10240xf32, #tpu.memory_space<vmem_shared>> -> memref<10240xf32, #tpu.memory_space<vmem_shared>>
        tpu.wait_indirect_dma semaphore(%run_scoped3A : memref<!tpu.dma_semaphore, #tpu.memory_space<semaphore_mem>>) src(%arg6 : memref<128xf32, #tpu.memory_space<vmem>>) dst(%dma_wait3A_82 : memref<10240xf32, #tpu.memory_space<vmem_shared>>)
        tpu.yield
      }) : () -> ()
    }
    %barrier3A_69 = arith.constant 0 : index
    tpu.barrier barrier_id(%barrier3A_69)
    %mul3A_70 = arith.constant 640 : i32
    %mul3A_71 = arith.muli %arg1, %mul3A_70 : i32
    %mul3A_72 = arith.constant 640 : i32
    %mul3A_73 = arith.muli %arg1, %mul3A_72 : i32
    "tpu.region"() ({
      %run_scoped3A = tpu.sem_alloc : memref<!tpu.dma_semaphore, #tpu.memory_space<semaphore_mem>>
      %dma_start3A = tpu.memref_slice %arg4[%arg0, %mul3A_73] : memref<2x10240xf32, #tpu.memory_space<hbm>> -> memref<1x640xf32, #tpu.memory_space<hbm>>
      %dma_start3A_74 = tpu.memref_squeeze %dma_start3A : memref<1x640xf32, #tpu.memory_space<hbm>> -> memref<640xf32, #tpu.memory_space<hbm>>
      %dma_start3A_75 = tpu.memref_slice %arg7[%mul3A_71] : memref<10240xf32, #tpu.memory_space<vmem_shared>> -> memref<640xf32, #tpu.memory_space<vmem_shared>>
      tpu.enqueue_dma source(%dma_start3A_75 : memref<640xf32, #tpu.memory_space<vmem_shared>>) target(%dma_start3A_74 : memref<640xf32, #tpu.memory_space<hbm>>) target_semaphore(%run_scoped3A : memref<!tpu.dma_semaphore, #tpu.memory_space<semaphore_mem>>)
      %dma_wait3A = tpu.memref_slice %arg4[%arg0, %mul3A_73] : memref<2x10240xf32, #tpu.memory_space<hbm>> -> memref<1x640xf32, #tpu.memory_space<hbm>>
      %dma_wait3A_76 = tpu.memref_squeeze %dma_wait3A : memref<1x640xf32, #tpu.memory_space<hbm>> -> memref<640xf32, #tpu.memory_space<hbm>>
      %dma_wait3A_77 = tpu.memref_slice %arg7[%mul3A_71] : memref<10240xf32, #tpu.memory_space<vmem_shared>> -> memref<640xf32, #tpu.memory_space<vmem_shared>>
      tpu.wait_dma2 semaphore(%run_scoped3A : memref<!tpu.dma_semaphore, #tpu.memory_space<semaphore_mem>>) src(%dma_wait3A_77 : memref<640xf32, #tpu.memory_space<vmem_shared>>) dst(%dma_wait3A_76 : memref<640xf32, #tpu.memory_space<hbm>>)
      tpu.yield
    }) : () -> ()
    return
  }
}

#map = affine_map<(d0, d1) -> (0, 0, 0)>
module attributes {stable_mosaic.version = 14 : i64} {
  func.func @_sc_scatter(%arg0: i32, %arg1: i32, %arg2: memref<2x2500x128xi32, #tpu.memory_space<hbm>>, %arg3: memref<2x10240x64xf32, #tpu.memory_space<hbm>>, %arg4: memref<2x10240x64xf32, #tpu.memory_space<hbm>>, %arg5: memref<4x2x128xi32, #tpu.memory_space<vmem>>, %arg6: memref<3x128x64xf32, #tpu.memory_space<vmem>>, %arg7: memref<10240x64xf32, #tpu.memory_space<vmem_shared>>, %arg8: memref<10240x64xf32, #tpu.memory_space<vmem_shared>>, %arg9: memref<!tpu.dma_semaphore, #tpu.memory_space<semaphore_mem>>, %arg10: memref<!tpu.dma_semaphore, #tpu.memory_space<semaphore_mem>>, %arg11: memref<!tpu.dma_semaphore, #tpu.memory_space<semaphore_mem>>) attributes {dimension_semantics = [#tpu.dimension_semantics<core_parallel>, #tpu.dimension_semantics<subcore_parallel>], iteration_bounds = array<i64: 2, 16>, scalar_prefetch = 0 : i64, scratch_operands = 7 : i64, tpu.core_type = #tpu.core_type<sc_vector_subcore>, window_params = [{transform_indices = #map}, {transform_indices = #map}, {transform_indices = #map}]} {
    %mul3A = arith.constant 640 : i32
    %mul3A_0 = arith.muli %arg1, %mul3A : i32
    %mul3A_1 = arith.constant 156 : i32
    %mul3A_2 = arith.muli %arg1, %mul3A_1 : i32
    %eq3A = arith.constant 15 : i32
    %eq3A_3 = arith.cmpi eq, %arg1, %eq3A : i32
    %jit3A = arith.constant 160 : i32
    %jit3A_4 = arith.constant 156 : i32
    %select_n3A = arith.select %eq3A_3, %jit3A, %jit3A_4 : i32
    "tpu.region"() ({
      %run_scoped3A = tpu.sem_alloc : memref<!tpu.dma_semaphore, #tpu.memory_space<semaphore_mem>>
      %dma_start3A_159 = arith.constant 0 : i32
      %dma_start3A_160 = tpu.memref_slice %arg7[%mul3A_0, %dma_start3A_159] : memref<10240x64xf32, #tpu.memory_space<vmem_shared>> -> memref<640x64xf32, #tpu.memory_space<vmem_shared>>
      %dma_start3A_161 = arith.constant 0 : i32
      %dma_start3A_162 = tpu.memref_slice %arg3[%arg0, %mul3A_0, %dma_start3A_161] : memref<2x10240x64xf32, #tpu.memory_space<hbm>> -> memref<1x640x64xf32, #tpu.memory_space<hbm>>
      %dma_start3A_163 = tpu.memref_squeeze %dma_start3A_162 : memref<1x640x64xf32, #tpu.memory_space<hbm>> -> memref<640x64xf32, #tpu.memory_space<hbm>>
      tpu.enqueue_dma source(%dma_start3A_163 : memref<640x64xf32, #tpu.memory_space<hbm>>) target(%dma_start3A_160 : memref<640x64xf32, #tpu.memory_space<vmem_shared>>) target_semaphore(%run_scoped3A : memref<!tpu.dma_semaphore, #tpu.memory_space<semaphore_mem>>)
      %dma_wait3A_164 = arith.constant 0 : i32
      %dma_wait3A_165 = tpu.memref_slice %arg7[%mul3A_0, %dma_wait3A_164] : memref<10240x64xf32, #tpu.memory_space<vmem_shared>> -> memref<640x64xf32, #tpu.memory_space<vmem_shared>>
      %dma_wait3A_166 = arith.constant 0 : i32
      %dma_wait3A_167 = tpu.memref_slice %arg3[%arg0, %mul3A_0, %dma_wait3A_166] : memref<2x10240x64xf32, #tpu.memory_space<hbm>> -> memref<1x640x64xf32, #tpu.memory_space<hbm>>
      %dma_wait3A_168 = tpu.memref_squeeze %dma_wait3A_167 : memref<1x640x64xf32, #tpu.memory_space<hbm>> -> memref<640x64xf32, #tpu.memory_space<hbm>>
      tpu.wait_dma2 semaphore(%run_scoped3A : memref<!tpu.dma_semaphore, #tpu.memory_space<semaphore_mem>>) src(%dma_wait3A_168 : memref<640x64xf32, #tpu.memory_space<hbm>>) dst(%dma_wait3A_165 : memref<640x64xf32, #tpu.memory_space<vmem_shared>>)
      tpu.yield
    }) : () -> ()
    "tpu.region"() ({
      %run_scoped3A = tpu.sem_alloc : memref<!tpu.dma_semaphore, #tpu.memory_space<semaphore_mem>>
      %dma_start3A_159 = arith.constant 0 : i32
      %dma_start3A_160 = tpu.memref_slice %arg8[%mul3A_0, %dma_start3A_159] : memref<10240x64xf32, #tpu.memory_space<vmem_shared>> -> memref<640x64xf32, #tpu.memory_space<vmem_shared>>
      %dma_start3A_161 = arith.constant 0 : i32
      %dma_start3A_162 = tpu.memref_slice %arg3[%arg0, %mul3A_0, %dma_start3A_161] : memref<2x10240x64xf32, #tpu.memory_space<hbm>> -> memref<1x640x64xf32, #tpu.memory_space<hbm>>
      %dma_start3A_163 = tpu.memref_squeeze %dma_start3A_162 : memref<1x640x64xf32, #tpu.memory_space<hbm>> -> memref<640x64xf32, #tpu.memory_space<hbm>>
      tpu.enqueue_dma source(%dma_start3A_163 : memref<640x64xf32, #tpu.memory_space<hbm>>) target(%dma_start3A_160 : memref<640x64xf32, #tpu.memory_space<vmem_shared>>) target_semaphore(%run_scoped3A : memref<!tpu.dma_semaphore, #tpu.memory_space<semaphore_mem>>)
      %dma_wait3A_164 = arith.constant 0 : i32
      %dma_wait3A_165 = tpu.memref_slice %arg8[%mul3A_0, %dma_wait3A_164] : memref<10240x64xf32, #tpu.memory_space<vmem_shared>> -> memref<640x64xf32, #tpu.memory_space<vmem_shared>>
      %dma_wait3A_166 = arith.constant 0 : i32
      %dma_wait3A_167 = tpu.memref_slice %arg3[%arg0, %mul3A_0, %dma_wait3A_166] : memref<2x10240x64xf32, #tpu.memory_space<hbm>> -> memref<1x640x64xf32, #tpu.memory_space<hbm>>
      %dma_wait3A_168 = tpu.memref_squeeze %dma_wait3A_167 : memref<1x640x64xf32, #tpu.memory_space<hbm>> -> memref<640x64xf32, #tpu.memory_space<hbm>>
      tpu.wait_dma2 semaphore(%run_scoped3A : memref<!tpu.dma_semaphore, #tpu.memory_space<semaphore_mem>>) src(%dma_wait3A_168 : memref<640x64xf32, #tpu.memory_space<hbm>>) dst(%dma_wait3A_165 : memref<640x64xf32, #tpu.memory_space<vmem_shared>>)
      tpu.yield
    }) : () -> ()
    %add3A = arith.constant 0 : i32
    %add3A_5 = arith.addi %mul3A_2, %add3A : i32
    %add3A_6 = arith.constant 0 : i32
    %add3A_7 = arith.addi %mul3A_2, %add3A_6 : i32
    %dma_start3A = arith.constant 0 : i32
    %dma_start3A_8 = arith.constant 0 : i32
    %dma_start3A_9 = arith.constant 0 : i32
    %dma_start3A_10 = arith.constant 0 : i32
    %dma_start3A_11 = tpu.memref_slice %arg5[%dma_start3A_8, %dma_start3A_9, %dma_start3A_10] : memref<4x2x128xi32, #tpu.memory_space<vmem>> -> memref<1x1x128xi32, #tpu.memory_space<vmem>>
    %dma_start3A_12 = tpu.memref_squeeze %dma_start3A_11 : memref<1x1x128xi32, #tpu.memory_space<vmem>> -> memref<128xi32, #tpu.memory_space<vmem>>
    %dma_start3A_13 = arith.constant 0 : i32
    %dma_start3A_14 = tpu.memref_slice %arg2[%dma_start3A, %add3A_5, %dma_start3A_13] : memref<2x2500x128xi32, #tpu.memory_space<hbm>> -> memref<1x1x128xi32, #tpu.memory_space<hbm>>
    %dma_start3A_15 = tpu.memref_squeeze %dma_start3A_14 : memref<1x1x128xi32, #tpu.memory_space<hbm>> -> memref<128xi32, #tpu.memory_space<hbm>>
    %dma_start3A_16 = arith.constant 0 : i32
    %dma_start3A_17 = tpu.memref_slice %arg5[%dma_start3A_8, %dma_start3A_9, %dma_start3A_16] : memref<4x2x128xi32, #tpu.memory_space<vmem>> -> memref<1x1x128xi32, #tpu.memory_space<vmem>>
    %dma_start3A_18 = tpu.memref_squeeze %dma_start3A_17 : memref<1x1x128xi32, #tpu.memory_space<vmem>> -> memref<128xi32, #tpu.memory_space<vmem>>
    %dma_start3A_19 = arith.constant 0 : i32
    %dma_start3A_20 = tpu.memref_slice %arg2[%dma_start3A, %add3A_5, %dma_start3A_19] : memref<2x2500x128xi32, #tpu.memory_space<hbm>> -> memref<1x1x128xi32, #tpu.memory_space<hbm>>
    %dma_start3A_21 = tpu.memref_squeeze %dma_start3A_20 : memref<1x1x128xi32, #tpu.memory_space<hbm>> -> memref<128xi32, #tpu.memory_space<hbm>>
    tpu.enqueue_dma source(%dma_start3A_21 : memref<128xi32, #tpu.memory_space<hbm>>) target(%dma_start3A_18 : memref<128xi32, #tpu.memory_space<vmem>>) target_semaphore(%arg9 : memref<!tpu.dma_semaphore, #tpu.memory_space<semaphore_mem>>)
    %dma_start3A_22 = arith.constant 1 : i32
    %dma_start3A_23 = arith.constant 0 : i32
    %dma_start3A_24 = arith.constant 1 : i32
    %dma_start3A_25 = arith.constant 0 : i32
    %dma_start3A_26 = tpu.memref_slice %arg5[%dma_start3A_23, %dma_start3A_24, %dma_start3A_25] : memref<4x2x128xi32, #tpu.memory_space<vmem>> -> memref<1x1x128xi32, #tpu.memory_space<vmem>>
    %dma_start3A_27 = tpu.memref_squeeze %dma_start3A_26 : memref<1x1x128xi32, #tpu.memory_space<vmem>> -> memref<128xi32, #tpu.memory_space<vmem>>
    %dma_start3A_28 = arith.constant 0 : i32
    %dma_start3A_29 = tpu.memref_slice %arg2[%dma_start3A_22, %add3A_7, %dma_start3A_28] : memref<2x2500x128xi32, #tpu.memory_space<hbm>> -> memref<1x1x128xi32, #tpu.memory_space<hbm>>
    %dma_start3A_30 = tpu.memref_squeeze %dma_start3A_29 : memref<1x1x128xi32, #tpu.memory_space<hbm>> -> memref<128xi32, #tpu.memory_space<hbm>>
    %dma_start3A_31 = arith.constant 0 : i32
    %dma_start3A_32 = tpu.memref_slice %arg5[%dma_start3A_23, %dma_start3A_24, %dma_start3A_31] : memref<4x2x128xi32, #tpu.memory_space<vmem>> -> memref<1x1x128xi32, #tpu.memory_space<vmem>>
    %dma_start3A_33 = tpu.memref_squeeze %dma_start3A_32 : memref<1x1x128xi32, #tpu.memory_space<vmem>> -> memref<128xi32, #tpu.memory_space<vmem>>
    %dma_start3A_34 = arith.constant 0 : i32
    %dma_start3A_35 = tpu.memref_slice %arg2[%dma_start3A_22, %add3A_7, %dma_start3A_34] : memref<2x2500x128xi32, #tpu.memory_space<hbm>> -> memref<1x1x128xi32, #tpu.memory_space<hbm>>
    %dma_start3A_36 = tpu.memref_squeeze %dma_start3A_35 : memref<1x1x128xi32, #tpu.memory_space<hbm>> -> memref<128xi32, #tpu.memory_space<hbm>>
    tpu.enqueue_dma source(%dma_start3A_36 : memref<128xi32, #tpu.memory_space<hbm>>) target(%dma_start3A_33 : memref<128xi32, #tpu.memory_space<vmem>>) target_semaphore(%arg9 : memref<!tpu.dma_semaphore, #tpu.memory_space<semaphore_mem>>)
    %dma_wait3A = arith.constant 0 : i32
    %dma_wait3A_37 = arith.constant 0 : i32
    %dma_wait3A_38 = arith.constant 0 : i32
    %dma_wait3A_39 = arith.constant 0 : i32
    %dma_wait3A_40 = tpu.memref_slice %arg5[%dma_wait3A_37, %dma_wait3A_38, %dma_wait3A_39] : memref<4x2x128xi32, #tpu.memory_space<vmem>> -> memref<1x1x128xi32, #tpu.memory_space<vmem>>
    %dma_wait3A_41 = tpu.memref_squeeze %dma_wait3A_40 : memref<1x1x128xi32, #tpu.memory_space<vmem>> -> memref<128xi32, #tpu.memory_space<vmem>>
    %dma_wait3A_42 = arith.constant 0 : i32
    %dma_wait3A_43 = tpu.memref_slice %arg2[%dma_wait3A, %add3A_5, %dma_wait3A_42] : memref<2x2500x128xi32, #tpu.memory_space<hbm>> -> memref<1x1x128xi32, #tpu.memory_space<hbm>>
    %dma_wait3A_44 = tpu.memref_squeeze %dma_wait3A_43 : memref<1x1x128xi32, #tpu.memory_space<hbm>> -> memref<128xi32, #tpu.memory_space<hbm>>
    %dma_wait3A_45 = arith.constant 0 : i32
    %dma_wait3A_46 = tpu.memref_slice %arg5[%dma_wait3A_37, %dma_wait3A_38, %dma_wait3A_45] : memref<4x2x128xi32, #tpu.memory_space<vmem>> -> memref<1x1x128xi32, #tpu.memory_space<vmem>>
    %dma_wait3A_47 = tpu.memref_squeeze %dma_wait3A_46 : memref<1x1x128xi32, #tpu.memory_space<vmem>> -> memref<128xi32, #tpu.memory_space<vmem>>
    %dma_wait3A_48 = arith.constant 0 : i32
    %dma_wait3A_49 = tpu.memref_slice %arg2[%dma_wait3A, %add3A_5, %dma_wait3A_48] : memref<2x2500x128xi32, #tpu.memory_space<hbm>> -> memref<1x1x128xi32, #tpu.memory_space<hbm>>
    %dma_wait3A_50 = tpu.memref_squeeze %dma_wait3A_49 : memref<1x1x128xi32, #tpu.memory_space<hbm>> -> memref<128xi32, #tpu.memory_space<hbm>>
    tpu.wait_dma2 semaphore(%arg9 : memref<!tpu.dma_semaphore, #tpu.memory_space<semaphore_mem>>) src(%dma_wait3A_50 : memref<128xi32, #tpu.memory_space<hbm>>) dst(%dma_wait3A_47 : memref<128xi32, #tpu.memory_space<vmem>>)
    %dma_wait3A_51 = arith.constant 1 : i32
    %dma_wait3A_52 = arith.constant 0 : i32
    %dma_wait3A_53 = arith.constant 1 : i32
    %dma_wait3A_54 = arith.constant 0 : i32
    %dma_wait3A_55 = tpu.memref_slice %arg5[%dma_wait3A_52, %dma_wait3A_53, %dma_wait3A_54] : memref<4x2x128xi32, #tpu.memory_space<vmem>> -> memref<1x1x128xi32, #tpu.memory_space<vmem>>
    %dma_wait3A_56 = tpu.memref_squeeze %dma_wait3A_55 : memref<1x1x128xi32, #tpu.memory_space<vmem>> -> memref<128xi32, #tpu.memory_space<vmem>>
    %dma_wait3A_57 = arith.constant 0 : i32
    %dma_wait3A_58 = tpu.memref_slice %arg2[%dma_wait3A_51, %add3A_7, %dma_wait3A_57] : memref<2x2500x128xi32, #tpu.memory_space<hbm>> -> memref<1x1x128xi32, #tpu.memory_space<hbm>>
    %dma_wait3A_59 = tpu.memref_squeeze %dma_wait3A_58 : memref<1x1x128xi32, #tpu.memory_space<hbm>> -> memref<128xi32, #tpu.memory_space<hbm>>
    %dma_wait3A_60 = arith.constant 0 : i32
    %dma_wait3A_61 = tpu.memref_slice %arg5[%dma_wait3A_52, %dma_wait3A_53, %dma_wait3A_60] : memref<4x2x128xi32, #tpu.memory_space<vmem>> -> memref<1x1x128xi32, #tpu.memory_space<vmem>>
    %dma_wait3A_62 = tpu.memref_squeeze %dma_wait3A_61 : memref<1x1x128xi32, #tpu.memory_space<vmem>> -> memref<128xi32, #tpu.memory_space<vmem>>
    %dma_wait3A_63 = arith.constant 0 : i32
    %dma_wait3A_64 = tpu.memref_slice %arg2[%dma_wait3A_51, %add3A_7, %dma_wait3A_63] : memref<2x2500x128xi32, #tpu.memory_space<hbm>> -> memref<1x1x128xi32, #tpu.memory_space<hbm>>
    %dma_wait3A_65 = tpu.memref_squeeze %dma_wait3A_64 : memref<1x1x128xi32, #tpu.memory_space<hbm>> -> memref<128xi32, #tpu.memory_space<hbm>>
    tpu.wait_dma2 semaphore(%arg9 : memref<!tpu.dma_semaphore, #tpu.memory_space<semaphore_mem>>) src(%dma_wait3A_65 : memref<128xi32, #tpu.memory_space<hbm>>) dst(%dma_wait3A_62 : memref<128xi32, #tpu.memory_space<vmem>>)
    %barrier3A = arith.constant 0 : index
    tpu.barrier barrier_id(%barrier3A)
    %dma_start3A_66 = arith.constant 0 : i32
    %dma_start3A_67 = arith.constant 0 : i32
    %dma_start3A_68 = arith.constant 0 : i32
    %dma_start3A_69 = arith.constant 0 : i32
    %dma_start3A_70 = arith.constant 0 : i32
    %dma_start3A_71 = tpu.memref_slice %arg6[%dma_start3A_68, %dma_start3A_69, %dma_start3A_70] : memref<3x128x64xf32, #tpu.memory_space<vmem>> -> memref<1x128x64xf32, #tpu.memory_space<vmem>>
    %dma_start3A_72 = tpu.memref_squeeze %dma_start3A_71 : memref<1x128x64xf32, #tpu.memory_space<vmem>> -> memref<128x64xf32, #tpu.memory_space<vmem>>
    %dma_start3A_73 = arith.constant 0 : i32
    %dma_start3A_74 = tpu.memref_slice %arg5[%dma_start3A_66, %dma_start3A_67, %dma_start3A_73] : memref<4x2x128xi32, #tpu.memory_space<vmem>> -> memref<1x1x128xi32, #tpu.memory_space<vmem>>
    %dma_start3A_75 = tpu.memref_squeeze %dma_start3A_74 : memref<1x1x128xi32, #tpu.memory_space<vmem>> -> memref<128xi32, #tpu.memory_space<vmem>>
    %dma_start3A_76 = arith.constant 0 : i32
    %dma_start3A_77 = arith.constant 0 : i32
    %dma_start3A_78 = tpu.memref_slice %arg7[%dma_start3A_76, %dma_start3A_77] : memref<10240x64xf32, #tpu.memory_space<vmem_shared>> -> memref<10240x64xf32, #tpu.memory_space<vmem_shared>>
    tpu.enqueue_indirect_dma source(%dma_start3A_78 : memref<10240x64xf32, #tpu.memory_space<vmem_shared>>) target(%dma_start3A_72 : memref<128x64xf32, #tpu.memory_space<vmem>>) offsets(%dma_start3A_75 : memref<128xi32, #tpu.memory_space<vmem>>) semaphore(%arg10 : memref<!tpu.dma_semaphore, #tpu.memory_space<semaphore_mem>>)
    %add3A_79 = arith.constant 1 : i32
    %add3A_80 = arith.addi %mul3A_2, %add3A_79 : i32
    %add3A_81 = arith.constant 1 : i32
    %add3A_82 = arith.addi %mul3A_2, %add3A_81 : i32
    %dma_start3A_83 = arith.constant 0 : i32
    %dma_start3A_84 = arith.constant 1 : i32
    %dma_start3A_85 = arith.constant 0 : i32
    %dma_start3A_86 = arith.constant 0 : i32
    %dma_start3A_87 = tpu.memref_slice %arg5[%dma_start3A_84, %dma_start3A_85, %dma_start3A_86] : memref<4x2x128xi32, #tpu.memory_space<vmem>> -> memref<1x1x128xi32, #tpu.memory_space<vmem>>
    %dma_start3A_88 = tpu.memref_squeeze %dma_start3A_87 : memref<1x1x128xi32, #tpu.memory_space<vmem>> -> memref<128xi32, #tpu.memory_space<vmem>>
    %dma_start3A_89 = arith.constant 0 : i32
    %dma_start3A_90 = tpu.memref_slice %arg2[%dma_start3A_83, %add3A_80, %dma_start3A_89] : memref<2x2500x128xi32, #tpu.memory_space<hbm>> -> memref<1x1x128xi32, #tpu.memory_space<hbm>>
    %dma_start3A_91 = tpu.memref_squeeze %dma_start3A_90 : memref<1x1x128xi32, #tpu.memory_space<hbm>> -> memref<128xi32, #tpu.memory_space<hbm>>
    %dma_start3A_92 = arith.constant 0 : i32
    %dma_start3A_93 = tpu.memref_slice %arg5[%dma_start3A_84, %dma_start3A_85, %dma_start3A_92] : memref<4x2x128xi32, #tpu.memory_space<vmem>> -> memref<1x1x128xi32, #tpu.memory_space<vmem>>
    %dma_start3A_94 = tpu.memref_squeeze %dma_start3A_93 : memref<1x1x128xi32, #tpu.memory_space<vmem>> -> memref<128xi32, #tpu.memory_space<vmem>>
    %dma_start3A_95 = arith.constant 0 : i32
    %dma_start3A_96 = tpu.memref_slice %arg2[%dma_start3A_83, %add3A_80, %dma_start3A_95] : memref<2x2500x128xi32, #tpu.memory_space<hbm>> -> memref<1x1x128xi32, #tpu.memory_space<hbm>>
    %dma_start3A_97 = tpu.memref_squeeze %dma_start3A_96 : memref<1x1x128xi32, #tpu.memory_space<hbm>> -> memref<128xi32, #tpu.memory_space<hbm>>
    tpu.enqueue_dma source(%dma_start3A_97 : memref<128xi32, #tpu.memory_space<hbm>>) target(%dma_start3A_94 : memref<128xi32, #tpu.memory_space<vmem>>) target_semaphore(%arg9 : memref<!tpu.dma_semaphore, #tpu.memory_space<semaphore_mem>>)
    %dma_start3A_98 = arith.constant 1 : i32
    %dma_start3A_99 = arith.constant 1 : i32
    %dma_start3A_100 = arith.constant 1 : i32
    %dma_start3A_101 = arith.constant 0 : i32
    %dma_start3A_102 = tpu.memref_slice %arg5[%dma_start3A_99, %dma_start3A_100, %dma_start3A_101] : memref<4x2x128xi32, #tpu.memory_space<vmem>> -> memref<1x1x128xi32, #tpu.memory_space<vmem>>
    %dma_start3A_103 = tpu.memref_squeeze %dma_start3A_102 : memref<1x1x128xi32, #tpu.memory_space<vmem>> -> memref<128xi32, #tpu.memory_space<vmem>>
    %dma_start3A_104 = arith.constant 0 : i32
    %dma_start3A_105 = tpu.memref_slice %arg2[%dma_start3A_98, %add3A_82, %dma_start3A_104] : memref<2x2500x128xi32, #tpu.memory_space<hbm>> -> memref<1x1x128xi32, #tpu.memory_space<hbm>>
    %dma_start3A_106 = tpu.memref_squeeze %dma_start3A_105 : memref<1x1x128xi32, #tpu.memory_space<hbm>> -> memref<128xi32, #tpu.memory_space<hbm>>
    %dma_start3A_107 = arith.constant 0 : i32
    %dma_start3A_108 = tpu.memref_slice %arg5[%dma_start3A_99, %dma_start3A_100, %dma_start3A_107] : memref<4x2x128xi32, #tpu.memory_space<vmem>> -> memref<1x1x128xi32, #tpu.memory_space<vmem>>
    %dma_start3A_109 = tpu.memref_squeeze %dma_start3A_108 : memref<1x1x128xi32, #tpu.memory_space<vmem>> -> memref<128xi32, #tpu.memory_space<vmem>>
    %dma_start3A_110 = arith.constant 0 : i32
    %dma_start3A_111 = tpu.memref_slice %arg2[%dma_start3A_98, %add3A_82, %dma_start3A_110] : memref<2x2500x128xi32, #tpu.memory_space<hbm>> -> memref<1x1x128xi32, #tpu.memory_space<hbm>>
    %dma_start3A_112 = tpu.memref_squeeze %dma_start3A_111 : memref<1x1x128xi32, #tpu.memory_space<hbm>> -> memref<128xi32, #tpu.memory_space<hbm>>
    tpu.enqueue_dma source(%dma_start3A_112 : memref<128xi32, #tpu.memory_space<hbm>>) target(%dma_start3A_109 : memref<128xi32, #tpu.memory_space<vmem>>) target_semaphore(%arg9 : memref<!tpu.dma_semaphore, #tpu.memory_space<semaphore_mem>>)
    %while3A = arith.constant 0 : i32
    %while3A_113 = arith.constant 0 : i32
    %while3A_114 = arith.subi %select_n3A, %while3A_113 : i32
    %while3A_115 = arith.addi %while3A_113, %while3A_114 : i32
    %while3A_116 = arith.constant 1 : i32
    %while3A_117 = arith.divsi %while3A_114, %while3A_116 : i32
    %while3A_118 = arith.muli %while3A_117, %while3A_116 : i32
    %while3A_119 = arith.addi %while3A_113, %while3A_118 : i32
    %while3A_120 = arith.constant 1 : i32
    scf.for %while3A_159 = %while3A_113 to %while3A_119 step %while3A_120  : i32 {
      %rem3A_160 = arith.constant 3 : i32
      %rem3A_161 = arith.remsi %while3A_159, %rem3A_160 : i32
      %rem3A_162 = arith.constant 4 : i32
      %rem3A_163 = arith.remsi %while3A_159, %rem3A_162 : i32
      %dma_wait3A_164 = arith.constant 0 : i32
      %dma_wait3A_165 = arith.constant 0 : i32
      %dma_wait3A_166 = arith.constant 0 : i32
      %dma_wait3A_167 = tpu.memref_slice %arg6[%rem3A_161, %dma_wait3A_165, %dma_wait3A_166] : memref<3x128x64xf32, #tpu.memory_space<vmem>> -> memref<1x128x64xf32, #tpu.memory_space<vmem>>
      %dma_wait3A_168 = tpu.memref_squeeze %dma_wait3A_167 : memref<1x128x64xf32, #tpu.memory_space<vmem>> -> memref<128x64xf32, #tpu.memory_space<vmem>>
      %dma_wait3A_169 = arith.constant 0 : i32
      %dma_wait3A_170 = tpu.memref_slice %arg5[%rem3A_163, %dma_wait3A_164, %dma_wait3A_169] : memref<4x2x128xi32, #tpu.memory_space<vmem>> -> memref<1x1x128xi32, #tpu.memory_space<vmem>>
      %dma_wait3A_171 = tpu.memref_squeeze %dma_wait3A_170 : memref<1x1x128xi32, #tpu.memory_space<vmem>> -> memref<128xi32, #tpu.memory_space<vmem>>
      %dma_wait3A_172 = arith.constant 0 : i32
      %dma_wait3A_173 = arith.constant 0 : i32
      %dma_wait3A_174 = tpu.memref_slice %arg7[%dma_wait3A_172, %dma_wait3A_173] : memref<10240x64xf32, #tpu.memory_space<vmem_shared>> -> memref<10240x64xf32, #tpu.memory_space<vmem_shared>>
      tpu.wait_indirect_dma semaphore(%arg10 : memref<!tpu.dma_semaphore, #tpu.memory_space<semaphore_mem>>) src(%dma_wait3A_174 : memref<10240x64xf32, #tpu.memory_space<vmem_shared>>) dst(%dma_wait3A_168 : memref<128x64xf32, #tpu.memory_space<vmem>>)
      %dma_start3A_175 = arith.constant 1 : i32
      %dma_start3A_176 = arith.constant 0 : i32
      %dma_start3A_177 = arith.constant 0 : i32
      %dma_start3A_178 = tpu.memref_slice %arg6[%rem3A_161, %dma_start3A_176, %dma_start3A_177] : memref<3x128x64xf32, #tpu.memory_space<vmem>> -> memref<1x128x64xf32, #tpu.memory_space<vmem>>
      %dma_start3A_179 = tpu.memref_squeeze %dma_start3A_178 : memref<1x128x64xf32, #tpu.memory_space<vmem>> -> memref<128x64xf32, #tpu.memory_space<vmem>>
      %dma_start3A_180 = arith.constant 0 : i32
      %dma_start3A_181 = tpu.memref_slice %arg5[%rem3A_163, %dma_start3A_175, %dma_start3A_180] : memref<4x2x128xi32, #tpu.memory_space<vmem>> -> memref<1x1x128xi32, #tpu.memory_space<vmem>>
      %dma_start3A_182 = tpu.memref_squeeze %dma_start3A_181 : memref<1x1x128xi32, #tpu.memory_space<vmem>> -> memref<128xi32, #tpu.memory_space<vmem>>
      %dma_start3A_183 = arith.constant 0 : i32
      %dma_start3A_184 = arith.constant 0 : i32
      %dma_start3A_185 = tpu.memref_slice %arg8[%dma_start3A_183, %dma_start3A_184] : memref<10240x64xf32, #tpu.memory_space<vmem_shared>> -> memref<10240x64xf32, #tpu.memory_space<vmem_shared>>
      tpu.enqueue_indirect_dma source(%dma_start3A_179 : memref<128x64xf32, #tpu.memory_space<vmem>>) target(%dma_start3A_185 : memref<10240x64xf32, #tpu.memory_space<vmem_shared>>) offsets(%dma_start3A_182 : memref<128xi32, #tpu.memory_space<vmem>>) semaphore(%arg11 : memref<!tpu.dma_semaphore, #tpu.memory_space<semaphore_mem>>) {add = true}
      %ge3A = arith.constant 2 : i32
      %ge3A_186 = arith.cmpi sge, %while3A_159, %ge3A : i32
      %convert_element_type3A = arith.extui %ge3A_186 : i1 to i32
      %cond3A = arith.constant 0 : i32
      %cond3A_187 = arith.cmpi ne, %convert_element_type3A, %cond3A : i32
      scf.if %cond3A_187 {
        %add3A_199 = arith.constant 1 : i32
        %add3A_200 = arith.addi %while3A_159, %add3A_199 : i32
        %rem3A_201 = arith.constant 3 : i32
        %rem3A_202 = arith.remsi %add3A_200, %rem3A_201 : i32
        %add3A_203 = arith.constant 2 : i32
        %add3A_204 = arith.addi %while3A_159, %add3A_203 : i32
        %rem3A_205 = arith.constant 4 : i32
        %rem3A_206 = arith.remsi %add3A_204, %rem3A_205 : i32
        %dma_wait3A_207 = arith.constant 1 : i32
        %dma_wait3A_208 = arith.constant 0 : i32
        %dma_wait3A_209 = arith.constant 0 : i32
        %dma_wait3A_210 = tpu.memref_slice %arg6[%rem3A_202, %dma_wait3A_208, %dma_wait3A_209] : memref<3x128x64xf32, #tpu.memory_space<vmem>> -> memref<1x128x64xf32, #tpu.memory_space<vmem>>
        %dma_wait3A_211 = tpu.memref_squeeze %dma_wait3A_210 : memref<1x128x64xf32, #tpu.memory_space<vmem>> -> memref<128x64xf32, #tpu.memory_space<vmem>>
        %dma_wait3A_212 = arith.constant 0 : i32
        %dma_wait3A_213 = tpu.memref_slice %arg5[%rem3A_206, %dma_wait3A_207, %dma_wait3A_212] : memref<4x2x128xi32, #tpu.memory_space<vmem>> -> memref<1x1x128xi32, #tpu.memory_space<vmem>>
        %dma_wait3A_214 = tpu.memref_squeeze %dma_wait3A_213 : memref<1x1x128xi32, #tpu.memory_space<vmem>> -> memref<128xi32, #tpu.memory_space<vmem>>
        %dma_wait3A_215 = arith.constant 0 : i32
        %dma_wait3A_216 = arith.constant 0 : i32
        %dma_wait3A_217 = tpu.memref_slice %arg8[%dma_wait3A_215, %dma_wait3A_216] : memref<10240x64xf32, #tpu.memory_space<vmem_shared>> -> memref<10240x64xf32, #tpu.memory_space<vmem_shared>>
        tpu.wait_indirect_dma semaphore(%arg11 : memref<!tpu.dma_semaphore, #tpu.memory_space<semaphore_mem>>) src(%dma_wait3A_211 : memref<128x64xf32, #tpu.memory_space<vmem>>) dst(%dma_wait3A_217 : memref<10240x64xf32, #tpu.memory_space<vmem_shared>>)
      } else {
      }
      %add3A_188 = arith.constant 1 : i32
      %add3A_189 = arith.addi %while3A_159, %add3A_188 : i32
      %lt3A = arith.cmpi slt, %add3A_189, %select_n3A : i32
      %convert_element_type3A_190 = arith.extui %lt3A : i1 to i32
      %cond3A_191 = arith.constant 0 : i32
      %cond3A_192 = arith.cmpi ne, %convert_element_type3A_190, %cond3A_191 : i32
      scf.if %cond3A_192 {
        %add3A_199 = arith.constant 1 : i32
        %add3A_200 = arith.addi %while3A_159, %add3A_199 : i32
        %add3A_201 = arith.constant 1 : i32
        %add3A_202 = arith.addi %while3A_159, %add3A_201 : i32
        %rem3A_203 = arith.constant 4 : i32
        %rem3A_204 = arith.remsi %add3A_202, %rem3A_203 : i32
        %add3A_205 = arith.addi %mul3A_2, %add3A_200 : i32
        %dma_wait3A_206 = arith.constant 0 : i32
        %dma_wait3A_207 = arith.constant 0 : i32
        %dma_wait3A_208 = arith.constant 0 : i32
        %dma_wait3A_209 = tpu.memref_slice %arg5[%rem3A_204, %dma_wait3A_207, %dma_wait3A_208] : memref<4x2x128xi32, #tpu.memory_space<vmem>> -> memref<1x1x128xi32, #tpu.memory_space<vmem>>
        %dma_wait3A_210 = tpu.memref_squeeze %dma_wait3A_209 : memref<1x1x128xi32, #tpu.memory_space<vmem>> -> memref<128xi32, #tpu.memory_space<vmem>>
        %dma_wait3A_211 = arith.constant 0 : i32
        %dma_wait3A_212 = tpu.memref_slice %arg2[%dma_wait3A_206, %add3A_205, %dma_wait3A_211] : memref<2x2500x128xi32, #tpu.memory_space<hbm>> -> memref<1x1x128xi32, #tpu.memory_space<hbm>>
        %dma_wait3A_213 = tpu.memref_squeeze %dma_wait3A_212 : memref<1x1x128xi32, #tpu.memory_space<hbm>> -> memref<128xi32, #tpu.memory_space<hbm>>
        %dma_wait3A_214 = arith.constant 0 : i32
        %dma_wait3A_215 = tpu.memref_slice %arg5[%rem3A_204, %dma_wait3A_207, %dma_wait3A_214] : memref<4x2x128xi32, #tpu.memory_space<vmem>> -> memref<1x1x128xi32, #tpu.memory_space<vmem>>
        %dma_wait3A_216 = tpu.memref_squeeze %dma_wait3A_215 : memref<1x1x128xi32, #tpu.memory_space<vmem>> -> memref<128xi32, #tpu.memory_space<vmem>>
        %dma_wait3A_217 = arith.constant 0 : i32
        %dma_wait3A_218 = tpu.memref_slice %arg2[%dma_wait3A_206, %add3A_205, %dma_wait3A_217] : memref<2x2500x128xi32, #tpu.memory_space<hbm>> -> memref<1x1x128xi32, #tpu.memory_space<hbm>>
        %dma_wait3A_219 = tpu.memref_squeeze %dma_wait3A_218 : memref<1x1x128xi32, #tpu.memory_space<hbm>> -> memref<128xi32, #tpu.memory_space<hbm>>
        tpu.wait_dma2 semaphore(%arg9 : memref<!tpu.dma_semaphore, #tpu.memory_space<semaphore_mem>>) src(%dma_wait3A_219 : memref<128xi32, #tpu.memory_space<hbm>>) dst(%dma_wait3A_216 : memref<128xi32, #tpu.memory_space<vmem>>)
        %add3A_220 = arith.addi %mul3A_2, %add3A_200 : i32
        %dma_wait3A_221 = arith.constant 1 : i32
        %dma_wait3A_222 = arith.constant 1 : i32
        %dma_wait3A_223 = arith.constant 0 : i32
        %dma_wait3A_224 = tpu.memref_slice %arg5[%rem3A_204, %dma_wait3A_222, %dma_wait3A_223] : memref<4x2x128xi32, #tpu.memory_space<vmem>> -> memref<1x1x128xi32, #tpu.memory_space<vmem>>
        %dma_wait3A_225 = tpu.memref_squeeze %dma_wait3A_224 : memref<1x1x128xi32, #tpu.memory_space<vmem>> -> memref<128xi32, #tpu.memory_space<vmem>>
        %dma_wait3A_226 = arith.constant 0 : i32
        %dma_wait3A_227 = tpu.memref_slice %arg2[%dma_wait3A_221, %add3A_220, %dma_wait3A_226] : memref<2x2500x128xi32, #tpu.memory_space<hbm>> -> memref<1x1x128xi32, #tpu.memory_space<hbm>>
        %dma_wait3A_228 = tpu.memref_squeeze %dma_wait3A_227 : memref<1x1x128xi32, #tpu.memory_space<hbm>> -> memref<128xi32, #tpu.memory_space<hbm>>
        %dma_wait3A_229 = arith.constant 0 : i32
        %dma_wait3A_230 = tpu.memref_slice %arg5[%rem3A_204, %dma_wait3A_222, %dma_wait3A_229] : memref<4x2x128xi32, #tpu.memory_space<vmem>> -> memref<1x1x128xi32, #tpu.memory_space<vmem>>
        %dma_wait3A_231 = tpu.memref_squeeze %dma_wait3A_230 : memref<1x1x128xi32, #tpu.memory_space<vmem>> -> memref<128xi32, #tpu.memory_space<vmem>>
        %dma_wait3A_232 = arith.constant 0 : i32
        %dma_wait3A_233 = tpu.memref_slice %arg2[%dma_wait3A_221, %add3A_220, %dma_wait3A_232] : memref<2x2500x128xi32, #tpu.memory_space<hbm>> -> memref<1x1x128xi32, #tpu.memory_space<hbm>>
        %dma_wait3A_234 = tpu.memref_squeeze %dma_wait3A_233 : memref<1x1x128xi32, #tpu.memory_space<hbm>> -> memref<128xi32, #tpu.memory_space<hbm>>
        tpu.wait_dma2 semaphore(%arg9 : memref<!tpu.dma_semaphore, #tpu.memory_space<semaphore_mem>>) src(%dma_wait3A_234 : memref<128xi32, #tpu.memory_space<hbm>>) dst(%dma_wait3A_231 : memref<128xi32, #tpu.memory_space<vmem>>)
        %add3A_235 = arith.constant 1 : i32
        %add3A_236 = arith.addi %while3A_159, %add3A_235 : i32
        %rem3A_237 = arith.constant 4 : i32
        %rem3A_238 = arith.remsi %add3A_236, %rem3A_237 : i32
        %add3A_239 = arith.constant 1 : i32
        %add3A_240 = arith.addi %while3A_159, %add3A_239 : i32
        %rem3A_241 = arith.constant 3 : i32
        %rem3A_242 = arith.remsi %add3A_240, %rem3A_241 : i32
        %dma_start3A_243 = arith.constant 0 : i32
        %dma_start3A_244 = arith.constant 0 : i32
        %dma_start3A_245 = arith.constant 0 : i32
        %dma_start3A_246 = tpu.memref_slice %arg6[%rem3A_242, %dma_start3A_244, %dma_start3A_245] : memref<3x128x64xf32, #tpu.memory_space<vmem>> -> memref<1x128x64xf32, #tpu.memory_space<vmem>>
        %dma_start3A_247 = tpu.memref_squeeze %dma_start3A_246 : memref<1x128x64xf32, #tpu.memory_space<vmem>> -> memref<128x64xf32, #tpu.memory_space<vmem>>
        %dma_start3A_248 = arith.constant 0 : i32
        %dma_start3A_249 = tpu.memref_slice %arg5[%rem3A_238, %dma_start3A_243, %dma_start3A_248] : memref<4x2x128xi32, #tpu.memory_space<vmem>> -> memref<1x1x128xi32, #tpu.memory_space<vmem>>
        %dma_start3A_250 = tpu.memref_squeeze %dma_start3A_249 : memref<1x1x128xi32, #tpu.memory_space<vmem>> -> memref<128xi32, #tpu.memory_space<vmem>>
        %dma_start3A_251 = arith.constant 0 : i32
        %dma_start3A_252 = arith.constant 0 : i32
        %dma_start3A_253 = tpu.memref_slice %arg7[%dma_start3A_251, %dma_start3A_252] : memref<10240x64xf32, #tpu.memory_space<vmem_shared>> -> memref<10240x64xf32, #tpu.memory_space<vmem_shared>>
        tpu.enqueue_indirect_dma source(%dma_start3A_253 : memref<10240x64xf32, #tpu.memory_space<vmem_shared>>) target(%dma_start3A_247 : memref<128x64xf32, #tpu.memory_space<vmem>>) offsets(%dma_start3A_250 : memref<128xi32, #tpu.memory_space<vmem>>) semaphore(%arg10 : memref<!tpu.dma_semaphore, #tpu.memory_space<semaphore_mem>>)
      } else {
      }
      %add3A_193 = arith.constant 2 : i32
      %add3A_194 = arith.addi %while3A_159, %add3A_193 : i32
      %lt3A_195 = arith.cmpi slt, %add3A_194, %select_n3A : i32
      %convert_element_type3A_196 = arith.extui %lt3A_195 : i1 to i32
      %cond3A_197 = arith.constant 0 : i32
      %cond3A_198 = arith.cmpi ne, %convert_element_type3A_196, %cond3A_197 : i32
      scf.if %cond3A_198 {
        %add3A_199 = arith.constant 2 : i32
        %add3A_200 = arith.addi %while3A_159, %add3A_199 : i32
        %add3A_201 = arith.constant 2 : i32
        %add3A_202 = arith.addi %while3A_159, %add3A_201 : i32
        %rem3A_203 = arith.constant 4 : i32
        %rem3A_204 = arith.remsi %add3A_202, %rem3A_203 : i32
        %add3A_205 = arith.addi %mul3A_2, %add3A_200 : i32
        %add3A_206 = arith.addi %mul3A_2, %add3A_200 : i32
        %dma_start3A_207 = arith.constant 0 : i32
        %dma_start3A_208 = arith.constant 0 : i32
        %dma_start3A_209 = arith.constant 0 : i32
        %dma_start3A_210 = tpu.memref_slice %arg5[%rem3A_204, %dma_start3A_208, %dma_start3A_209] : memref<4x2x128xi32, #tpu.memory_space<vmem>> -> memref<1x1x128xi32, #tpu.memory_space<vmem>>
        %dma_start3A_211 = tpu.memref_squeeze %dma_start3A_210 : memref<1x1x128xi32, #tpu.memory_space<vmem>> -> memref<128xi32, #tpu.memory_space<vmem>>
        %dma_start3A_212 = arith.constant 0 : i32
        %dma_start3A_213 = tpu.memref_slice %arg2[%dma_start3A_207, %add3A_205, %dma_start3A_212] : memref<2x2500x128xi32, #tpu.memory_space<hbm>> -> memref<1x1x128xi32, #tpu.memory_space<hbm>>
        %dma_start3A_214 = tpu.memref_squeeze %dma_start3A_213 : memref<1x1x128xi32, #tpu.memory_space<hbm>> -> memref<128xi32, #tpu.memory_space<hbm>>
        %dma_start3A_215 = arith.constant 0 : i32
        %dma_start3A_216 = tpu.memref_slice %arg5[%rem3A_204, %dma_start3A_208, %dma_start3A_215] : memref<4x2x128xi32, #tpu.memory_space<vmem>> -> memref<1x1x128xi32, #tpu.memory_space<vmem>>
        %dma_start3A_217 = tpu.memref_squeeze %dma_start3A_216 : memref<1x1x128xi32, #tpu.memory_space<vmem>> -> memref<128xi32, #tpu.memory_space<vmem>>
        %dma_start3A_218 = arith.constant 0 : i32
        %dma_start3A_219 = tpu.memref_slice %arg2[%dma_start3A_207, %add3A_205, %dma_start3A_218] : memref<2x2500x128xi32, #tpu.memory_space<hbm>> -> memref<1x1x128xi32, #tpu.memory_space<hbm>>
        %dma_start3A_220 = tpu.memref_squeeze %dma_start3A_219 : memref<1x1x128xi32, #tpu.memory_space<hbm>> -> memref<128xi32, #tpu.memory_space<hbm>>
        tpu.enqueue_dma source(%dma_start3A_220 : memref<128xi32, #tpu.memory_space<hbm>>) target(%dma_start3A_217 : memref<128xi32, #tpu.memory_space<vmem>>) target_semaphore(%arg9 : memref<!tpu.dma_semaphore, #tpu.memory_space<semaphore_mem>>)
        %dma_start3A_221 = arith.constant 1 : i32
        %dma_start3A_222 = arith.constant 1 : i32
        %dma_start3A_223 = arith.constant 0 : i32
        %dma_start3A_224 = tpu.memref_slice %arg5[%rem3A_204, %dma_start3A_222, %dma_start3A_223] : memref<4x2x128xi32, #tpu.memory_space<vmem>> -> memref<1x1x128xi32, #tpu.memory_space<vmem>>
        %dma_start3A_225 = tpu.memref_squeeze %dma_start3A_224 : memref<1x1x128xi32, #tpu.memory_space<vmem>> -> memref<128xi32, #tpu.memory_space<vmem>>
        %dma_start3A_226 = arith.constant 0 : i32
        %dma_start3A_227 = tpu.memref_slice %arg2[%dma_start3A_221, %add3A_206, %dma_start3A_226] : memref<2x2500x128xi32, #tpu.memory_space<hbm>> -> memref<1x1x128xi32, #tpu.memory_space<hbm>>
        %dma_start3A_228 = tpu.memref_squeeze %dma_start3A_227 : memref<1x1x128xi32, #tpu.memory_space<hbm>> -> memref<128xi32, #tpu.memory_space<hbm>>
        %dma_start3A_229 = arith.constant 0 : i32
        %dma_start3A_230 = tpu.memref_slice %arg5[%rem3A_204, %dma_start3A_222, %dma_start3A_229] : memref<4x2x128xi32, #tpu.memory_space<vmem>> -> memref<1x1x128xi32, #tpu.memory_space<vmem>>
        %dma_start3A_231 = tpu.memref_squeeze %dma_start3A_230 : memref<1x1x128xi32, #tpu.memory_space<vmem>> -> memref<128xi32, #tpu.memory_space<vmem>>
        %dma_start3A_232 = arith.constant 0 : i32
        %dma_start3A_233 = tpu.memref_slice %arg2[%dma_start3A_221, %add3A_206, %dma_start3A_232] : memref<2x2500x128xi32, #tpu.memory_space<hbm>> -> memref<1x1x128xi32, #tpu.memory_space<hbm>>
        %dma_start3A_234 = tpu.memref_squeeze %dma_start3A_233 : memref<1x1x128xi32, #tpu.memory_space<hbm>> -> memref<128xi32, #tpu.memory_space<hbm>>
        tpu.enqueue_dma source(%dma_start3A_234 : memref<128xi32, #tpu.memory_space<hbm>>) target(%dma_start3A_231 : memref<128xi32, #tpu.memory_space<vmem>>) target_semaphore(%arg9 : memref<!tpu.dma_semaphore, #tpu.memory_space<semaphore_mem>>)
      } else {
      }
    }
    %while3A_121 = arith.constant 1 : i32
    scf.for %while3A_159 = %while3A_119 to %while3A_115 step %while3A_121  : i32 {
      %rem3A_160 = arith.constant 3 : i32
      %rem3A_161 = arith.remsi %while3A_159, %rem3A_160 : i32
      %rem3A_162 = arith.constant 4 : i32
      %rem3A_163 = arith.remsi %while3A_159, %rem3A_162 : i32
      %dma_wait3A_164 = arith.constant 0 : i32
      %dma_wait3A_165 = arith.constant 0 : i32
      %dma_wait3A_166 = arith.constant 0 : i32
      %dma_wait3A_167 = tpu.memref_slice %arg6[%rem3A_161, %dma_wait3A_165, %dma_wait3A_166] : memref<3x128x64xf32, #tpu.memory_space<vmem>> -> memref<1x128x64xf32, #tpu.memory_space<vmem>>
      %dma_wait3A_168 = tpu.memref_squeeze %dma_wait3A_167 : memref<1x128x64xf32, #tpu.memory_space<vmem>> -> memref<128x64xf32, #tpu.memory_space<vmem>>
      %dma_wait3A_169 = arith.constant 0 : i32
      %dma_wait3A_170 = tpu.memref_slice %arg5[%rem3A_163, %dma_wait3A_164, %dma_wait3A_169] : memref<4x2x128xi32, #tpu.memory_space<vmem>> -> memref<1x1x128xi32, #tpu.memory_space<vmem>>
      %dma_wait3A_171 = tpu.memref_squeeze %dma_wait3A_170 : memref<1x1x128xi32, #tpu.memory_space<vmem>> -> memref<128xi32, #tpu.memory_space<vmem>>
      %dma_wait3A_172 = arith.constant 0 : i32
      %dma_wait3A_173 = arith.constant 0 : i32
      %dma_wait3A_174 = tpu.memref_slice %arg7[%dma_wait3A_172, %dma_wait3A_173] : memref<10240x64xf32, #tpu.memory_space<vmem_shared>> -> memref<10240x64xf32, #tpu.memory_space<vmem_shared>>
      tpu.wait_indirect_dma semaphore(%arg10 : memref<!tpu.dma_semaphore, #tpu.memory_space<semaphore_mem>>) src(%dma_wait3A_174 : memref<10240x64xf32, #tpu.memory_space<vmem_shared>>) dst(%dma_wait3A_168 : memref<128x64xf32, #tpu.memory_space<vmem>>)
      %dma_start3A_175 = arith.constant 1 : i32
      %dma_start3A_176 = arith.constant 0 : i32
      %dma_start3A_177 = arith.constant 0 : i32
      %dma_start3A_178 = tpu.memref_slice %arg6[%rem3A_161, %dma_start3A_176, %dma_start3A_177] : memref<3x128x64xf32, #tpu.memory_space<vmem>> -> memref<1x128x64xf32, #tpu.memory_space<vmem>>
      %dma_start3A_179 = tpu.memref_squeeze %dma_start3A_178 : memref<1x128x64xf32, #tpu.memory_space<vmem>> -> memref<128x64xf32, #tpu.memory_space<vmem>>
      %dma_start3A_180 = arith.constant 0 : i32
      %dma_start3A_181 = tpu.memref_slice %arg5[%rem3A_163, %dma_start3A_175, %dma_start3A_180] : memref<4x2x128xi32, #tpu.memory_space<vmem>> -> memref<1x1x128xi32, #tpu.memory_space<vmem>>
      %dma_start3A_182 = tpu.memref_squeeze %dma_start3A_181 : memref<1x1x128xi32, #tpu.memory_space<vmem>> -> memref<128xi32, #tpu.memory_space<vmem>>
      %dma_start3A_183 = arith.constant 0 : i32
      %dma_start3A_184 = arith.constant 0 : i32
      %dma_start3A_185 = tpu.memref_slice %arg8[%dma_start3A_183, %dma_start3A_184] : memref<10240x64xf32, #tpu.memory_space<vmem_shared>> -> memref<10240x64xf32, #tpu.memory_space<vmem_shared>>
      tpu.enqueue_indirect_dma source(%dma_start3A_179 : memref<128x64xf32, #tpu.memory_space<vmem>>) target(%dma_start3A_185 : memref<10240x64xf32, #tpu.memory_space<vmem_shared>>) offsets(%dma_start3A_182 : memref<128xi32, #tpu.memory_space<vmem>>) semaphore(%arg11 : memref<!tpu.dma_semaphore, #tpu.memory_space<semaphore_mem>>) {add = true}
      %ge3A = arith.constant 2 : i32
      %ge3A_186 = arith.cmpi sge, %while3A_159, %ge3A : i32
      %convert_element_type3A = arith.extui %ge3A_186 : i1 to i32
      %cond3A = arith.constant 0 : i32
      %cond3A_187 = arith.cmpi ne, %convert_element_type3A, %cond3A : i32
      scf.if %cond3A_187 {
        %add3A_199 = arith.constant 1 : i32
        %add3A_200 = arith.addi %while3A_159, %add3A_199 : i32
        %rem3A_201 = arith.constant 3 : i32
        %rem3A_202 = arith.remsi %add3A_200, %rem3A_201 : i32
        %add3A_203 = arith.constant 2 : i32
        %add3A_204 = arith.addi %while3A_159, %add3A_203 : i32
        %rem3A_205 = arith.constant 4 : i32
        %rem3A_206 = arith.remsi %add3A_204, %rem3A_205 : i32
        %dma_wait3A_207 = arith.constant 1 : i32
        %dma_wait3A_208 = arith.constant 0 : i32
        %dma_wait3A_209 = arith.constant 0 : i32
        %dma_wait3A_210 = tpu.memref_slice %arg6[%rem3A_202, %dma_wait3A_208, %dma_wait3A_209] : memref<3x128x64xf32, #tpu.memory_space<vmem>> -> memref<1x128x64xf32, #tpu.memory_space<vmem>>
        %dma_wait3A_211 = tpu.memref_squeeze %dma_wait3A_210 : memref<1x128x64xf32, #tpu.memory_space<vmem>> -> memref<128x64xf32, #tpu.memory_space<vmem>>
        %dma_wait3A_212 = arith.constant 0 : i32
        %dma_wait3A_213 = tpu.memref_slice %arg5[%rem3A_206, %dma_wait3A_207, %dma_wait3A_212] : memref<4x2x128xi32, #tpu.memory_space<vmem>> -> memref<1x1x128xi32, #tpu.memory_space<vmem>>
        %dma_wait3A_214 = tpu.memref_squeeze %dma_wait3A_213 : memref<1x1x128xi32, #tpu.memory_space<vmem>> -> memref<128xi32, #tpu.memory_space<vmem>>
        %dma_wait3A_215 = arith.constant 0 : i32
        %dma_wait3A_216 = arith.constant 0 : i32
        %dma_wait3A_217 = tpu.memref_slice %arg8[%dma_wait3A_215, %dma_wait3A_216] : memref<10240x64xf32, #tpu.memory_space<vmem_shared>> -> memref<10240x64xf32, #tpu.memory_space<vmem_shared>>
        tpu.wait_indirect_dma semaphore(%arg11 : memref<!tpu.dma_semaphore, #tpu.memory_space<semaphore_mem>>) src(%dma_wait3A_211 : memref<128x64xf32, #tpu.memory_space<vmem>>) dst(%dma_wait3A_217 : memref<10240x64xf32, #tpu.memory_space<vmem_shared>>)
      } else {
      }
      %add3A_188 = arith.constant 1 : i32
      %add3A_189 = arith.addi %while3A_159, %add3A_188 : i32
      %lt3A = arith.cmpi slt, %add3A_189, %select_n3A : i32
      %convert_element_type3A_190 = arith.extui %lt3A : i1 to i32
      %cond3A_191 = arith.constant 0 : i32
      %cond3A_192 = arith.cmpi ne, %convert_element_type3A_190, %cond3A_191 : i32
      scf.if %cond3A_192 {
        %add3A_199 = arith.constant 1 : i32
        %add3A_200 = arith.addi %while3A_159, %add3A_199 : i32
        %add3A_201 = arith.constant 1 : i32
        %add3A_202 = arith.addi %while3A_159, %add3A_201 : i32
        %rem3A_203 = arith.constant 4 : i32
        %rem3A_204 = arith.remsi %add3A_202, %rem3A_203 : i32
        %add3A_205 = arith.addi %mul3A_2, %add3A_200 : i32
        %dma_wait3A_206 = arith.constant 0 : i32
        %dma_wait3A_207 = arith.constant 0 : i32
        %dma_wait3A_208 = arith.constant 0 : i32
        %dma_wait3A_209 = tpu.memref_slice %arg5[%rem3A_204, %dma_wait3A_207, %dma_wait3A_208] : memref<4x2x128xi32, #tpu.memory_space<vmem>> -> memref<1x1x128xi32, #tpu.memory_space<vmem>>
        %dma_wait3A_210 = tpu.memref_squeeze %dma_wait3A_209 : memref<1x1x128xi32, #tpu.memory_space<vmem>> -> memref<128xi32, #tpu.memory_space<vmem>>
        %dma_wait3A_211 = arith.constant 0 : i32
        %dma_wait3A_212 = tpu.memref_slice %arg2[%dma_wait3A_206, %add3A_205, %dma_wait3A_211] : memref<2x2500x128xi32, #tpu.memory_space<hbm>> -> memref<1x1x128xi32, #tpu.memory_space<hbm>>
        %dma_wait3A_213 = tpu.memref_squeeze %dma_wait3A_212 : memref<1x1x128xi32, #tpu.memory_space<hbm>> -> memref<128xi32, #tpu.memory_space<hbm>>
        %dma_wait3A_214 = arith.constant 0 : i32
        %dma_wait3A_215 = tpu.memref_slice %arg5[%rem3A_204, %dma_wait3A_207, %dma_wait3A_214] : memref<4x2x128xi32, #tpu.memory_space<vmem>> -> memref<1x1x128xi32, #tpu.memory_space<vmem>>
        %dma_wait3A_216 = tpu.memref_squeeze %dma_wait3A_215 : memref<1x1x128xi32, #tpu.memory_space<vmem>> -> memref<128xi32, #tpu.memory_space<vmem>>
        %dma_wait3A_217 = arith.constant 0 : i32
        %dma_wait3A_218 = tpu.memref_slice %arg2[%dma_wait3A_206, %add3A_205, %dma_wait3A_217] : memref<2x2500x128xi32, #tpu.memory_space<hbm>> -> memref<1x1x128xi32, #tpu.memory_space<hbm>>
        %dma_wait3A_219 = tpu.memref_squeeze %dma_wait3A_218 : memref<1x1x128xi32, #tpu.memory_space<hbm>> -> memref<128xi32, #tpu.memory_space<hbm>>
        tpu.wait_dma2 semaphore(%arg9 : memref<!tpu.dma_semaphore, #tpu.memory_space<semaphore_mem>>) src(%dma_wait3A_219 : memref<128xi32, #tpu.memory_space<hbm>>) dst(%dma_wait3A_216 : memref<128xi32, #tpu.memory_space<vmem>>)
        %add3A_220 = arith.addi %mul3A_2, %add3A_200 : i32
        %dma_wait3A_221 = arith.constant 1 : i32
        %dma_wait3A_222 = arith.constant 1 : i32
        %dma_wait3A_223 = arith.constant 0 : i32
        %dma_wait3A_224 = tpu.memref_slice %arg5[%rem3A_204, %dma_wait3A_222, %dma_wait3A_223] : memref<4x2x128xi32, #tpu.memory_space<vmem>> -> memref<1x1x128xi32, #tpu.memory_space<vmem>>
        %dma_wait3A_225 = tpu.memref_squeeze %dma_wait3A_224 : memref<1x1x128xi32, #tpu.memory_space<vmem>> -> memref<128xi32, #tpu.memory_space<vmem>>
        %dma_wait3A_226 = arith.constant 0 : i32
        %dma_wait3A_227 = tpu.memref_slice %arg2[%dma_wait3A_221, %add3A_220, %dma_wait3A_226] : memref<2x2500x128xi32, #tpu.memory_space<hbm>> -> memref<1x1x128xi32, #tpu.memory_space<hbm>>
        %dma_wait3A_228 = tpu.memref_squeeze %dma_wait3A_227 : memref<1x1x128xi32, #tpu.memory_space<hbm>> -> memref<128xi32, #tpu.memory_space<hbm>>
        %dma_wait3A_229 = arith.constant 0 : i32
        %dma_wait3A_230 = tpu.memref_slice %arg5[%rem3A_204, %dma_wait3A_222, %dma_wait3A_229] : memref<4x2x128xi32, #tpu.memory_space<vmem>> -> memref<1x1x128xi32, #tpu.memory_space<vmem>>
        %dma_wait3A_231 = tpu.memref_squeeze %dma_wait3A_230 : memref<1x1x128xi32, #tpu.memory_space<vmem>> -> memref<128xi32, #tpu.memory_space<vmem>>
        %dma_wait3A_232 = arith.constant 0 : i32
        %dma_wait3A_233 = tpu.memref_slice %arg2[%dma_wait3A_221, %add3A_220, %dma_wait3A_232] : memref<2x2500x128xi32, #tpu.memory_space<hbm>> -> memref<1x1x128xi32, #tpu.memory_space<hbm>>
        %dma_wait3A_234 = tpu.memref_squeeze %dma_wait3A_233 : memref<1x1x128xi32, #tpu.memory_space<hbm>> -> memref<128xi32, #tpu.memory_space<hbm>>
        tpu.wait_dma2 semaphore(%arg9 : memref<!tpu.dma_semaphore, #tpu.memory_space<semaphore_mem>>) src(%dma_wait3A_234 : memref<128xi32, #tpu.memory_space<hbm>>) dst(%dma_wait3A_231 : memref<128xi32, #tpu.memory_space<vmem>>)
        %add3A_235 = arith.constant 1 : i32
        %add3A_236 = arith.addi %while3A_159, %add3A_235 : i32
        %rem3A_237 = arith.constant 4 : i32
        %rem3A_238 = arith.remsi %add3A_236, %rem3A_237 : i32
        %add3A_239 = arith.constant 1 : i32
        %add3A_240 = arith.addi %while3A_159, %add3A_239 : i32
        %rem3A_241 = arith.constant 3 : i32
        %rem3A_242 = arith.remsi %add3A_240, %rem3A_241 : i32
        %dma_start3A_243 = arith.constant 0 : i32
        %dma_start3A_244 = arith.constant 0 : i32
        %dma_start3A_245 = arith.constant 0 : i32
        %dma_start3A_246 = tpu.memref_slice %arg6[%rem3A_242, %dma_start3A_244, %dma_start3A_245] : memref<3x128x64xf32, #tpu.memory_space<vmem>> -> memref<1x128x64xf32, #tpu.memory_space<vmem>>
        %dma_start3A_247 = tpu.memref_squeeze %dma_start3A_246 : memref<1x128x64xf32, #tpu.memory_space<vmem>> -> memref<128x64xf32, #tpu.memory_space<vmem>>
        %dma_start3A_248 = arith.constant 0 : i32
        %dma_start3A_249 = tpu.memref_slice %arg5[%rem3A_238, %dma_start3A_243, %dma_start3A_248] : memref<4x2x128xi32, #tpu.memory_space<vmem>> -> memref<1x1x128xi32, #tpu.memory_space<vmem>>
        %dma_start3A_250 = tpu.memref_squeeze %dma_start3A_249 : memref<1x1x128xi32, #tpu.memory_space<vmem>> -> memref<128xi32, #tpu.memory_space<vmem>>
        %dma_start3A_251 = arith.constant 0 : i32
        %dma_start3A_252 = arith.constant 0 : i32
        %dma_start3A_253 = tpu.memref_slice %arg7[%dma_start3A_251, %dma_start3A_252] : memref<10240x64xf32, #tpu.memory_space<vmem_shared>> -> memref<10240x64xf32, #tpu.memory_space<vmem_shared>>
        tpu.enqueue_indirect_dma source(%dma_start3A_253 : memref<10240x64xf32, #tpu.memory_space<vmem_shared>>) target(%dma_start3A_247 : memref<128x64xf32, #tpu.memory_space<vmem>>) offsets(%dma_start3A_250 : memref<128xi32, #tpu.memory_space<vmem>>) semaphore(%arg10 : memref<!tpu.dma_semaphore, #tpu.memory_space<semaphore_mem>>)
      } else {
      }
      %add3A_193 = arith.constant 2 : i32
      %add3A_194 = arith.addi %while3A_159, %add3A_193 : i32
      %lt3A_195 = arith.cmpi slt, %add3A_194, %select_n3A : i32
      %convert_element_type3A_196 = arith.extui %lt3A_195 : i1 to i32
      %cond3A_197 = arith.constant 0 : i32
      %cond3A_198 = arith.cmpi ne, %convert_element_type3A_196, %cond3A_197 : i32
      scf.if %cond3A_198 {
        %add3A_199 = arith.constant 2 : i32
        %add3A_200 = arith.addi %while3A_159, %add3A_199 : i32
        %add3A_201 = arith.constant 2 : i32
        %add3A_202 = arith.addi %while3A_159, %add3A_201 : i32
        %rem3A_203 = arith.constant 4 : i32
        %rem3A_204 = arith.remsi %add3A_202, %rem3A_203 : i32
        %add3A_205 = arith.addi %mul3A_2, %add3A_200 : i32
        %add3A_206 = arith.addi %mul3A_2, %add3A_200 : i32
        %dma_start3A_207 = arith.constant 0 : i32
        %dma_start3A_208 = arith.constant 0 : i32
        %dma_start3A_209 = arith.constant 0 : i32
        %dma_start3A_210 = tpu.memref_slice %arg5[%rem3A_204, %dma_start3A_208, %dma_start3A_209] : memref<4x2x128xi32, #tpu.memory_space<vmem>> -> memref<1x1x128xi32, #tpu.memory_space<vmem>>
        %dma_start3A_211 = tpu.memref_squeeze %dma_start3A_210 : memref<1x1x128xi32, #tpu.memory_space<vmem>> -> memref<128xi32, #tpu.memory_space<vmem>>
        %dma_start3A_212 = arith.constant 0 : i32
        %dma_start3A_213 = tpu.memref_slice %arg2[%dma_start3A_207, %add3A_205, %dma_start3A_212] : memref<2x2500x128xi32, #tpu.memory_space<hbm>> -> memref<1x1x128xi32, #tpu.memory_space<hbm>>
        %dma_start3A_214 = tpu.memref_squeeze %dma_start3A_213 : memref<1x1x128xi32, #tpu.memory_space<hbm>> -> memref<128xi32, #tpu.memory_space<hbm>>
        %dma_start3A_215 = arith.constant 0 : i32
        %dma_start3A_216 = tpu.memref_slice %arg5[%rem3A_204, %dma_start3A_208, %dma_start3A_215] : memref<4x2x128xi32, #tpu.memory_space<vmem>> -> memref<1x1x128xi32, #tpu.memory_space<vmem>>
        %dma_start3A_217 = tpu.memref_squeeze %dma_start3A_216 : memref<1x1x128xi32, #tpu.memory_space<vmem>> -> memref<128xi32, #tpu.memory_space<vmem>>
        %dma_start3A_218 = arith.constant 0 : i32
        %dma_start3A_219 = tpu.memref_slice %arg2[%dma_start3A_207, %add3A_205, %dma_start3A_218] : memref<2x2500x128xi32, #tpu.memory_space<hbm>> -> memref<1x1x128xi32, #tpu.memory_space<hbm>>
        %dma_start3A_220 = tpu.memref_squeeze %dma_start3A_219 : memref<1x1x128xi32, #tpu.memory_space<hbm>> -> memref<128xi32, #tpu.memory_space<hbm>>
        tpu.enqueue_dma source(%dma_start3A_220 : memref<128xi32, #tpu.memory_space<hbm>>) target(%dma_start3A_217 : memref<128xi32, #tpu.memory_space<vmem>>) target_semaphore(%arg9 : memref<!tpu.dma_semaphore, #tpu.memory_space<semaphore_mem>>)
        %dma_start3A_221 = arith.constant 1 : i32
        %dma_start3A_222 = arith.constant 1 : i32
        %dma_start3A_223 = arith.constant 0 : i32
        %dma_start3A_224 = tpu.memref_slice %arg5[%rem3A_204, %dma_start3A_222, %dma_start3A_223] : memref<4x2x128xi32, #tpu.memory_space<vmem>> -> memref<1x1x128xi32, #tpu.memory_space<vmem>>
        %dma_start3A_225 = tpu.memref_squeeze %dma_start3A_224 : memref<1x1x128xi32, #tpu.memory_space<vmem>> -> memref<128xi32, #tpu.memory_space<vmem>>
        %dma_start3A_226 = arith.constant 0 : i32
        %dma_start3A_227 = tpu.memref_slice %arg2[%dma_start3A_221, %add3A_206, %dma_start3A_226] : memref<2x2500x128xi32, #tpu.memory_space<hbm>> -> memref<1x1x128xi32, #tpu.memory_space<hbm>>
        %dma_start3A_228 = tpu.memref_squeeze %dma_start3A_227 : memref<1x1x128xi32, #tpu.memory_space<hbm>> -> memref<128xi32, #tpu.memory_space<hbm>>
        %dma_start3A_229 = arith.constant 0 : i32
        %dma_start3A_230 = tpu.memref_slice %arg5[%rem3A_204, %dma_start3A_222, %dma_start3A_229] : memref<4x2x128xi32, #tpu.memory_space<vmem>> -> memref<1x1x128xi32, #tpu.memory_space<vmem>>
        %dma_start3A_231 = tpu.memref_squeeze %dma_start3A_230 : memref<1x1x128xi32, #tpu.memory_space<vmem>> -> memref<128xi32, #tpu.memory_space<vmem>>
        %dma_start3A_232 = arith.constant 0 : i32
        %dma_start3A_233 = tpu.memref_slice %arg2[%dma_start3A_221, %add3A_206, %dma_start3A_232] : memref<2x2500x128xi32, #tpu.memory_space<hbm>> -> memref<1x1x128xi32, #tpu.memory_space<hbm>>
        %dma_start3A_234 = tpu.memref_squeeze %dma_start3A_233 : memref<1x1x128xi32, #tpu.memory_space<hbm>> -> memref<128xi32, #tpu.memory_space<hbm>>
        tpu.enqueue_dma source(%dma_start3A_234 : memref<128xi32, #tpu.memory_space<hbm>>) target(%dma_start3A_231 : memref<128xi32, #tpu.memory_space<vmem>>) target_semaphore(%arg9 : memref<!tpu.dma_semaphore, #tpu.memory_space<semaphore_mem>>)
      } else {
      }
    }
    %sub3A = arith.constant 2 : i32
    %sub3A_122 = arith.subi %select_n3A, %sub3A : i32
    %rem3A = arith.constant 3 : i32
    %rem3A_123 = arith.remsi %sub3A_122, %rem3A : i32
    %sub3A_124 = arith.constant 2 : i32
    %sub3A_125 = arith.subi %select_n3A, %sub3A_124 : i32
    %rem3A_126 = arith.constant 4 : i32
    %rem3A_127 = arith.remsi %sub3A_125, %rem3A_126 : i32
    %dma_wait3A_128 = arith.constant 1 : i32
    %dma_wait3A_129 = arith.constant 0 : i32
    %dma_wait3A_130 = arith.constant 0 : i32
    %dma_wait3A_131 = tpu.memref_slice %arg6[%rem3A_123, %dma_wait3A_129, %dma_wait3A_130] : memref<3x128x64xf32, #tpu.memory_space<vmem>> -> memref<1x128x64xf32, #tpu.memory_space<vmem>>
    %dma_wait3A_132 = tpu.memref_squeeze %dma_wait3A_131 : memref<1x128x64xf32, #tpu.memory_space<vmem>> -> memref<128x64xf32, #tpu.memory_space<vmem>>
    %dma_wait3A_133 = arith.constant 0 : i32
    %dma_wait3A_134 = tpu.memref_slice %arg5[%rem3A_127, %dma_wait3A_128, %dma_wait3A_133] : memref<4x2x128xi32, #tpu.memory_space<vmem>> -> memref<1x1x128xi32, #tpu.memory_space<vmem>>
    %dma_wait3A_135 = tpu.memref_squeeze %dma_wait3A_134 : memref<1x1x128xi32, #tpu.memory_space<vmem>> -> memref<128xi32, #tpu.memory_space<vmem>>
    %dma_wait3A_136 = arith.constant 0 : i32
    %dma_wait3A_137 = arith.constant 0 : i32
    %dma_wait3A_138 = tpu.memref_slice %arg8[%dma_wait3A_136, %dma_wait3A_137] : memref<10240x64xf32, #tpu.memory_space<vmem_shared>> -> memref<10240x64xf32, #tpu.memory_space<vmem_shared>>
    tpu.wait_indirect_dma semaphore(%arg11 : memref<!tpu.dma_semaphore, #tpu.memory_space<semaphore_mem>>) src(%dma_wait3A_132 : memref<128x64xf32, #tpu.memory_space<vmem>>) dst(%dma_wait3A_138 : memref<10240x64xf32, #tpu.memory_space<vmem_shared>>)
    %sub3A_139 = arith.constant 1 : i32
    %sub3A_140 = arith.subi %select_n3A, %sub3A_139 : i32
    %rem3A_141 = arith.constant 3 : i32
    %rem3A_142 = arith.remsi %sub3A_140, %rem3A_141 : i32
    %sub3A_143 = arith.constant 1 : i32
    %sub3A_144 = arith.subi %select_n3A, %sub3A_143 : i32
    %rem3A_145 = arith.constant 4 : i32
    %rem3A_146 = arith.remsi %sub3A_144, %rem3A_145 : i32
    %dma_wait3A_147 = arith.constant 1 : i32
    %dma_wait3A_148 = arith.constant 0 : i32
    %dma_wait3A_149 = arith.constant 0 : i32
    %dma_wait3A_150 = tpu.memref_slice %arg6[%rem3A_142, %dma_wait3A_148, %dma_wait3A_149] : memref<3x128x64xf32, #tpu.memory_space<vmem>> -> memref<1x128x64xf32, #tpu.memory_space<vmem>>
    %dma_wait3A_151 = tpu.memref_squeeze %dma_wait3A_150 : memref<1x128x64xf32, #tpu.memory_space<vmem>> -> memref<128x64xf32, #tpu.memory_space<vmem>>
    %dma_wait3A_152 = arith.constant 0 : i32
    %dma_wait3A_153 = tpu.memref_slice %arg5[%rem3A_146, %dma_wait3A_147, %dma_wait3A_152] : memref<4x2x128xi32, #tpu.memory_space<vmem>> -> memref<1x1x128xi32, #tpu.memory_space<vmem>>
    %dma_wait3A_154 = tpu.memref_squeeze %dma_wait3A_153 : memref<1x1x128xi32, #tpu.memory_space<vmem>> -> memref<128xi32, #tpu.memory_space<vmem>>
    %dma_wait3A_155 = arith.constant 0 : i32
    %dma_wait3A_156 = arith.constant 0 : i32
    %dma_wait3A_157 = tpu.memref_slice %arg8[%dma_wait3A_155, %dma_wait3A_156] : memref<10240x64xf32, #tpu.memory_space<vmem_shared>> -> memref<10240x64xf32, #tpu.memory_space<vmem_shared>>
    tpu.wait_indirect_dma semaphore(%arg11 : memref<!tpu.dma_semaphore, #tpu.memory_space<semaphore_mem>>) src(%dma_wait3A_151 : memref<128x64xf32, #tpu.memory_space<vmem>>) dst(%dma_wait3A_157 : memref<10240x64xf32, #tpu.memory_space<vmem_shared>>)
    %barrier3A_158 = arith.constant 0 : index
    tpu.barrier barrier_id(%barrier3A_158)
    "tpu.region"() ({
      %run_scoped3A = tpu.sem_alloc : memref<!tpu.dma_semaphore, #tpu.memory_space<semaphore_mem>>
      %dma_start3A_159 = arith.constant 0 : i32
      %dma_start3A_160 = tpu.memref_slice %arg4[%arg0, %mul3A_0, %dma_start3A_159] : memref<2x10240x64xf32, #tpu.memory_space<hbm>> -> memref<1x640x64xf32, #tpu.memory_space<hbm>>
      %dma_start3A_161 = tpu.memref_squeeze %dma_start3A_160 : memref<1x640x64xf32, #tpu.memory_space<hbm>> -> memref<640x64xf32, #tpu.memory_space<hbm>>
      %dma_start3A_162 = arith.constant 0 : i32
      %dma_start3A_163 = tpu.memref_slice %arg8[%mul3A_0, %dma_start3A_162] : memref<10240x64xf32, #tpu.memory_space<vmem_shared>> -> memref<640x64xf32, #tpu.memory_space<vmem_shared>>
      tpu.enqueue_dma source(%dma_start3A_163 : memref<640x64xf32, #tpu.memory_space<vmem_shared>>) target(%dma_start3A_161 : memref<640x64xf32, #tpu.memory_space<hbm>>) target_semaphore(%run_scoped3A : memref<!tpu.dma_semaphore, #tpu.memory_space<semaphore_mem>>)
      %dma_wait3A_164 = arith.constant 0 : i32
      %dma_wait3A_165 = tpu.memref_slice %arg4[%arg0, %mul3A_0, %dma_wait3A_164] : memref<2x10240x64xf32, #tpu.memory_space<hbm>> -> memref<1x640x64xf32, #tpu.memory_space<hbm>>
      %dma_wait3A_166 = tpu.memref_squeeze %dma_wait3A_165 : memref<1x640x64xf32, #tpu.memory_space<hbm>> -> memref<640x64xf32, #tpu.memory_space<hbm>>
      %dma_wait3A_167 = arith.constant 0 : i32
      %dma_wait3A_168 = tpu.memref_slice %arg8[%mul3A_0, %dma_wait3A_167] : memref<10240x64xf32, #tpu.memory_space<vmem_shared>> -> memref<640x64xf32, #tpu.memory_space<vmem_shared>>
      tpu.wait_dma2 semaphore(%run_scoped3A : memref<!tpu.dma_semaphore, #tpu.memory_space<semaphore_mem>>) src(%dma_wait3A_168 : memref<640x64xf32, #tpu.memory_space<vmem_shared>>) dst(%dma_wait3A_166 : memref<640x64xf32, #tpu.memory_space<hbm>>)
      tpu.yield
    }) : () -> ()
    return
  }
}

#map = affine_map<(d0, d1) -> (0, 0, 0)>
module attributes {stable_mosaic.version = 14 : i64} {
  func.func @_sc_scatter(%arg0: i32, %arg1: i32, %arg2: memref<2x2500x128xi32, #tpu.memory_space<hbm>>, %arg3: memref<2x10240x32xf32, #tpu.memory_space<hbm>>, %arg4: memref<2x10240x32xf32, #tpu.memory_space<hbm>>, %arg5: memref<4x2x128xi32, #tpu.memory_space<vmem>>, %arg6: memref<3x128x32xf32, #tpu.memory_space<vmem>>, %arg7: memref<10240x32xf32, #tpu.memory_space<vmem_shared>>, %arg8: memref<10240x32xf32, #tpu.memory_space<vmem_shared>>, %arg9: memref<!tpu.dma_semaphore, #tpu.memory_space<semaphore_mem>>, %arg10: memref<!tpu.dma_semaphore, #tpu.memory_space<semaphore_mem>>, %arg11: memref<!tpu.dma_semaphore, #tpu.memory_space<semaphore_mem>>) attributes {dimension_semantics = [#tpu.dimension_semantics<core_parallel>, #tpu.dimension_semantics<subcore_parallel>], iteration_bounds = array<i64: 2, 16>, scalar_prefetch = 0 : i64, scratch_operands = 7 : i64, tpu.core_type = #tpu.core_type<sc_vector_subcore>, window_params = [{transform_indices = #map}, {transform_indices = #map}, {transform_indices = #map}]} {
    %mul3A = arith.constant 640 : i32
    %mul3A_0 = arith.muli %arg1, %mul3A : i32
    %mul3A_1 = arith.constant 156 : i32
    %mul3A_2 = arith.muli %arg1, %mul3A_1 : i32
    %eq3A = arith.constant 15 : i32
    %eq3A_3 = arith.cmpi eq, %arg1, %eq3A : i32
    %jit3A = arith.constant 160 : i32
    %jit3A_4 = arith.constant 156 : i32
    %select_n3A = arith.select %eq3A_3, %jit3A, %jit3A_4 : i32
    "tpu.region"() ({
      %run_scoped3A = tpu.sem_alloc : memref<!tpu.dma_semaphore, #tpu.memory_space<semaphore_mem>>
      %dma_start3A_159 = arith.constant 0 : i32
      %dma_start3A_160 = tpu.memref_slice %arg7[%mul3A_0, %dma_start3A_159] : memref<10240x32xf32, #tpu.memory_space<vmem_shared>> -> memref<640x32xf32, #tpu.memory_space<vmem_shared>>
      %dma_start3A_161 = arith.constant 0 : i32
      %dma_start3A_162 = tpu.memref_slice %arg3[%arg0, %mul3A_0, %dma_start3A_161] : memref<2x10240x32xf32, #tpu.memory_space<hbm>> -> memref<1x640x32xf32, #tpu.memory_space<hbm>>
      %dma_start3A_163 = tpu.memref_squeeze %dma_start3A_162 : memref<1x640x32xf32, #tpu.memory_space<hbm>> -> memref<640x32xf32, #tpu.memory_space<hbm>>
      tpu.enqueue_dma source(%dma_start3A_163 : memref<640x32xf32, #tpu.memory_space<hbm>>) target(%dma_start3A_160 : memref<640x32xf32, #tpu.memory_space<vmem_shared>>) target_semaphore(%run_scoped3A : memref<!tpu.dma_semaphore, #tpu.memory_space<semaphore_mem>>)
      %dma_wait3A_164 = arith.constant 0 : i32
      %dma_wait3A_165 = tpu.memref_slice %arg7[%mul3A_0, %dma_wait3A_164] : memref<10240x32xf32, #tpu.memory_space<vmem_shared>> -> memref<640x32xf32, #tpu.memory_space<vmem_shared>>
      %dma_wait3A_166 = arith.constant 0 : i32
      %dma_wait3A_167 = tpu.memref_slice %arg3[%arg0, %mul3A_0, %dma_wait3A_166] : memref<2x10240x32xf32, #tpu.memory_space<hbm>> -> memref<1x640x32xf32, #tpu.memory_space<hbm>>
      %dma_wait3A_168 = tpu.memref_squeeze %dma_wait3A_167 : memref<1x640x32xf32, #tpu.memory_space<hbm>> -> memref<640x32xf32, #tpu.memory_space<hbm>>
      tpu.wait_dma2 semaphore(%run_scoped3A : memref<!tpu.dma_semaphore, #tpu.memory_space<semaphore_mem>>) src(%dma_wait3A_168 : memref<640x32xf32, #tpu.memory_space<hbm>>) dst(%dma_wait3A_165 : memref<640x32xf32, #tpu.memory_space<vmem_shared>>)
      tpu.yield
    }) : () -> ()
    "tpu.region"() ({
      %run_scoped3A = tpu.sem_alloc : memref<!tpu.dma_semaphore, #tpu.memory_space<semaphore_mem>>
      %dma_start3A_159 = arith.constant 0 : i32
      %dma_start3A_160 = tpu.memref_slice %arg8[%mul3A_0, %dma_start3A_159] : memref<10240x32xf32, #tpu.memory_space<vmem_shared>> -> memref<640x32xf32, #tpu.memory_space<vmem_shared>>
      %dma_start3A_161 = arith.constant 0 : i32
      %dma_start3A_162 = tpu.memref_slice %arg3[%arg0, %mul3A_0, %dma_start3A_161] : memref<2x10240x32xf32, #tpu.memory_space<hbm>> -> memref<1x640x32xf32, #tpu.memory_space<hbm>>
      %dma_start3A_163 = tpu.memref_squeeze %dma_start3A_162 : memref<1x640x32xf32, #tpu.memory_space<hbm>> -> memref<640x32xf32, #tpu.memory_space<hbm>>
      tpu.enqueue_dma source(%dma_start3A_163 : memref<640x32xf32, #tpu.memory_space<hbm>>) target(%dma_start3A_160 : memref<640x32xf32, #tpu.memory_space<vmem_shared>>) target_semaphore(%run_scoped3A : memref<!tpu.dma_semaphore, #tpu.memory_space<semaphore_mem>>)
      %dma_wait3A_164 = arith.constant 0 : i32
      %dma_wait3A_165 = tpu.memref_slice %arg8[%mul3A_0, %dma_wait3A_164] : memref<10240x32xf32, #tpu.memory_space<vmem_shared>> -> memref<640x32xf32, #tpu.memory_space<vmem_shared>>
      %dma_wait3A_166 = arith.constant 0 : i32
      %dma_wait3A_167 = tpu.memref_slice %arg3[%arg0, %mul3A_0, %dma_wait3A_166] : memref<2x10240x32xf32, #tpu.memory_space<hbm>> -> memref<1x640x32xf32, #tpu.memory_space<hbm>>
      %dma_wait3A_168 = tpu.memref_squeeze %dma_wait3A_167 : memref<1x640x32xf32, #tpu.memory_space<hbm>> -> memref<640x32xf32, #tpu.memory_space<hbm>>
      tpu.wait_dma2 semaphore(%run_scoped3A : memref<!tpu.dma_semaphore, #tpu.memory_space<semaphore_mem>>) src(%dma_wait3A_168 : memref<640x32xf32, #tpu.memory_space<hbm>>) dst(%dma_wait3A_165 : memref<640x32xf32, #tpu.memory_space<vmem_shared>>)
      tpu.yield
    }) : () -> ()
    %add3A = arith.constant 0 : i32
    %add3A_5 = arith.addi %mul3A_2, %add3A : i32
    %add3A_6 = arith.constant 0 : i32
    %add3A_7 = arith.addi %mul3A_2, %add3A_6 : i32
    %dma_start3A = arith.constant 0 : i32
    %dma_start3A_8 = arith.constant 0 : i32
    %dma_start3A_9 = arith.constant 0 : i32
    %dma_start3A_10 = arith.constant 0 : i32
    %dma_start3A_11 = tpu.memref_slice %arg5[%dma_start3A_8, %dma_start3A_9, %dma_start3A_10] : memref<4x2x128xi32, #tpu.memory_space<vmem>> -> memref<1x1x128xi32, #tpu.memory_space<vmem>>
    %dma_start3A_12 = tpu.memref_squeeze %dma_start3A_11 : memref<1x1x128xi32, #tpu.memory_space<vmem>> -> memref<128xi32, #tpu.memory_space<vmem>>
    %dma_start3A_13 = arith.constant 0 : i32
    %dma_start3A_14 = tpu.memref_slice %arg2[%dma_start3A, %add3A_5, %dma_start3A_13] : memref<2x2500x128xi32, #tpu.memory_space<hbm>> -> memref<1x1x128xi32, #tpu.memory_space<hbm>>
    %dma_start3A_15 = tpu.memref_squeeze %dma_start3A_14 : memref<1x1x128xi32, #tpu.memory_space<hbm>> -> memref<128xi32, #tpu.memory_space<hbm>>
    %dma_start3A_16 = arith.constant 0 : i32
    %dma_start3A_17 = tpu.memref_slice %arg5[%dma_start3A_8, %dma_start3A_9, %dma_start3A_16] : memref<4x2x128xi32, #tpu.memory_space<vmem>> -> memref<1x1x128xi32, #tpu.memory_space<vmem>>
    %dma_start3A_18 = tpu.memref_squeeze %dma_start3A_17 : memref<1x1x128xi32, #tpu.memory_space<vmem>> -> memref<128xi32, #tpu.memory_space<vmem>>
    %dma_start3A_19 = arith.constant 0 : i32
    %dma_start3A_20 = tpu.memref_slice %arg2[%dma_start3A, %add3A_5, %dma_start3A_19] : memref<2x2500x128xi32, #tpu.memory_space<hbm>> -> memref<1x1x128xi32, #tpu.memory_space<hbm>>
    %dma_start3A_21 = tpu.memref_squeeze %dma_start3A_20 : memref<1x1x128xi32, #tpu.memory_space<hbm>> -> memref<128xi32, #tpu.memory_space<hbm>>
    tpu.enqueue_dma source(%dma_start3A_21 : memref<128xi32, #tpu.memory_space<hbm>>) target(%dma_start3A_18 : memref<128xi32, #tpu.memory_space<vmem>>) target_semaphore(%arg9 : memref<!tpu.dma_semaphore, #tpu.memory_space<semaphore_mem>>)
    %dma_start3A_22 = arith.constant 1 : i32
    %dma_start3A_23 = arith.constant 0 : i32
    %dma_start3A_24 = arith.constant 1 : i32
    %dma_start3A_25 = arith.constant 0 : i32
    %dma_start3A_26 = tpu.memref_slice %arg5[%dma_start3A_23, %dma_start3A_24, %dma_start3A_25] : memref<4x2x128xi32, #tpu.memory_space<vmem>> -> memref<1x1x128xi32, #tpu.memory_space<vmem>>
    %dma_start3A_27 = tpu.memref_squeeze %dma_start3A_26 : memref<1x1x128xi32, #tpu.memory_space<vmem>> -> memref<128xi32, #tpu.memory_space<vmem>>
    %dma_start3A_28 = arith.constant 0 : i32
    %dma_start3A_29 = tpu.memref_slice %arg2[%dma_start3A_22, %add3A_7, %dma_start3A_28] : memref<2x2500x128xi32, #tpu.memory_space<hbm>> -> memref<1x1x128xi32, #tpu.memory_space<hbm>>
    %dma_start3A_30 = tpu.memref_squeeze %dma_start3A_29 : memref<1x1x128xi32, #tpu.memory_space<hbm>> -> memref<128xi32, #tpu.memory_space<hbm>>
    %dma_start3A_31 = arith.constant 0 : i32
    %dma_start3A_32 = tpu.memref_slice %arg5[%dma_start3A_23, %dma_start3A_24, %dma_start3A_31] : memref<4x2x128xi32, #tpu.memory_space<vmem>> -> memref<1x1x128xi32, #tpu.memory_space<vmem>>
    %dma_start3A_33 = tpu.memref_squeeze %dma_start3A_32 : memref<1x1x128xi32, #tpu.memory_space<vmem>> -> memref<128xi32, #tpu.memory_space<vmem>>
    %dma_start3A_34 = arith.constant 0 : i32
    %dma_start3A_35 = tpu.memref_slice %arg2[%dma_start3A_22, %add3A_7, %dma_start3A_34] : memref<2x2500x128xi32, #tpu.memory_space<hbm>> -> memref<1x1x128xi32, #tpu.memory_space<hbm>>
    %dma_start3A_36 = tpu.memref_squeeze %dma_start3A_35 : memref<1x1x128xi32, #tpu.memory_space<hbm>> -> memref<128xi32, #tpu.memory_space<hbm>>
    tpu.enqueue_dma source(%dma_start3A_36 : memref<128xi32, #tpu.memory_space<hbm>>) target(%dma_start3A_33 : memref<128xi32, #tpu.memory_space<vmem>>) target_semaphore(%arg9 : memref<!tpu.dma_semaphore, #tpu.memory_space<semaphore_mem>>)
    %dma_wait3A = arith.constant 0 : i32
    %dma_wait3A_37 = arith.constant 0 : i32
    %dma_wait3A_38 = arith.constant 0 : i32
    %dma_wait3A_39 = arith.constant 0 : i32
    %dma_wait3A_40 = tpu.memref_slice %arg5[%dma_wait3A_37, %dma_wait3A_38, %dma_wait3A_39] : memref<4x2x128xi32, #tpu.memory_space<vmem>> -> memref<1x1x128xi32, #tpu.memory_space<vmem>>
    %dma_wait3A_41 = tpu.memref_squeeze %dma_wait3A_40 : memref<1x1x128xi32, #tpu.memory_space<vmem>> -> memref<128xi32, #tpu.memory_space<vmem>>
    %dma_wait3A_42 = arith.constant 0 : i32
    %dma_wait3A_43 = tpu.memref_slice %arg2[%dma_wait3A, %add3A_5, %dma_wait3A_42] : memref<2x2500x128xi32, #tpu.memory_space<hbm>> -> memref<1x1x128xi32, #tpu.memory_space<hbm>>
    %dma_wait3A_44 = tpu.memref_squeeze %dma_wait3A_43 : memref<1x1x128xi32, #tpu.memory_space<hbm>> -> memref<128xi32, #tpu.memory_space<hbm>>
    %dma_wait3A_45 = arith.constant 0 : i32
    %dma_wait3A_46 = tpu.memref_slice %arg5[%dma_wait3A_37, %dma_wait3A_38, %dma_wait3A_45] : memref<4x2x128xi32, #tpu.memory_space<vmem>> -> memref<1x1x128xi32, #tpu.memory_space<vmem>>
    %dma_wait3A_47 = tpu.memref_squeeze %dma_wait3A_46 : memref<1x1x128xi32, #tpu.memory_space<vmem>> -> memref<128xi32, #tpu.memory_space<vmem>>
    %dma_wait3A_48 = arith.constant 0 : i32
    %dma_wait3A_49 = tpu.memref_slice %arg2[%dma_wait3A, %add3A_5, %dma_wait3A_48] : memref<2x2500x128xi32, #tpu.memory_space<hbm>> -> memref<1x1x128xi32, #tpu.memory_space<hbm>>
    %dma_wait3A_50 = tpu.memref_squeeze %dma_wait3A_49 : memref<1x1x128xi32, #tpu.memory_space<hbm>> -> memref<128xi32, #tpu.memory_space<hbm>>
    tpu.wait_dma2 semaphore(%arg9 : memref<!tpu.dma_semaphore, #tpu.memory_space<semaphore_mem>>) src(%dma_wait3A_50 : memref<128xi32, #tpu.memory_space<hbm>>) dst(%dma_wait3A_47 : memref<128xi32, #tpu.memory_space<vmem>>)
    %dma_wait3A_51 = arith.constant 1 : i32
    %dma_wait3A_52 = arith.constant 0 : i32
    %dma_wait3A_53 = arith.constant 1 : i32
    %dma_wait3A_54 = arith.constant 0 : i32
    %dma_wait3A_55 = tpu.memref_slice %arg5[%dma_wait3A_52, %dma_wait3A_53, %dma_wait3A_54] : memref<4x2x128xi32, #tpu.memory_space<vmem>> -> memref<1x1x128xi32, #tpu.memory_space<vmem>>
    %dma_wait3A_56 = tpu.memref_squeeze %dma_wait3A_55 : memref<1x1x128xi32, #tpu.memory_space<vmem>> -> memref<128xi32, #tpu.memory_space<vmem>>
    %dma_wait3A_57 = arith.constant 0 : i32
    %dma_wait3A_58 = tpu.memref_slice %arg2[%dma_wait3A_51, %add3A_7, %dma_wait3A_57] : memref<2x2500x128xi32, #tpu.memory_space<hbm>> -> memref<1x1x128xi32, #tpu.memory_space<hbm>>
    %dma_wait3A_59 = tpu.memref_squeeze %dma_wait3A_58 : memref<1x1x128xi32, #tpu.memory_space<hbm>> -> memref<128xi32, #tpu.memory_space<hbm>>
    %dma_wait3A_60 = arith.constant 0 : i32
    %dma_wait3A_61 = tpu.memref_slice %arg5[%dma_wait3A_52, %dma_wait3A_53, %dma_wait3A_60] : memref<4x2x128xi32, #tpu.memory_space<vmem>> -> memref<1x1x128xi32, #tpu.memory_space<vmem>>
    %dma_wait3A_62 = tpu.memref_squeeze %dma_wait3A_61 : memref<1x1x128xi32, #tpu.memory_space<vmem>> -> memref<128xi32, #tpu.memory_space<vmem>>
    %dma_wait3A_63 = arith.constant 0 : i32
    %dma_wait3A_64 = tpu.memref_slice %arg2[%dma_wait3A_51, %add3A_7, %dma_wait3A_63] : memref<2x2500x128xi32, #tpu.memory_space<hbm>> -> memref<1x1x128xi32, #tpu.memory_space<hbm>>
    %dma_wait3A_65 = tpu.memref_squeeze %dma_wait3A_64 : memref<1x1x128xi32, #tpu.memory_space<hbm>> -> memref<128xi32, #tpu.memory_space<hbm>>
    tpu.wait_dma2 semaphore(%arg9 : memref<!tpu.dma_semaphore, #tpu.memory_space<semaphore_mem>>) src(%dma_wait3A_65 : memref<128xi32, #tpu.memory_space<hbm>>) dst(%dma_wait3A_62 : memref<128xi32, #tpu.memory_space<vmem>>)
    %barrier3A = arith.constant 0 : index
    tpu.barrier barrier_id(%barrier3A)
    %dma_start3A_66 = arith.constant 0 : i32
    %dma_start3A_67 = arith.constant 0 : i32
    %dma_start3A_68 = arith.constant 0 : i32
    %dma_start3A_69 = arith.constant 0 : i32
    %dma_start3A_70 = arith.constant 0 : i32
    %dma_start3A_71 = tpu.memref_slice %arg6[%dma_start3A_68, %dma_start3A_69, %dma_start3A_70] : memref<3x128x32xf32, #tpu.memory_space<vmem>> -> memref<1x128x32xf32, #tpu.memory_space<vmem>>
    %dma_start3A_72 = tpu.memref_squeeze %dma_start3A_71 : memref<1x128x32xf32, #tpu.memory_space<vmem>> -> memref<128x32xf32, #tpu.memory_space<vmem>>
    %dma_start3A_73 = arith.constant 0 : i32
    %dma_start3A_74 = tpu.memref_slice %arg5[%dma_start3A_66, %dma_start3A_67, %dma_start3A_73] : memref<4x2x128xi32, #tpu.memory_space<vmem>> -> memref<1x1x128xi32, #tpu.memory_space<vmem>>
    %dma_start3A_75 = tpu.memref_squeeze %dma_start3A_74 : memref<1x1x128xi32, #tpu.memory_space<vmem>> -> memref<128xi32, #tpu.memory_space<vmem>>
    %dma_start3A_76 = arith.constant 0 : i32
    %dma_start3A_77 = arith.constant 0 : i32
    %dma_start3A_78 = tpu.memref_slice %arg7[%dma_start3A_76, %dma_start3A_77] : memref<10240x32xf32, #tpu.memory_space<vmem_shared>> -> memref<10240x32xf32, #tpu.memory_space<vmem_shared>>
    tpu.enqueue_indirect_dma source(%dma_start3A_78 : memref<10240x32xf32, #tpu.memory_space<vmem_shared>>) target(%dma_start3A_72 : memref<128x32xf32, #tpu.memory_space<vmem>>) offsets(%dma_start3A_75 : memref<128xi32, #tpu.memory_space<vmem>>) semaphore(%arg10 : memref<!tpu.dma_semaphore, #tpu.memory_space<semaphore_mem>>)
    %add3A_79 = arith.constant 1 : i32
    %add3A_80 = arith.addi %mul3A_2, %add3A_79 : i32
    %add3A_81 = arith.constant 1 : i32
    %add3A_82 = arith.addi %mul3A_2, %add3A_81 : i32
    %dma_start3A_83 = arith.constant 0 : i32
    %dma_start3A_84 = arith.constant 1 : i32
    %dma_start3A_85 = arith.constant 0 : i32
    %dma_start3A_86 = arith.constant 0 : i32
    %dma_start3A_87 = tpu.memref_slice %arg5[%dma_start3A_84, %dma_start3A_85, %dma_start3A_86] : memref<4x2x128xi32, #tpu.memory_space<vmem>> -> memref<1x1x128xi32, #tpu.memory_space<vmem>>
    %dma_start3A_88 = tpu.memref_squeeze %dma_start3A_87 : memref<1x1x128xi32, #tpu.memory_space<vmem>> -> memref<128xi32, #tpu.memory_space<vmem>>
    %dma_start3A_89 = arith.constant 0 : i32
    %dma_start3A_90 = tpu.memref_slice %arg2[%dma_start3A_83, %add3A_80, %dma_start3A_89] : memref<2x2500x128xi32, #tpu.memory_space<hbm>> -> memref<1x1x128xi32, #tpu.memory_space<hbm>>
    %dma_start3A_91 = tpu.memref_squeeze %dma_start3A_90 : memref<1x1x128xi32, #tpu.memory_space<hbm>> -> memref<128xi32, #tpu.memory_space<hbm>>
    %dma_start3A_92 = arith.constant 0 : i32
    %dma_start3A_93 = tpu.memref_slice %arg5[%dma_start3A_84, %dma_start3A_85, %dma_start3A_92] : memref<4x2x128xi32, #tpu.memory_space<vmem>> -> memref<1x1x128xi32, #tpu.memory_space<vmem>>
    %dma_start3A_94 = tpu.memref_squeeze %dma_start3A_93 : memref<1x1x128xi32, #tpu.memory_space<vmem>> -> memref<128xi32, #tpu.memory_space<vmem>>
    %dma_start3A_95 = arith.constant 0 : i32
    %dma_start3A_96 = tpu.memref_slice %arg2[%dma_start3A_83, %add3A_80, %dma_start3A_95] : memref<2x2500x128xi32, #tpu.memory_space<hbm>> -> memref<1x1x128xi32, #tpu.memory_space<hbm>>
    %dma_start3A_97 = tpu.memref_squeeze %dma_start3A_96 : memref<1x1x128xi32, #tpu.memory_space<hbm>> -> memref<128xi32, #tpu.memory_space<hbm>>
    tpu.enqueue_dma source(%dma_start3A_97 : memref<128xi32, #tpu.memory_space<hbm>>) target(%dma_start3A_94 : memref<128xi32, #tpu.memory_space<vmem>>) target_semaphore(%arg9 : memref<!tpu.dma_semaphore, #tpu.memory_space<semaphore_mem>>)
    %dma_start3A_98 = arith.constant 1 : i32
    %dma_start3A_99 = arith.constant 1 : i32
    %dma_start3A_100 = arith.constant 1 : i32
    %dma_start3A_101 = arith.constant 0 : i32
    %dma_start3A_102 = tpu.memref_slice %arg5[%dma_start3A_99, %dma_start3A_100, %dma_start3A_101] : memref<4x2x128xi32, #tpu.memory_space<vmem>> -> memref<1x1x128xi32, #tpu.memory_space<vmem>>
    %dma_start3A_103 = tpu.memref_squeeze %dma_start3A_102 : memref<1x1x128xi32, #tpu.memory_space<vmem>> -> memref<128xi32, #tpu.memory_space<vmem>>
    %dma_start3A_104 = arith.constant 0 : i32
    %dma_start3A_105 = tpu.memref_slice %arg2[%dma_start3A_98, %add3A_82, %dma_start3A_104] : memref<2x2500x128xi32, #tpu.memory_space<hbm>> -> memref<1x1x128xi32, #tpu.memory_space<hbm>>
    %dma_start3A_106 = tpu.memref_squeeze %dma_start3A_105 : memref<1x1x128xi32, #tpu.memory_space<hbm>> -> memref<128xi32, #tpu.memory_space<hbm>>
    %dma_start3A_107 = arith.constant 0 : i32
    %dma_start3A_108 = tpu.memref_slice %arg5[%dma_start3A_99, %dma_start3A_100, %dma_start3A_107] : memref<4x2x128xi32, #tpu.memory_space<vmem>> -> memref<1x1x128xi32, #tpu.memory_space<vmem>>
    %dma_start3A_109 = tpu.memref_squeeze %dma_start3A_108 : memref<1x1x128xi32, #tpu.memory_space<vmem>> -> memref<128xi32, #tpu.memory_space<vmem>>
    %dma_start3A_110 = arith.constant 0 : i32
    %dma_start3A_111 = tpu.memref_slice %arg2[%dma_start3A_98, %add3A_82, %dma_start3A_110] : memref<2x2500x128xi32, #tpu.memory_space<hbm>> -> memref<1x1x128xi32, #tpu.memory_space<hbm>>
    %dma_start3A_112 = tpu.memref_squeeze %dma_start3A_111 : memref<1x1x128xi32, #tpu.memory_space<hbm>> -> memref<128xi32, #tpu.memory_space<hbm>>
    tpu.enqueue_dma source(%dma_start3A_112 : memref<128xi32, #tpu.memory_space<hbm>>) target(%dma_start3A_109 : memref<128xi32, #tpu.memory_space<vmem>>) target_semaphore(%arg9 : memref<!tpu.dma_semaphore, #tpu.memory_space<semaphore_mem>>)
    %while3A = arith.constant 0 : i32
    %while3A_113 = arith.constant 0 : i32
    %while3A_114 = arith.subi %select_n3A, %while3A_113 : i32
    %while3A_115 = arith.addi %while3A_113, %while3A_114 : i32
    %while3A_116 = arith.constant 1 : i32
    %while3A_117 = arith.divsi %while3A_114, %while3A_116 : i32
    %while3A_118 = arith.muli %while3A_117, %while3A_116 : i32
    %while3A_119 = arith.addi %while3A_113, %while3A_118 : i32
    %while3A_120 = arith.constant 1 : i32
    scf.for %while3A_159 = %while3A_113 to %while3A_119 step %while3A_120  : i32 {
      %rem3A_160 = arith.constant 3 : i32
      %rem3A_161 = arith.remsi %while3A_159, %rem3A_160 : i32
      %rem3A_162 = arith.constant 4 : i32
      %rem3A_163 = arith.remsi %while3A_159, %rem3A_162 : i32
      %dma_wait3A_164 = arith.constant 0 : i32
      %dma_wait3A_165 = arith.constant 0 : i32
      %dma_wait3A_166 = arith.constant 0 : i32
      %dma_wait3A_167 = tpu.memref_slice %arg6[%rem3A_161, %dma_wait3A_165, %dma_wait3A_166] : memref<3x128x32xf32, #tpu.memory_space<vmem>> -> memref<1x128x32xf32, #tpu.memory_space<vmem>>
      %dma_wait3A_168 = tpu.memref_squeeze %dma_wait3A_167 : memref<1x128x32xf32, #tpu.memory_space<vmem>> -> memref<128x32xf32, #tpu.memory_space<vmem>>
      %dma_wait3A_169 = arith.constant 0 : i32
      %dma_wait3A_170 = tpu.memref_slice %arg5[%rem3A_163, %dma_wait3A_164, %dma_wait3A_169] : memref<4x2x128xi32, #tpu.memory_space<vmem>> -> memref<1x1x128xi32, #tpu.memory_space<vmem>>
      %dma_wait3A_171 = tpu.memref_squeeze %dma_wait3A_170 : memref<1x1x128xi32, #tpu.memory_space<vmem>> -> memref<128xi32, #tpu.memory_space<vmem>>
      %dma_wait3A_172 = arith.constant 0 : i32
      %dma_wait3A_173 = arith.constant 0 : i32
      %dma_wait3A_174 = tpu.memref_slice %arg7[%dma_wait3A_172, %dma_wait3A_173] : memref<10240x32xf32, #tpu.memory_space<vmem_shared>> -> memref<10240x32xf32, #tpu.memory_space<vmem_shared>>
      tpu.wait_indirect_dma semaphore(%arg10 : memref<!tpu.dma_semaphore, #tpu.memory_space<semaphore_mem>>) src(%dma_wait3A_174 : memref<10240x32xf32, #tpu.memory_space<vmem_shared>>) dst(%dma_wait3A_168 : memref<128x32xf32, #tpu.memory_space<vmem>>)
      %dma_start3A_175 = arith.constant 1 : i32
      %dma_start3A_176 = arith.constant 0 : i32
      %dma_start3A_177 = arith.constant 0 : i32
      %dma_start3A_178 = tpu.memref_slice %arg6[%rem3A_161, %dma_start3A_176, %dma_start3A_177] : memref<3x128x32xf32, #tpu.memory_space<vmem>> -> memref<1x128x32xf32, #tpu.memory_space<vmem>>
      %dma_start3A_179 = tpu.memref_squeeze %dma_start3A_178 : memref<1x128x32xf32, #tpu.memory_space<vmem>> -> memref<128x32xf32, #tpu.memory_space<vmem>>
      %dma_start3A_180 = arith.constant 0 : i32
      %dma_start3A_181 = tpu.memref_slice %arg5[%rem3A_163, %dma_start3A_175, %dma_start3A_180] : memref<4x2x128xi32, #tpu.memory_space<vmem>> -> memref<1x1x128xi32, #tpu.memory_space<vmem>>
      %dma_start3A_182 = tpu.memref_squeeze %dma_start3A_181 : memref<1x1x128xi32, #tpu.memory_space<vmem>> -> memref<128xi32, #tpu.memory_space<vmem>>
      %dma_start3A_183 = arith.constant 0 : i32
      %dma_start3A_184 = arith.constant 0 : i32
      %dma_start3A_185 = tpu.memref_slice %arg8[%dma_start3A_183, %dma_start3A_184] : memref<10240x32xf32, #tpu.memory_space<vmem_shared>> -> memref<10240x32xf32, #tpu.memory_space<vmem_shared>>
      tpu.enqueue_indirect_dma source(%dma_start3A_179 : memref<128x32xf32, #tpu.memory_space<vmem>>) target(%dma_start3A_185 : memref<10240x32xf32, #tpu.memory_space<vmem_shared>>) offsets(%dma_start3A_182 : memref<128xi32, #tpu.memory_space<vmem>>) semaphore(%arg11 : memref<!tpu.dma_semaphore, #tpu.memory_space<semaphore_mem>>) {add = true}
      %ge3A = arith.constant 2 : i32
      %ge3A_186 = arith.cmpi sge, %while3A_159, %ge3A : i32
      %convert_element_type3A = arith.extui %ge3A_186 : i1 to i32
      %cond3A = arith.constant 0 : i32
      %cond3A_187 = arith.cmpi ne, %convert_element_type3A, %cond3A : i32
      scf.if %cond3A_187 {
        %add3A_199 = arith.constant 1 : i32
        %add3A_200 = arith.addi %while3A_159, %add3A_199 : i32
        %rem3A_201 = arith.constant 3 : i32
        %rem3A_202 = arith.remsi %add3A_200, %rem3A_201 : i32
        %add3A_203 = arith.constant 2 : i32
        %add3A_204 = arith.addi %while3A_159, %add3A_203 : i32
        %rem3A_205 = arith.constant 4 : i32
        %rem3A_206 = arith.remsi %add3A_204, %rem3A_205 : i32
        %dma_wait3A_207 = arith.constant 1 : i32
        %dma_wait3A_208 = arith.constant 0 : i32
        %dma_wait3A_209 = arith.constant 0 : i32
        %dma_wait3A_210 = tpu.memref_slice %arg6[%rem3A_202, %dma_wait3A_208, %dma_wait3A_209] : memref<3x128x32xf32, #tpu.memory_space<vmem>> -> memref<1x128x32xf32, #tpu.memory_space<vmem>>
        %dma_wait3A_211 = tpu.memref_squeeze %dma_wait3A_210 : memref<1x128x32xf32, #tpu.memory_space<vmem>> -> memref<128x32xf32, #tpu.memory_space<vmem>>
        %dma_wait3A_212 = arith.constant 0 : i32
        %dma_wait3A_213 = tpu.memref_slice %arg5[%rem3A_206, %dma_wait3A_207, %dma_wait3A_212] : memref<4x2x128xi32, #tpu.memory_space<vmem>> -> memref<1x1x128xi32, #tpu.memory_space<vmem>>
        %dma_wait3A_214 = tpu.memref_squeeze %dma_wait3A_213 : memref<1x1x128xi32, #tpu.memory_space<vmem>> -> memref<128xi32, #tpu.memory_space<vmem>>
        %dma_wait3A_215 = arith.constant 0 : i32
        %dma_wait3A_216 = arith.constant 0 : i32
        %dma_wait3A_217 = tpu.memref_slice %arg8[%dma_wait3A_215, %dma_wait3A_216] : memref<10240x32xf32, #tpu.memory_space<vmem_shared>> -> memref<10240x32xf32, #tpu.memory_space<vmem_shared>>
        tpu.wait_indirect_dma semaphore(%arg11 : memref<!tpu.dma_semaphore, #tpu.memory_space<semaphore_mem>>) src(%dma_wait3A_211 : memref<128x32xf32, #tpu.memory_space<vmem>>) dst(%dma_wait3A_217 : memref<10240x32xf32, #tpu.memory_space<vmem_shared>>)
      } else {
      }
      %add3A_188 = arith.constant 1 : i32
      %add3A_189 = arith.addi %while3A_159, %add3A_188 : i32
      %lt3A = arith.cmpi slt, %add3A_189, %select_n3A : i32
      %convert_element_type3A_190 = arith.extui %lt3A : i1 to i32
      %cond3A_191 = arith.constant 0 : i32
      %cond3A_192 = arith.cmpi ne, %convert_element_type3A_190, %cond3A_191 : i32
      scf.if %cond3A_192 {
        %add3A_199 = arith.constant 1 : i32
        %add3A_200 = arith.addi %while3A_159, %add3A_199 : i32
        %add3A_201 = arith.constant 1 : i32
        %add3A_202 = arith.addi %while3A_159, %add3A_201 : i32
        %rem3A_203 = arith.constant 4 : i32
        %rem3A_204 = arith.remsi %add3A_202, %rem3A_203 : i32
        %add3A_205 = arith.addi %mul3A_2, %add3A_200 : i32
        %dma_wait3A_206 = arith.constant 0 : i32
        %dma_wait3A_207 = arith.constant 0 : i32
        %dma_wait3A_208 = arith.constant 0 : i32
        %dma_wait3A_209 = tpu.memref_slice %arg5[%rem3A_204, %dma_wait3A_207, %dma_wait3A_208] : memref<4x2x128xi32, #tpu.memory_space<vmem>> -> memref<1x1x128xi32, #tpu.memory_space<vmem>>
        %dma_wait3A_210 = tpu.memref_squeeze %dma_wait3A_209 : memref<1x1x128xi32, #tpu.memory_space<vmem>> -> memref<128xi32, #tpu.memory_space<vmem>>
        %dma_wait3A_211 = arith.constant 0 : i32
        %dma_wait3A_212 = tpu.memref_slice %arg2[%dma_wait3A_206, %add3A_205, %dma_wait3A_211] : memref<2x2500x128xi32, #tpu.memory_space<hbm>> -> memref<1x1x128xi32, #tpu.memory_space<hbm>>
        %dma_wait3A_213 = tpu.memref_squeeze %dma_wait3A_212 : memref<1x1x128xi32, #tpu.memory_space<hbm>> -> memref<128xi32, #tpu.memory_space<hbm>>
        %dma_wait3A_214 = arith.constant 0 : i32
        %dma_wait3A_215 = tpu.memref_slice %arg5[%rem3A_204, %dma_wait3A_207, %dma_wait3A_214] : memref<4x2x128xi32, #tpu.memory_space<vmem>> -> memref<1x1x128xi32, #tpu.memory_space<vmem>>
        %dma_wait3A_216 = tpu.memref_squeeze %dma_wait3A_215 : memref<1x1x128xi32, #tpu.memory_space<vmem>> -> memref<128xi32, #tpu.memory_space<vmem>>
        %dma_wait3A_217 = arith.constant 0 : i32
        %dma_wait3A_218 = tpu.memref_slice %arg2[%dma_wait3A_206, %add3A_205, %dma_wait3A_217] : memref<2x2500x128xi32, #tpu.memory_space<hbm>> -> memref<1x1x128xi32, #tpu.memory_space<hbm>>
        %dma_wait3A_219 = tpu.memref_squeeze %dma_wait3A_218 : memref<1x1x128xi32, #tpu.memory_space<hbm>> -> memref<128xi32, #tpu.memory_space<hbm>>
        tpu.wait_dma2 semaphore(%arg9 : memref<!tpu.dma_semaphore, #tpu.memory_space<semaphore_mem>>) src(%dma_wait3A_219 : memref<128xi32, #tpu.memory_space<hbm>>) dst(%dma_wait3A_216 : memref<128xi32, #tpu.memory_space<vmem>>)
        %add3A_220 = arith.addi %mul3A_2, %add3A_200 : i32
        %dma_wait3A_221 = arith.constant 1 : i32
        %dma_wait3A_222 = arith.constant 1 : i32
        %dma_wait3A_223 = arith.constant 0 : i32
        %dma_wait3A_224 = tpu.memref_slice %arg5[%rem3A_204, %dma_wait3A_222, %dma_wait3A_223] : memref<4x2x128xi32, #tpu.memory_space<vmem>> -> memref<1x1x128xi32, #tpu.memory_space<vmem>>
        %dma_wait3A_225 = tpu.memref_squeeze %dma_wait3A_224 : memref<1x1x128xi32, #tpu.memory_space<vmem>> -> memref<128xi32, #tpu.memory_space<vmem>>
        %dma_wait3A_226 = arith.constant 0 : i32
        %dma_wait3A_227 = tpu.memref_slice %arg2[%dma_wait3A_221, %add3A_220, %dma_wait3A_226] : memref<2x2500x128xi32, #tpu.memory_space<hbm>> -> memref<1x1x128xi32, #tpu.memory_space<hbm>>
        %dma_wait3A_228 = tpu.memref_squeeze %dma_wait3A_227 : memref<1x1x128xi32, #tpu.memory_space<hbm>> -> memref<128xi32, #tpu.memory_space<hbm>>
        %dma_wait3A_229 = arith.constant 0 : i32
        %dma_wait3A_230 = tpu.memref_slice %arg5[%rem3A_204, %dma_wait3A_222, %dma_wait3A_229] : memref<4x2x128xi32, #tpu.memory_space<vmem>> -> memref<1x1x128xi32, #tpu.memory_space<vmem>>
        %dma_wait3A_231 = tpu.memref_squeeze %dma_wait3A_230 : memref<1x1x128xi32, #tpu.memory_space<vmem>> -> memref<128xi32, #tpu.memory_space<vmem>>
        %dma_wait3A_232 = arith.constant 0 : i32
        %dma_wait3A_233 = tpu.memref_slice %arg2[%dma_wait3A_221, %add3A_220, %dma_wait3A_232] : memref<2x2500x128xi32, #tpu.memory_space<hbm>> -> memref<1x1x128xi32, #tpu.memory_space<hbm>>
        %dma_wait3A_234 = tpu.memref_squeeze %dma_wait3A_233 : memref<1x1x128xi32, #tpu.memory_space<hbm>> -> memref<128xi32, #tpu.memory_space<hbm>>
        tpu.wait_dma2 semaphore(%arg9 : memref<!tpu.dma_semaphore, #tpu.memory_space<semaphore_mem>>) src(%dma_wait3A_234 : memref<128xi32, #tpu.memory_space<hbm>>) dst(%dma_wait3A_231 : memref<128xi32, #tpu.memory_space<vmem>>)
        %add3A_235 = arith.constant 1 : i32
        %add3A_236 = arith.addi %while3A_159, %add3A_235 : i32
        %rem3A_237 = arith.constant 4 : i32
        %rem3A_238 = arith.remsi %add3A_236, %rem3A_237 : i32
        %add3A_239 = arith.constant 1 : i32
        %add3A_240 = arith.addi %while3A_159, %add3A_239 : i32
        %rem3A_241 = arith.constant 3 : i32
        %rem3A_242 = arith.remsi %add3A_240, %rem3A_241 : i32
        %dma_start3A_243 = arith.constant 0 : i32
        %dma_start3A_244 = arith.constant 0 : i32
        %dma_start3A_245 = arith.constant 0 : i32
        %dma_start3A_246 = tpu.memref_slice %arg6[%rem3A_242, %dma_start3A_244, %dma_start3A_245] : memref<3x128x32xf32, #tpu.memory_space<vmem>> -> memref<1x128x32xf32, #tpu.memory_space<vmem>>
        %dma_start3A_247 = tpu.memref_squeeze %dma_start3A_246 : memref<1x128x32xf32, #tpu.memory_space<vmem>> -> memref<128x32xf32, #tpu.memory_space<vmem>>
        %dma_start3A_248 = arith.constant 0 : i32
        %dma_start3A_249 = tpu.memref_slice %arg5[%rem3A_238, %dma_start3A_243, %dma_start3A_248] : memref<4x2x128xi32, #tpu.memory_space<vmem>> -> memref<1x1x128xi32, #tpu.memory_space<vmem>>
        %dma_start3A_250 = tpu.memref_squeeze %dma_start3A_249 : memref<1x1x128xi32, #tpu.memory_space<vmem>> -> memref<128xi32, #tpu.memory_space<vmem>>
        %dma_start3A_251 = arith.constant 0 : i32
        %dma_start3A_252 = arith.constant 0 : i32
        %dma_start3A_253 = tpu.memref_slice %arg7[%dma_start3A_251, %dma_start3A_252] : memref<10240x32xf32, #tpu.memory_space<vmem_shared>> -> memref<10240x32xf32, #tpu.memory_space<vmem_shared>>
        tpu.enqueue_indirect_dma source(%dma_start3A_253 : memref<10240x32xf32, #tpu.memory_space<vmem_shared>>) target(%dma_start3A_247 : memref<128x32xf32, #tpu.memory_space<vmem>>) offsets(%dma_start3A_250 : memref<128xi32, #tpu.memory_space<vmem>>) semaphore(%arg10 : memref<!tpu.dma_semaphore, #tpu.memory_space<semaphore_mem>>)
      } else {
      }
      %add3A_193 = arith.constant 2 : i32
      %add3A_194 = arith.addi %while3A_159, %add3A_193 : i32
      %lt3A_195 = arith.cmpi slt, %add3A_194, %select_n3A : i32
      %convert_element_type3A_196 = arith.extui %lt3A_195 : i1 to i32
      %cond3A_197 = arith.constant 0 : i32
      %cond3A_198 = arith.cmpi ne, %convert_element_type3A_196, %cond3A_197 : i32
      scf.if %cond3A_198 {
        %add3A_199 = arith.constant 2 : i32
        %add3A_200 = arith.addi %while3A_159, %add3A_199 : i32
        %add3A_201 = arith.constant 2 : i32
        %add3A_202 = arith.addi %while3A_159, %add3A_201 : i32
        %rem3A_203 = arith.constant 4 : i32
        %rem3A_204 = arith.remsi %add3A_202, %rem3A_203 : i32
        %add3A_205 = arith.addi %mul3A_2, %add3A_200 : i32
        %add3A_206 = arith.addi %mul3A_2, %add3A_200 : i32
        %dma_start3A_207 = arith.constant 0 : i32
        %dma_start3A_208 = arith.constant 0 : i32
        %dma_start3A_209 = arith.constant 0 : i32
        %dma_start3A_210 = tpu.memref_slice %arg5[%rem3A_204, %dma_start3A_208, %dma_start3A_209] : memref<4x2x128xi32, #tpu.memory_space<vmem>> -> memref<1x1x128xi32, #tpu.memory_space<vmem>>
        %dma_start3A_211 = tpu.memref_squeeze %dma_start3A_210 : memref<1x1x128xi32, #tpu.memory_space<vmem>> -> memref<128xi32, #tpu.memory_space<vmem>>
        %dma_start3A_212 = arith.constant 0 : i32
        %dma_start3A_213 = tpu.memref_slice %arg2[%dma_start3A_207, %add3A_205, %dma_start3A_212] : memref<2x2500x128xi32, #tpu.memory_space<hbm>> -> memref<1x1x128xi32, #tpu.memory_space<hbm>>
        %dma_start3A_214 = tpu.memref_squeeze %dma_start3A_213 : memref<1x1x128xi32, #tpu.memory_space<hbm>> -> memref<128xi32, #tpu.memory_space<hbm>>
        %dma_start3A_215 = arith.constant 0 : i32
        %dma_start3A_216 = tpu.memref_slice %arg5[%rem3A_204, %dma_start3A_208, %dma_start3A_215] : memref<4x2x128xi32, #tpu.memory_space<vmem>> -> memref<1x1x128xi32, #tpu.memory_space<vmem>>
        %dma_start3A_217 = tpu.memref_squeeze %dma_start3A_216 : memref<1x1x128xi32, #tpu.memory_space<vmem>> -> memref<128xi32, #tpu.memory_space<vmem>>
        %dma_start3A_218 = arith.constant 0 : i32
        %dma_start3A_219 = tpu.memref_slice %arg2[%dma_start3A_207, %add3A_205, %dma_start3A_218] : memref<2x2500x128xi32, #tpu.memory_space<hbm>> -> memref<1x1x128xi32, #tpu.memory_space<hbm>>
        %dma_start3A_220 = tpu.memref_squeeze %dma_start3A_219 : memref<1x1x128xi32, #tpu.memory_space<hbm>> -> memref<128xi32, #tpu.memory_space<hbm>>
        tpu.enqueue_dma source(%dma_start3A_220 : memref<128xi32, #tpu.memory_space<hbm>>) target(%dma_start3A_217 : memref<128xi32, #tpu.memory_space<vmem>>) target_semaphore(%arg9 : memref<!tpu.dma_semaphore, #tpu.memory_space<semaphore_mem>>)
        %dma_start3A_221 = arith.constant 1 : i32
        %dma_start3A_222 = arith.constant 1 : i32
        %dma_start3A_223 = arith.constant 0 : i32
        %dma_start3A_224 = tpu.memref_slice %arg5[%rem3A_204, %dma_start3A_222, %dma_start3A_223] : memref<4x2x128xi32, #tpu.memory_space<vmem>> -> memref<1x1x128xi32, #tpu.memory_space<vmem>>
        %dma_start3A_225 = tpu.memref_squeeze %dma_start3A_224 : memref<1x1x128xi32, #tpu.memory_space<vmem>> -> memref<128xi32, #tpu.memory_space<vmem>>
        %dma_start3A_226 = arith.constant 0 : i32
        %dma_start3A_227 = tpu.memref_slice %arg2[%dma_start3A_221, %add3A_206, %dma_start3A_226] : memref<2x2500x128xi32, #tpu.memory_space<hbm>> -> memref<1x1x128xi32, #tpu.memory_space<hbm>>
        %dma_start3A_228 = tpu.memref_squeeze %dma_start3A_227 : memref<1x1x128xi32, #tpu.memory_space<hbm>> -> memref<128xi32, #tpu.memory_space<hbm>>
        %dma_start3A_229 = arith.constant 0 : i32
        %dma_start3A_230 = tpu.memref_slice %arg5[%rem3A_204, %dma_start3A_222, %dma_start3A_229] : memref<4x2x128xi32, #tpu.memory_space<vmem>> -> memref<1x1x128xi32, #tpu.memory_space<vmem>>
        %dma_start3A_231 = tpu.memref_squeeze %dma_start3A_230 : memref<1x1x128xi32, #tpu.memory_space<vmem>> -> memref<128xi32, #tpu.memory_space<vmem>>
        %dma_start3A_232 = arith.constant 0 : i32
        %dma_start3A_233 = tpu.memref_slice %arg2[%dma_start3A_221, %add3A_206, %dma_start3A_232] : memref<2x2500x128xi32, #tpu.memory_space<hbm>> -> memref<1x1x128xi32, #tpu.memory_space<hbm>>
        %dma_start3A_234 = tpu.memref_squeeze %dma_start3A_233 : memref<1x1x128xi32, #tpu.memory_space<hbm>> -> memref<128xi32, #tpu.memory_space<hbm>>
        tpu.enqueue_dma source(%dma_start3A_234 : memref<128xi32, #tpu.memory_space<hbm>>) target(%dma_start3A_231 : memref<128xi32, #tpu.memory_space<vmem>>) target_semaphore(%arg9 : memref<!tpu.dma_semaphore, #tpu.memory_space<semaphore_mem>>)
      } else {
      }
    }
    %while3A_121 = arith.constant 1 : i32
    scf.for %while3A_159 = %while3A_119 to %while3A_115 step %while3A_121  : i32 {
      %rem3A_160 = arith.constant 3 : i32
      %rem3A_161 = arith.remsi %while3A_159, %rem3A_160 : i32
      %rem3A_162 = arith.constant 4 : i32
      %rem3A_163 = arith.remsi %while3A_159, %rem3A_162 : i32
      %dma_wait3A_164 = arith.constant 0 : i32
      %dma_wait3A_165 = arith.constant 0 : i32
      %dma_wait3A_166 = arith.constant 0 : i32
      %dma_wait3A_167 = tpu.memref_slice %arg6[%rem3A_161, %dma_wait3A_165, %dma_wait3A_166] : memref<3x128x32xf32, #tpu.memory_space<vmem>> -> memref<1x128x32xf32, #tpu.memory_space<vmem>>
      %dma_wait3A_168 = tpu.memref_squeeze %dma_wait3A_167 : memref<1x128x32xf32, #tpu.memory_space<vmem>> -> memref<128x32xf32, #tpu.memory_space<vmem>>
      %dma_wait3A_169 = arith.constant 0 : i32
      %dma_wait3A_170 = tpu.memref_slice %arg5[%rem3A_163, %dma_wait3A_164, %dma_wait3A_169] : memref<4x2x128xi32, #tpu.memory_space<vmem>> -> memref<1x1x128xi32, #tpu.memory_space<vmem>>
      %dma_wait3A_171 = tpu.memref_squeeze %dma_wait3A_170 : memref<1x1x128xi32, #tpu.memory_space<vmem>> -> memref<128xi32, #tpu.memory_space<vmem>>
      %dma_wait3A_172 = arith.constant 0 : i32
      %dma_wait3A_173 = arith.constant 0 : i32
      %dma_wait3A_174 = tpu.memref_slice %arg7[%dma_wait3A_172, %dma_wait3A_173] : memref<10240x32xf32, #tpu.memory_space<vmem_shared>> -> memref<10240x32xf32, #tpu.memory_space<vmem_shared>>
      tpu.wait_indirect_dma semaphore(%arg10 : memref<!tpu.dma_semaphore, #tpu.memory_space<semaphore_mem>>) src(%dma_wait3A_174 : memref<10240x32xf32, #tpu.memory_space<vmem_shared>>) dst(%dma_wait3A_168 : memref<128x32xf32, #tpu.memory_space<vmem>>)
      %dma_start3A_175 = arith.constant 1 : i32
      %dma_start3A_176 = arith.constant 0 : i32
      %dma_start3A_177 = arith.constant 0 : i32
      %dma_start3A_178 = tpu.memref_slice %arg6[%rem3A_161, %dma_start3A_176, %dma_start3A_177] : memref<3x128x32xf32, #tpu.memory_space<vmem>> -> memref<1x128x32xf32, #tpu.memory_space<vmem>>
      %dma_start3A_179 = tpu.memref_squeeze %dma_start3A_178 : memref<1x128x32xf32, #tpu.memory_space<vmem>> -> memref<128x32xf32, #tpu.memory_space<vmem>>
      %dma_start3A_180 = arith.constant 0 : i32
      %dma_start3A_181 = tpu.memref_slice %arg5[%rem3A_163, %dma_start3A_175, %dma_start3A_180] : memref<4x2x128xi32, #tpu.memory_space<vmem>> -> memref<1x1x128xi32, #tpu.memory_space<vmem>>
      %dma_start3A_182 = tpu.memref_squeeze %dma_start3A_181 : memref<1x1x128xi32, #tpu.memory_space<vmem>> -> memref<128xi32, #tpu.memory_space<vmem>>
      %dma_start3A_183 = arith.constant 0 : i32
      %dma_start3A_184 = arith.constant 0 : i32
      %dma_start3A_185 = tpu.memref_slice %arg8[%dma_start3A_183, %dma_start3A_184] : memref<10240x32xf32, #tpu.memory_space<vmem_shared>> -> memref<10240x32xf32, #tpu.memory_space<vmem_shared>>
      tpu.enqueue_indirect_dma source(%dma_start3A_179 : memref<128x32xf32, #tpu.memory_space<vmem>>) target(%dma_start3A_185 : memref<10240x32xf32, #tpu.memory_space<vmem_shared>>) offsets(%dma_start3A_182 : memref<128xi32, #tpu.memory_space<vmem>>) semaphore(%arg11 : memref<!tpu.dma_semaphore, #tpu.memory_space<semaphore_mem>>) {add = true}
      %ge3A = arith.constant 2 : i32
      %ge3A_186 = arith.cmpi sge, %while3A_159, %ge3A : i32
      %convert_element_type3A = arith.extui %ge3A_186 : i1 to i32
      %cond3A = arith.constant 0 : i32
      %cond3A_187 = arith.cmpi ne, %convert_element_type3A, %cond3A : i32
      scf.if %cond3A_187 {
        %add3A_199 = arith.constant 1 : i32
        %add3A_200 = arith.addi %while3A_159, %add3A_199 : i32
        %rem3A_201 = arith.constant 3 : i32
        %rem3A_202 = arith.remsi %add3A_200, %rem3A_201 : i32
        %add3A_203 = arith.constant 2 : i32
        %add3A_204 = arith.addi %while3A_159, %add3A_203 : i32
        %rem3A_205 = arith.constant 4 : i32
        %rem3A_206 = arith.remsi %add3A_204, %rem3A_205 : i32
        %dma_wait3A_207 = arith.constant 1 : i32
        %dma_wait3A_208 = arith.constant 0 : i32
        %dma_wait3A_209 = arith.constant 0 : i32
        %dma_wait3A_210 = tpu.memref_slice %arg6[%rem3A_202, %dma_wait3A_208, %dma_wait3A_209] : memref<3x128x32xf32, #tpu.memory_space<vmem>> -> memref<1x128x32xf32, #tpu.memory_space<vmem>>
        %dma_wait3A_211 = tpu.memref_squeeze %dma_wait3A_210 : memref<1x128x32xf32, #tpu.memory_space<vmem>> -> memref<128x32xf32, #tpu.memory_space<vmem>>
        %dma_wait3A_212 = arith.constant 0 : i32
        %dma_wait3A_213 = tpu.memref_slice %arg5[%rem3A_206, %dma_wait3A_207, %dma_wait3A_212] : memref<4x2x128xi32, #tpu.memory_space<vmem>> -> memref<1x1x128xi32, #tpu.memory_space<vmem>>
        %dma_wait3A_214 = tpu.memref_squeeze %dma_wait3A_213 : memref<1x1x128xi32, #tpu.memory_space<vmem>> -> memref<128xi32, #tpu.memory_space<vmem>>
        %dma_wait3A_215 = arith.constant 0 : i32
        %dma_wait3A_216 = arith.constant 0 : i32
        %dma_wait3A_217 = tpu.memref_slice %arg8[%dma_wait3A_215, %dma_wait3A_216] : memref<10240x32xf32, #tpu.memory_space<vmem_shared>> -> memref<10240x32xf32, #tpu.memory_space<vmem_shared>>
        tpu.wait_indirect_dma semaphore(%arg11 : memref<!tpu.dma_semaphore, #tpu.memory_space<semaphore_mem>>) src(%dma_wait3A_211 : memref<128x32xf32, #tpu.memory_space<vmem>>) dst(%dma_wait3A_217 : memref<10240x32xf32, #tpu.memory_space<vmem_shared>>)
      } else {
      }
      %add3A_188 = arith.constant 1 : i32
      %add3A_189 = arith.addi %while3A_159, %add3A_188 : i32
      %lt3A = arith.cmpi slt, %add3A_189, %select_n3A : i32
      %convert_element_type3A_190 = arith.extui %lt3A : i1 to i32
      %cond3A_191 = arith.constant 0 : i32
      %cond3A_192 = arith.cmpi ne, %convert_element_type3A_190, %cond3A_191 : i32
      scf.if %cond3A_192 {
        %add3A_199 = arith.constant 1 : i32
        %add3A_200 = arith.addi %while3A_159, %add3A_199 : i32
        %add3A_201 = arith.constant 1 : i32
        %add3A_202 = arith.addi %while3A_159, %add3A_201 : i32
        %rem3A_203 = arith.constant 4 : i32
        %rem3A_204 = arith.remsi %add3A_202, %rem3A_203 : i32
        %add3A_205 = arith.addi %mul3A_2, %add3A_200 : i32
        %dma_wait3A_206 = arith.constant 0 : i32
        %dma_wait3A_207 = arith.constant 0 : i32
        %dma_wait3A_208 = arith.constant 0 : i32
        %dma_wait3A_209 = tpu.memref_slice %arg5[%rem3A_204, %dma_wait3A_207, %dma_wait3A_208] : memref<4x2x128xi32, #tpu.memory_space<vmem>> -> memref<1x1x128xi32, #tpu.memory_space<vmem>>
        %dma_wait3A_210 = tpu.memref_squeeze %dma_wait3A_209 : memref<1x1x128xi32, #tpu.memory_space<vmem>> -> memref<128xi32, #tpu.memory_space<vmem>>
        %dma_wait3A_211 = arith.constant 0 : i32
        %dma_wait3A_212 = tpu.memref_slice %arg2[%dma_wait3A_206, %add3A_205, %dma_wait3A_211] : memref<2x2500x128xi32, #tpu.memory_space<hbm>> -> memref<1x1x128xi32, #tpu.memory_space<hbm>>
        %dma_wait3A_213 = tpu.memref_squeeze %dma_wait3A_212 : memref<1x1x128xi32, #tpu.memory_space<hbm>> -> memref<128xi32, #tpu.memory_space<hbm>>
        %dma_wait3A_214 = arith.constant 0 : i32
        %dma_wait3A_215 = tpu.memref_slice %arg5[%rem3A_204, %dma_wait3A_207, %dma_wait3A_214] : memref<4x2x128xi32, #tpu.memory_space<vmem>> -> memref<1x1x128xi32, #tpu.memory_space<vmem>>
        %dma_wait3A_216 = tpu.memref_squeeze %dma_wait3A_215 : memref<1x1x128xi32, #tpu.memory_space<vmem>> -> memref<128xi32, #tpu.memory_space<vmem>>
        %dma_wait3A_217 = arith.constant 0 : i32
        %dma_wait3A_218 = tpu.memref_slice %arg2[%dma_wait3A_206, %add3A_205, %dma_wait3A_217] : memref<2x2500x128xi32, #tpu.memory_space<hbm>> -> memref<1x1x128xi32, #tpu.memory_space<hbm>>
        %dma_wait3A_219 = tpu.memref_squeeze %dma_wait3A_218 : memref<1x1x128xi32, #tpu.memory_space<hbm>> -> memref<128xi32, #tpu.memory_space<hbm>>
        tpu.wait_dma2 semaphore(%arg9 : memref<!tpu.dma_semaphore, #tpu.memory_space<semaphore_mem>>) src(%dma_wait3A_219 : memref<128xi32, #tpu.memory_space<hbm>>) dst(%dma_wait3A_216 : memref<128xi32, #tpu.memory_space<vmem>>)
        %add3A_220 = arith.addi %mul3A_2, %add3A_200 : i32
        %dma_wait3A_221 = arith.constant 1 : i32
        %dma_wait3A_222 = arith.constant 1 : i32
        %dma_wait3A_223 = arith.constant 0 : i32
        %dma_wait3A_224 = tpu.memref_slice %arg5[%rem3A_204, %dma_wait3A_222, %dma_wait3A_223] : memref<4x2x128xi32, #tpu.memory_space<vmem>> -> memref<1x1x128xi32, #tpu.memory_space<vmem>>
        %dma_wait3A_225 = tpu.memref_squeeze %dma_wait3A_224 : memref<1x1x128xi32, #tpu.memory_space<vmem>> -> memref<128xi32, #tpu.memory_space<vmem>>
        %dma_wait3A_226 = arith.constant 0 : i32
        %dma_wait3A_227 = tpu.memref_slice %arg2[%dma_wait3A_221, %add3A_220, %dma_wait3A_226] : memref<2x2500x128xi32, #tpu.memory_space<hbm>> -> memref<1x1x128xi32, #tpu.memory_space<hbm>>
        %dma_wait3A_228 = tpu.memref_squeeze %dma_wait3A_227 : memref<1x1x128xi32, #tpu.memory_space<hbm>> -> memref<128xi32, #tpu.memory_space<hbm>>
        %dma_wait3A_229 = arith.constant 0 : i32
        %dma_wait3A_230 = tpu.memref_slice %arg5[%rem3A_204, %dma_wait3A_222, %dma_wait3A_229] : memref<4x2x128xi32, #tpu.memory_space<vmem>> -> memref<1x1x128xi32, #tpu.memory_space<vmem>>
        %dma_wait3A_231 = tpu.memref_squeeze %dma_wait3A_230 : memref<1x1x128xi32, #tpu.memory_space<vmem>> -> memref<128xi32, #tpu.memory_space<vmem>>
        %dma_wait3A_232 = arith.constant 0 : i32
        %dma_wait3A_233 = tpu.memref_slice %arg2[%dma_wait3A_221, %add3A_220, %dma_wait3A_232] : memref<2x2500x128xi32, #tpu.memory_space<hbm>> -> memref<1x1x128xi32, #tpu.memory_space<hbm>>
        %dma_wait3A_234 = tpu.memref_squeeze %dma_wait3A_233 : memref<1x1x128xi32, #tpu.memory_space<hbm>> -> memref<128xi32, #tpu.memory_space<hbm>>
        tpu.wait_dma2 semaphore(%arg9 : memref<!tpu.dma_semaphore, #tpu.memory_space<semaphore_mem>>) src(%dma_wait3A_234 : memref<128xi32, #tpu.memory_space<hbm>>) dst(%dma_wait3A_231 : memref<128xi32, #tpu.memory_space<vmem>>)
        %add3A_235 = arith.constant 1 : i32
        %add3A_236 = arith.addi %while3A_159, %add3A_235 : i32
        %rem3A_237 = arith.constant 4 : i32
        %rem3A_238 = arith.remsi %add3A_236, %rem3A_237 : i32
        %add3A_239 = arith.constant 1 : i32
        %add3A_240 = arith.addi %while3A_159, %add3A_239 : i32
        %rem3A_241 = arith.constant 3 : i32
        %rem3A_242 = arith.remsi %add3A_240, %rem3A_241 : i32
        %dma_start3A_243 = arith.constant 0 : i32
        %dma_start3A_244 = arith.constant 0 : i32
        %dma_start3A_245 = arith.constant 0 : i32
        %dma_start3A_246 = tpu.memref_slice %arg6[%rem3A_242, %dma_start3A_244, %dma_start3A_245] : memref<3x128x32xf32, #tpu.memory_space<vmem>> -> memref<1x128x32xf32, #tpu.memory_space<vmem>>
        %dma_start3A_247 = tpu.memref_squeeze %dma_start3A_246 : memref<1x128x32xf32, #tpu.memory_space<vmem>> -> memref<128x32xf32, #tpu.memory_space<vmem>>
        %dma_start3A_248 = arith.constant 0 : i32
        %dma_start3A_249 = tpu.memref_slice %arg5[%rem3A_238, %dma_start3A_243, %dma_start3A_248] : memref<4x2x128xi32, #tpu.memory_space<vmem>> -> memref<1x1x128xi32, #tpu.memory_space<vmem>>
        %dma_start3A_250 = tpu.memref_squeeze %dma_start3A_249 : memref<1x1x128xi32, #tpu.memory_space<vmem>> -> memref<128xi32, #tpu.memory_space<vmem>>
        %dma_start3A_251 = arith.constant 0 : i32
        %dma_start3A_252 = arith.constant 0 : i32
        %dma_start3A_253 = tpu.memref_slice %arg7[%dma_start3A_251, %dma_start3A_252] : memref<10240x32xf32, #tpu.memory_space<vmem_shared>> -> memref<10240x32xf32, #tpu.memory_space<vmem_shared>>
        tpu.enqueue_indirect_dma source(%dma_start3A_253 : memref<10240x32xf32, #tpu.memory_space<vmem_shared>>) target(%dma_start3A_247 : memref<128x32xf32, #tpu.memory_space<vmem>>) offsets(%dma_start3A_250 : memref<128xi32, #tpu.memory_space<vmem>>) semaphore(%arg10 : memref<!tpu.dma_semaphore, #tpu.memory_space<semaphore_mem>>)
      } else {
      }
      %add3A_193 = arith.constant 2 : i32
      %add3A_194 = arith.addi %while3A_159, %add3A_193 : i32
      %lt3A_195 = arith.cmpi slt, %add3A_194, %select_n3A : i32
      %convert_element_type3A_196 = arith.extui %lt3A_195 : i1 to i32
      %cond3A_197 = arith.constant 0 : i32
      %cond3A_198 = arith.cmpi ne, %convert_element_type3A_196, %cond3A_197 : i32
      scf.if %cond3A_198 {
        %add3A_199 = arith.constant 2 : i32
        %add3A_200 = arith.addi %while3A_159, %add3A_199 : i32
        %add3A_201 = arith.constant 2 : i32
        %add3A_202 = arith.addi %while3A_159, %add3A_201 : i32
        %rem3A_203 = arith.constant 4 : i32
        %rem3A_204 = arith.remsi %add3A_202, %rem3A_203 : i32
        %add3A_205 = arith.addi %mul3A_2, %add3A_200 : i32
        %add3A_206 = arith.addi %mul3A_2, %add3A_200 : i32
        %dma_start3A_207 = arith.constant 0 : i32
        %dma_start3A_208 = arith.constant 0 : i32
        %dma_start3A_209 = arith.constant 0 : i32
        %dma_start3A_210 = tpu.memref_slice %arg5[%rem3A_204, %dma_start3A_208, %dma_start3A_209] : memref<4x2x128xi32, #tpu.memory_space<vmem>> -> memref<1x1x128xi32, #tpu.memory_space<vmem>>
        %dma_start3A_211 = tpu.memref_squeeze %dma_start3A_210 : memref<1x1x128xi32, #tpu.memory_space<vmem>> -> memref<128xi32, #tpu.memory_space<vmem>>
        %dma_start3A_212 = arith.constant 0 : i32
        %dma_start3A_213 = tpu.memref_slice %arg2[%dma_start3A_207, %add3A_205, %dma_start3A_212] : memref<2x2500x128xi32, #tpu.memory_space<hbm>> -> memref<1x1x128xi32, #tpu.memory_space<hbm>>
        %dma_start3A_214 = tpu.memref_squeeze %dma_start3A_213 : memref<1x1x128xi32, #tpu.memory_space<hbm>> -> memref<128xi32, #tpu.memory_space<hbm>>
        %dma_start3A_215 = arith.constant 0 : i32
        %dma_start3A_216 = tpu.memref_slice %arg5[%rem3A_204, %dma_start3A_208, %dma_start3A_215] : memref<4x2x128xi32, #tpu.memory_space<vmem>> -> memref<1x1x128xi32, #tpu.memory_space<vmem>>
        %dma_start3A_217 = tpu.memref_squeeze %dma_start3A_216 : memref<1x1x128xi32, #tpu.memory_space<vmem>> -> memref<128xi32, #tpu.memory_space<vmem>>
        %dma_start3A_218 = arith.constant 0 : i32
        %dma_start3A_219 = tpu.memref_slice %arg2[%dma_start3A_207, %add3A_205, %dma_start3A_218] : memref<2x2500x128xi32, #tpu.memory_space<hbm>> -> memref<1x1x128xi32, #tpu.memory_space<hbm>>
        %dma_start3A_220 = tpu.memref_squeeze %dma_start3A_219 : memref<1x1x128xi32, #tpu.memory_space<hbm>> -> memref<128xi32, #tpu.memory_space<hbm>>
        tpu.enqueue_dma source(%dma_start3A_220 : memref<128xi32, #tpu.memory_space<hbm>>) target(%dma_start3A_217 : memref<128xi32, #tpu.memory_space<vmem>>) target_semaphore(%arg9 : memref<!tpu.dma_semaphore, #tpu.memory_space<semaphore_mem>>)
        %dma_start3A_221 = arith.constant 1 : i32
        %dma_start3A_222 = arith.constant 1 : i32
        %dma_start3A_223 = arith.constant 0 : i32
        %dma_start3A_224 = tpu.memref_slice %arg5[%rem3A_204, %dma_start3A_222, %dma_start3A_223] : memref<4x2x128xi32, #tpu.memory_space<vmem>> -> memref<1x1x128xi32, #tpu.memory_space<vmem>>
        %dma_start3A_225 = tpu.memref_squeeze %dma_start3A_224 : memref<1x1x128xi32, #tpu.memory_space<vmem>> -> memref<128xi32, #tpu.memory_space<vmem>>
        %dma_start3A_226 = arith.constant 0 : i32
        %dma_start3A_227 = tpu.memref_slice %arg2[%dma_start3A_221, %add3A_206, %dma_start3A_226] : memref<2x2500x128xi32, #tpu.memory_space<hbm>> -> memref<1x1x128xi32, #tpu.memory_space<hbm>>
        %dma_start3A_228 = tpu.memref_squeeze %dma_start3A_227 : memref<1x1x128xi32, #tpu.memory_space<hbm>> -> memref<128xi32, #tpu.memory_space<hbm>>
        %dma_start3A_229 = arith.constant 0 : i32
        %dma_start3A_230 = tpu.memref_slice %arg5[%rem3A_204, %dma_start3A_222, %dma_start3A_229] : memref<4x2x128xi32, #tpu.memory_space<vmem>> -> memref<1x1x128xi32, #tpu.memory_space<vmem>>
        %dma_start3A_231 = tpu.memref_squeeze %dma_start3A_230 : memref<1x1x128xi32, #tpu.memory_space<vmem>> -> memref<128xi32, #tpu.memory_space<vmem>>
        %dma_start3A_232 = arith.constant 0 : i32
        %dma_start3A_233 = tpu.memref_slice %arg2[%dma_start3A_221, %add3A_206, %dma_start3A_232] : memref<2x2500x128xi32, #tpu.memory_space<hbm>> -> memref<1x1x128xi32, #tpu.memory_space<hbm>>
        %dma_start3A_234 = tpu.memref_squeeze %dma_start3A_233 : memref<1x1x128xi32, #tpu.memory_space<hbm>> -> memref<128xi32, #tpu.memory_space<hbm>>
        tpu.enqueue_dma source(%dma_start3A_234 : memref<128xi32, #tpu.memory_space<hbm>>) target(%dma_start3A_231 : memref<128xi32, #tpu.memory_space<vmem>>) target_semaphore(%arg9 : memref<!tpu.dma_semaphore, #tpu.memory_space<semaphore_mem>>)
      } else {
      }
    }
    %sub3A = arith.constant 2 : i32
    %sub3A_122 = arith.subi %select_n3A, %sub3A : i32
    %rem3A = arith.constant 3 : i32
    %rem3A_123 = arith.remsi %sub3A_122, %rem3A : i32
    %sub3A_124 = arith.constant 2 : i32
    %sub3A_125 = arith.subi %select_n3A, %sub3A_124 : i32
    %rem3A_126 = arith.constant 4 : i32
    %rem3A_127 = arith.remsi %sub3A_125, %rem3A_126 : i32
    %dma_wait3A_128 = arith.constant 1 : i32
    %dma_wait3A_129 = arith.constant 0 : i32
    %dma_wait3A_130 = arith.constant 0 : i32
    %dma_wait3A_131 = tpu.memref_slice %arg6[%rem3A_123, %dma_wait3A_129, %dma_wait3A_130] : memref<3x128x32xf32, #tpu.memory_space<vmem>> -> memref<1x128x32xf32, #tpu.memory_space<vmem>>
    %dma_wait3A_132 = tpu.memref_squeeze %dma_wait3A_131 : memref<1x128x32xf32, #tpu.memory_space<vmem>> -> memref<128x32xf32, #tpu.memory_space<vmem>>
    %dma_wait3A_133 = arith.constant 0 : i32
    %dma_wait3A_134 = tpu.memref_slice %arg5[%rem3A_127, %dma_wait3A_128, %dma_wait3A_133] : memref<4x2x128xi32, #tpu.memory_space<vmem>> -> memref<1x1x128xi32, #tpu.memory_space<vmem>>
    %dma_wait3A_135 = tpu.memref_squeeze %dma_wait3A_134 : memref<1x1x128xi32, #tpu.memory_space<vmem>> -> memref<128xi32, #tpu.memory_space<vmem>>
    %dma_wait3A_136 = arith.constant 0 : i32
    %dma_wait3A_137 = arith.constant 0 : i32
    %dma_wait3A_138 = tpu.memref_slice %arg8[%dma_wait3A_136, %dma_wait3A_137] : memref<10240x32xf32, #tpu.memory_space<vmem_shared>> -> memref<10240x32xf32, #tpu.memory_space<vmem_shared>>
    tpu.wait_indirect_dma semaphore(%arg11 : memref<!tpu.dma_semaphore, #tpu.memory_space<semaphore_mem>>) src(%dma_wait3A_132 : memref<128x32xf32, #tpu.memory_space<vmem>>) dst(%dma_wait3A_138 : memref<10240x32xf32, #tpu.memory_space<vmem_shared>>)
    %sub3A_139 = arith.constant 1 : i32
    %sub3A_140 = arith.subi %select_n3A, %sub3A_139 : i32
    %rem3A_141 = arith.constant 3 : i32
    %rem3A_142 = arith.remsi %sub3A_140, %rem3A_141 : i32
    %sub3A_143 = arith.constant 1 : i32
    %sub3A_144 = arith.subi %select_n3A, %sub3A_143 : i32
    %rem3A_145 = arith.constant 4 : i32
    %rem3A_146 = arith.remsi %sub3A_144, %rem3A_145 : i32
    %dma_wait3A_147 = arith.constant 1 : i32
    %dma_wait3A_148 = arith.constant 0 : i32
    %dma_wait3A_149 = arith.constant 0 : i32
    %dma_wait3A_150 = tpu.memref_slice %arg6[%rem3A_142, %dma_wait3A_148, %dma_wait3A_149] : memref<3x128x32xf32, #tpu.memory_space<vmem>> -> memref<1x128x32xf32, #tpu.memory_space<vmem>>
    %dma_wait3A_151 = tpu.memref_squeeze %dma_wait3A_150 : memref<1x128x32xf32, #tpu.memory_space<vmem>> -> memref<128x32xf32, #tpu.memory_space<vmem>>
    %dma_wait3A_152 = arith.constant 0 : i32
    %dma_wait3A_153 = tpu.memref_slice %arg5[%rem3A_146, %dma_wait3A_147, %dma_wait3A_152] : memref<4x2x128xi32, #tpu.memory_space<vmem>> -> memref<1x1x128xi32, #tpu.memory_space<vmem>>
    %dma_wait3A_154 = tpu.memref_squeeze %dma_wait3A_153 : memref<1x1x128xi32, #tpu.memory_space<vmem>> -> memref<128xi32, #tpu.memory_space<vmem>>
    %dma_wait3A_155 = arith.constant 0 : i32
    %dma_wait3A_156 = arith.constant 0 : i32
    %dma_wait3A_157 = tpu.memref_slice %arg8[%dma_wait3A_155, %dma_wait3A_156] : memref<10240x32xf32, #tpu.memory_space<vmem_shared>> -> memref<10240x32xf32, #tpu.memory_space<vmem_shared>>
    tpu.wait_indirect_dma semaphore(%arg11 : memref<!tpu.dma_semaphore, #tpu.memory_space<semaphore_mem>>) src(%dma_wait3A_151 : memref<128x32xf32, #tpu.memory_space<vmem>>) dst(%dma_wait3A_157 : memref<10240x32xf32, #tpu.memory_space<vmem_shared>>)
    %barrier3A_158 = arith.constant 0 : index
    tpu.barrier barrier_id(%barrier3A_158)
    "tpu.region"() ({
      %run_scoped3A = tpu.sem_alloc : memref<!tpu.dma_semaphore, #tpu.memory_space<semaphore_mem>>
      %dma_start3A_159 = arith.constant 0 : i32
      %dma_start3A_160 = tpu.memref_slice %arg4[%arg0, %mul3A_0, %dma_start3A_159] : memref<2x10240x32xf32, #tpu.memory_space<hbm>> -> memref<1x640x32xf32, #tpu.memory_space<hbm>>
      %dma_start3A_161 = tpu.memref_squeeze %dma_start3A_160 : memref<1x640x32xf32, #tpu.memory_space<hbm>> -> memref<640x32xf32, #tpu.memory_space<hbm>>
      %dma_start3A_162 = arith.constant 0 : i32
      %dma_start3A_163 = tpu.memref_slice %arg8[%mul3A_0, %dma_start3A_162] : memref<10240x32xf32, #tpu.memory_space<vmem_shared>> -> memref<640x32xf32, #tpu.memory_space<vmem_shared>>
      tpu.enqueue_dma source(%dma_start3A_163 : memref<640x32xf32, #tpu.memory_space<vmem_shared>>) target(%dma_start3A_161 : memref<640x32xf32, #tpu.memory_space<hbm>>) target_semaphore(%run_scoped3A : memref<!tpu.dma_semaphore, #tpu.memory_space<semaphore_mem>>)
      %dma_wait3A_164 = arith.constant 0 : i32
      %dma_wait3A_165 = tpu.memref_slice %arg4[%arg0, %mul3A_0, %dma_wait3A_164] : memref<2x10240x32xf32, #tpu.memory_space<hbm>> -> memref<1x640x32xf32, #tpu.memory_space<hbm>>
      %dma_wait3A_166 = tpu.memref_squeeze %dma_wait3A_165 : memref<1x640x32xf32, #tpu.memory_space<hbm>> -> memref<640x32xf32, #tpu.memory_space<hbm>>
      %dma_wait3A_167 = arith.constant 0 : i32
      %dma_wait3A_168 = tpu.memref_slice %arg8[%mul3A_0, %dma_wait3A_167] : memref<10240x32xf32, #tpu.memory_space<vmem_shared>> -> memref<640x32xf32, #tpu.memory_space<vmem_shared>>
      tpu.wait_dma2 semaphore(%run_scoped3A : memref<!tpu.dma_semaphore, #tpu.memory_space<semaphore_mem>>) src(%dma_wait3A_168 : memref<640x32xf32, #tpu.memory_space<vmem_shared>>) dst(%dma_wait3A_166 : memref<640x32xf32, #tpu.memory_space<hbm>>)
      tpu.yield
    }) : () -> ()
    return
  }
}

module attributes {stable_mosaic.version = 14 : i64} {
  func.func @_tc1_body(%arg0: i32, %arg1: memref<1280x128xf32, #tpu.memory_space<vmem>>, %arg2: memref<128x128xf32, #tpu.memory_space<vmem>>, %arg3: memref<2x1280xf32, #tpu.memory_space<vmem>>, %arg4: memref<2x1280x64xf32, #tpu.memory_space<vmem>>) attributes {dimension_semantics = [#tpu.dimension_semantics<arbitrary>], iteration_bounds = array<i64: 8>, scalar_prefetch = 0 : i64, scratch_operands = 0 : i64, tpu.core_type = #tpu.core_type<tc>, window_params = [{transform_indices = @transform_0, window_bounds = array<i64: 1280, 128>}, {pipeline_mode = #tpu.pipeline_mode<synchronous>, transform_indices = @transform_1, window_bounds = array<i64: 128, 128>}, {transform_indices = @transform_2, window_bounds = array<i64: 2, 1280>}, {transform_indices = @transform_3, window_bounds = array<i64: 2, 1280, 64>}]} {
    %get3A = arith.constant 0 : index
    %get3A_0 = arith.constant 0 : index
    %get3A_1 = vector.load %arg3[%get3A, %get3A_0] : memref<2x1280xf32, #tpu.memory_space<vmem>>, vector<1x1280xf32>
    %get3A_2 = vector.shape_cast %get3A_1 : vector<1x1280xf32> to vector<1280xf32>
    %get3A_3 = arith.constant 1 : index
    %get3A_4 = arith.constant 0 : index
    %get3A_5 = vector.load %arg3[%get3A_3, %get3A_4] : memref<2x1280xf32, #tpu.memory_space<vmem>>, vector<1x1280xf32>
    %get3A_6 = vector.shape_cast %get3A_5 : vector<1x1280xf32> to vector<1280xf32>
    %add3A = arith.addf %get3A_2, %get3A_6 : vector<1280xf32>
    %add3A_7 = arith.constant 1.000000e+00 : f32
    %add3A_8 = vector.broadcast %add3A_7 : f32 to vector<1280xf32>
    %add3A_9 = arith.addf %add3A, %add3A_8 : vector<1280xf32>
    %rsqrt3A = math.rsqrt %add3A_9 : vector<1280xf32>
    %get3A_10 = arith.constant 0 : index
    %get3A_11 = arith.constant 0 : index
    %get3A_12 = vector.load %arg1[%get3A_10, %get3A_11] : memref<1280x128xf32, #tpu.memory_space<vmem>>, vector<1280x128xf32>
    %get3A_13 = arith.constant 0 : index
    %get3A_14 = arith.constant 0 : index
    %get3A_15 = vector.load %arg2[%get3A_13, %get3A_14] : memref<128x128xf32, #tpu.memory_space<vmem>>, vector<128x128xf32>
    %dot_general3A = arith.constant dense<0.000000e+00> : vector<1280x128xf32>
    %dot_general3A_16 = tpu.matmul %get3A_12, %get3A_15, %dot_general3A {dimension_numbers = #tpu.dot_dimension_numbers<[1], [0], [0], [1], [0, 0, 1, 1], [], []>, transpose_lhs_hint = false} : vector<1280x128xf32>, vector<128x128xf32>, vector<1280x128xf32> -> vector<1280x128xf32>
    %broadcast_in_dim3A = vector.shape_cast %rsqrt3A : vector<1280xf32> to vector<1280x1xf32>
    %mul3A = vector.broadcast %broadcast_in_dim3A : vector<1280x1xf32> to vector<1280x128xf32>
    %mul3A_17 = arith.mulf %dot_general3A_16, %mul3A : vector<1280x128xf32>
    %slice3A = vector.extract_strided_slice %mul3A_17 {offsets = [0, 0], sizes = [1280, 64], strides = [1, 1]} : vector<1280x128xf32> to vector<1280x64xf32>
    %swap3A = arith.constant 0 : index
    %swap3A_18 = arith.constant 0 : index
    %swap3A_19 = arith.constant 0 : index
    %swap3A_20 = vector.load %arg4[%swap3A, %swap3A_18, %swap3A_19] : memref<2x1280x64xf32, #tpu.memory_space<vmem>>, vector<1x1280x64xf32>
    %swap3A_21 = vector.shape_cast %swap3A_20 : vector<1x1280x64xf32> to vector<1280x64xf32>
    %swap3A_22 = vector.shape_cast %slice3A : vector<1280x64xf32> to vector<1x1280x64xf32>
    tpu.vector_store %arg4[%swap3A, %swap3A_18, %swap3A_19], %swap3A_22 {strides = array<i32>} : memref<2x1280x64xf32, #tpu.memory_space<vmem>>, vector<1x1280x64xf32>,
    %slice3A_23 = vector.extract_strided_slice %mul3A_17 {offsets = [0, 64], sizes = [1280, 64], strides = [1, 1]} : vector<1280x128xf32> to vector<1280x64xf32>
    %swap3A_24 = arith.constant 1 : index
    %swap3A_25 = arith.constant 0 : index
    %swap3A_26 = arith.constant 0 : index
    %swap3A_27 = vector.load %arg4[%swap3A_24, %swap3A_25, %swap3A_26] : memref<2x1280x64xf32, #tpu.memory_space<vmem>>, vector<1x1280x64xf32>
    %swap3A_28 = vector.shape_cast %swap3A_27 : vector<1x1280x64xf32> to vector<1280x64xf32>
    %swap3A_29 = vector.shape_cast %slice3A_23 : vector<1280x64xf32> to vector<1x1280x64xf32>
    tpu.vector_store %arg4[%swap3A_24, %swap3A_25, %swap3A_26], %swap3A_29 {strides = array<i32>} : memref<2x1280x64xf32, #tpu.memory_space<vmem>>, vector<1x1280x64xf32>,
    return
  }
  func.func @transform_0(%arg0: i32) -> (i32, i32) {
    %c0_i32 = arith.constant 0 : i32
    %c0_i32_0 = arith.constant 0 : i32
    return %arg0, %c0_i32 : i32, i32
  }
  func.func @transform_1(%arg0: i32) -> (i32, i32) {
    %c0_i32 = arith.constant 0 : i32
    %c0_i32_0 = arith.constant 0 : i32
    %c0_i32_1 = arith.constant 0 : i32
    return %c0_i32, %c0_i32_0 : i32, i32
  }
  func.func @transform_2(%arg0: i32) -> (i32, i32) {
    %c0_i32 = arith.constant 0 : i32
    %c0_i32_0 = arith.constant 0 : i32
    return %c0_i32, %arg0 : i32, i32
  }
  func.func @transform_3(%arg0: i32) -> (i32, i32, i32) {
    %c0_i32 = arith.constant 0 : i32
    %c0_i32_0 = arith.constant 0 : i32
    %c0_i32_1 = arith.constant 0 : i32
    return %c0_i32, %arg0, %c0_i32_0 : i32, i32, i32
  }
}

module attributes {stable_mosaic.version = 14 : i64} {
  func.func @_tc2_body(%arg0: i32, %arg1: memref<2x1280x64xf32, #tpu.memory_space<vmem>>, %arg2: memref<2x1280xf32, #tpu.memory_space<vmem>>, %arg3: memref<128xf32, #tpu.memory_space<vmem>>, %arg4: memref<128x64xf32, #tpu.memory_space<vmem>>, %arg5: memref<2x1280x32xf32, #tpu.memory_space<vmem>>) attributes {dimension_semantics = [#tpu.dimension_semantics<arbitrary>], iteration_bounds = array<i64: 8>, scalar_prefetch = 0 : i64, scratch_operands = 0 : i64, tpu.core_type = #tpu.core_type<tc>, window_params = [{transform_indices = @transform_0, window_bounds = array<i64: 2, 1280, 64>}, {transform_indices = @transform_1, window_bounds = array<i64: 2, 1280>}, {pipeline_mode = #tpu.pipeline_mode<synchronous>, transform_indices = @transform_2, window_bounds = array<i64: 128>}, {pipeline_mode = #tpu.pipeline_mode<synchronous>, transform_indices = @transform_3, window_bounds = array<i64: 128, 64>}, {transform_indices = @transform_4, window_bounds = array<i64: 2, 1280, 32>}]} {
    %get3A = arith.constant 0 : index
    %get3A_0 = arith.constant 0 : index
    %get3A_1 = vector.load %arg2[%get3A, %get3A_0] : memref<2x1280xf32, #tpu.memory_space<vmem>>, vector<1x1280xf32>
    %get3A_2 = vector.shape_cast %get3A_1 : vector<1x1280xf32> to vector<1280xf32>
    %get3A_3 = arith.constant 1 : index
    %get3A_4 = arith.constant 0 : index
    %get3A_5 = vector.load %arg2[%get3A_3, %get3A_4] : memref<2x1280xf32, #tpu.memory_space<vmem>>, vector<1x1280xf32>
    %get3A_6 = vector.shape_cast %get3A_5 : vector<1x1280xf32> to vector<1280xf32>
    %add3A = arith.addf %get3A_2, %get3A_6 : vector<1280xf32>
    %add3A_7 = arith.constant 1.000000e+00 : f32
    %add3A_8 = vector.broadcast %add3A_7 : f32 to vector<1280xf32>
    %add3A_9 = arith.addf %add3A, %add3A_8 : vector<1280xf32>
    %rsqrt3A = math.rsqrt %add3A_9 : vector<1280xf32>
    %get3A_10 = arith.constant 0 : index
    %get3A_11 = arith.constant 0 : index
    %get3A_12 = arith.constant 0 : index
    %get3A_13 = vector.load %arg1[%get3A_10, %get3A_11, %get3A_12] : memref<2x1280x64xf32, #tpu.memory_space<vmem>>, vector<1x1280x64xf32>
    %get3A_14 = vector.shape_cast %get3A_13 : vector<1x1280x64xf32> to vector<1280x64xf32>
    %get3A_15 = arith.constant 1 : index
    %get3A_16 = arith.constant 0 : index
    %get3A_17 = arith.constant 0 : index
    %get3A_18 = vector.load %arg1[%get3A_15, %get3A_16, %get3A_17] : memref<2x1280x64xf32, #tpu.memory_space<vmem>>, vector<1x1280x64xf32>
    %get3A_19 = vector.shape_cast %get3A_18 : vector<1x1280x64xf32> to vector<1280x64xf32>
    %concatenate3A = tpu.concatenate %get3A_14, %get3A_19 in 1 : vector<1280x64xf32>, vector<1280x64xf32> -> vector<1280x128xf32>
    %broadcast_in_dim3A = vector.shape_cast %rsqrt3A : vector<1280xf32> to vector<1280x1xf32>
    %mul3A = vector.broadcast %broadcast_in_dim3A : vector<1280x1xf32> to vector<1280x128xf32>
    %mul3A_20 = arith.mulf %concatenate3A, %mul3A : vector<1280x128xf32>
    %get3A_21 = arith.constant 0 : index
    %get3A_22 = vector.load %arg3[%get3A_21] : memref<128xf32, #tpu.memory_space<vmem>>, vector<128xf32>
    %broadcast_in_dim3A_23 = vector.shape_cast %get3A_22 : vector<128xf32> to vector<1x128xf32>
    %add3A_24 = vector.broadcast %broadcast_in_dim3A_23 : vector<1x128xf32> to vector<1280x128xf32>
    %add3A_25 = arith.addf %mul3A_20, %add3A_24 : vector<1280x128xf32>
    %max3A = arith.constant 0.000000e+00 : f32
    %max3A_26 = vector.broadcast %max3A : f32 to vector<1280x128xf32>
    %max3A_27 = arith.maximumf %add3A_25, %max3A_26 : vector<1280x128xf32>
    %mul3A_28 = arith.constant 1280 : i32
    %mul3A_29 = arith.muli %arg0, %mul3A_28 : i32
    %iota3A = tpu.iota {dimensions = array<i32: 0>} : vector<1280x1xi32>
    %add3A_30 = vector.broadcast %mul3A_29 : i32 to vector<1280x1xi32>
    %add3A_31 = arith.addi %add3A_30, %iota3A : vector<1280x1xi32>
    %lt3A = arith.constant 10000 : i32
    %lt3A_32 = vector.broadcast %lt3A : i32 to vector<1280x1xi32>
    %lt3A_33 = arith.cmpi slt, %add3A_31, %lt3A_32 : vector<1280x1xi32>
    %jit3A = arith.constant 0.000000e+00 : f32
    %broadcast_in_dim3A_34 = vector.shape_cast %lt3A_33 : vector<1280x1xi1> to vector<1280x1xi1>
    %broadcast_in_dim3A_35 = vector.broadcast %broadcast_in_dim3A_34 : vector<1280x1xi1> to vector<1280x128xi1>
    %broadcast_in_dim3A_36 = vector.broadcast %jit3A : f32 to vector<1280x128xf32>
    %select_n3A = arith.select %broadcast_in_dim3A_35, %max3A_27, %broadcast_in_dim3A_36 : vector<1280x128xi1>, vector<1280x128xf32>
    %get3A_37 = arith.constant 0 : index
    %get3A_38 = arith.constant 0 : index
    %get3A_39 = vector.load %arg4[%get3A_37, %get3A_38] : memref<128x64xf32, #tpu.memory_space<vmem>>, vector<128x64xf32>
    %dot_general3A = arith.constant dense<0.000000e+00> : vector<1280x64xf32>
    %dot_general3A_40 = tpu.matmul %select_n3A, %get3A_39, %dot_general3A {dimension_numbers = #tpu.dot_dimension_numbers<[1], [0], [0], [1], [0, 0, 1, 1], [], []>, transpose_lhs_hint = false} : vector<1280x128xf32>, vector<128x64xf32>, vector<1280x64xf32> -> vector<1280x64xf32>
    %broadcast_in_dim3A_41 = vector.shape_cast %rsqrt3A : vector<1280xf32> to vector<1280x1xf32>
    %mul3A_42 = vector.broadcast %broadcast_in_dim3A_41 : vector<1280x1xf32> to vector<1280x64xf32>
    %mul3A_43 = arith.mulf %dot_general3A_40, %mul3A_42 : vector<1280x64xf32>
    %slice3A = vector.extract_strided_slice %mul3A_43 {offsets = [0, 0], sizes = [1280, 32], strides = [1, 1]} : vector<1280x64xf32> to vector<1280x32xf32>
    %swap3A = arith.constant 0 : index
    %swap3A_44 = arith.constant 0 : index
    %swap3A_45 = arith.constant 0 : index
    %swap3A_46 = vector.load %arg5[%swap3A, %swap3A_44, %swap3A_45] : memref<2x1280x32xf32, #tpu.memory_space<vmem>>, vector<1x1280x32xf32>
    %swap3A_47 = vector.shape_cast %swap3A_46 : vector<1x1280x32xf32> to vector<1280x32xf32>
    %swap3A_48 = vector.shape_cast %slice3A : vector<1280x32xf32> to vector<1x1280x32xf32>
    tpu.vector_store %arg5[%swap3A, %swap3A_44, %swap3A_45], %swap3A_48 {strides = array<i32>} : memref<2x1280x32xf32, #tpu.memory_space<vmem>>, vector<1x1280x32xf32>,
    %slice3A_49 = vector.extract_strided_slice %mul3A_43 {offsets = [0, 32], sizes = [1280, 32], strides = [1, 1]} : vector<1280x64xf32> to vector<1280x32xf32>
    %swap3A_50 = arith.constant 1 : index
    %swap3A_51 = arith.constant 0 : index
    %swap3A_52 = arith.constant 0 : index
    %swap3A_53 = vector.load %arg5[%swap3A_50, %swap3A_51, %swap3A_52] : memref<2x1280x32xf32, #tpu.memory_space<vmem>>, vector<1x1280x32xf32>
    %swap3A_54 = vector.shape_cast %swap3A_53 : vector<1x1280x32xf32> to vector<1280x32xf32>
    %swap3A_55 = vector.shape_cast %slice3A_49 : vector<1280x32xf32> to vector<1x1280x32xf32>
    tpu.vector_store %arg5[%swap3A_50, %swap3A_51, %swap3A_52], %swap3A_55 {strides = array<i32>} : memref<2x1280x32xf32, #tpu.memory_space<vmem>>, vector<1x1280x32xf32>,
    return
  }
  func.func @transform_0(%arg0: i32) -> (i32, i32, i32) {
    %c0_i32 = arith.constant 0 : i32
    %c0_i32_0 = arith.constant 0 : i32
    %c0_i32_1 = arith.constant 0 : i32
    return %c0_i32, %arg0, %c0_i32_0 : i32, i32, i32
  }
  func.func @transform_1(%arg0: i32) -> (i32, i32) {
    %c0_i32 = arith.constant 0 : i32
    %c0_i32_0 = arith.constant 0 : i32
    return %c0_i32, %arg0 : i32, i32
  }
  func.func @transform_2(%arg0: i32) -> i32 {
    %c0_i32 = arith.constant 0 : i32
    %c0_i32_0 = arith.constant 0 : i32
    return %c0_i32 : i32
  }
  func.func @transform_3(%arg0: i32) -> (i32, i32) {
    %c0_i32 = arith.constant 0 : i32
    %c0_i32_0 = arith.constant 0 : i32
    %c0_i32_1 = arith.constant 0 : i32
    return %c0_i32, %c0_i32_0 : i32, i32
  }
  func.func @transform_4(%arg0: i32) -> (i32, i32, i32) {
    %c0_i32 = arith.constant 0 : i32
    %c0_i32_0 = arith.constant 0 : i32
    %c0_i32_1 = arith.constant 0 : i32
    return %c0_i32, %arg0, %c0_i32_0 : i32, i32, i32
  }
}

module attributes {stable_mosaic.version = 14 : i64} {
  func.func @_tc3_body(%arg0: i32, %arg1: memref<2x1280x32xf32, #tpu.memory_space<vmem>>, %arg2: memref<2x1280xf32, #tpu.memory_space<vmem>>, %arg3: memref<64xf32, #tpu.memory_space<vmem>>, %arg4: memref<1280x64xf32, #tpu.memory_space<vmem>>) attributes {dimension_semantics = [#tpu.dimension_semantics<arbitrary>], iteration_bounds = array<i64: 8>, scalar_prefetch = 0 : i64, scratch_operands = 0 : i64, tpu.core_type = #tpu.core_type<tc>, window_params = [{transform_indices = @transform_0, window_bounds = array<i64: 2, 1280, 32>}, {transform_indices = @transform_1, window_bounds = array<i64: 2, 1280>}, {pipeline_mode = #tpu.pipeline_mode<synchronous>, transform_indices = @transform_2, window_bounds = array<i64: 64>}, {transform_indices = @transform_3, window_bounds = array<i64: 1280, 64>}]} {
    %get3A = arith.constant 0 : index
    %get3A_0 = arith.constant 0 : index
    %get3A_1 = vector.load %arg2[%get3A, %get3A_0] : memref<2x1280xf32, #tpu.memory_space<vmem>>, vector<1x1280xf32>
    %get3A_2 = vector.shape_cast %get3A_1 : vector<1x1280xf32> to vector<1280xf32>
    %get3A_3 = arith.constant 1 : index
    %get3A_4 = arith.constant 0 : index
    %get3A_5 = vector.load %arg2[%get3A_3, %get3A_4] : memref<2x1280xf32, #tpu.memory_space<vmem>>, vector<1x1280xf32>
    %get3A_6 = vector.shape_cast %get3A_5 : vector<1x1280xf32> to vector<1280xf32>
    %add3A = arith.addf %get3A_2, %get3A_6 : vector<1280xf32>
    %add3A_7 = arith.constant 1.000000e+00 : f32
    %add3A_8 = vector.broadcast %add3A_7 : f32 to vector<1280xf32>
    %add3A_9 = arith.addf %add3A, %add3A_8 : vector<1280xf32>
    %rsqrt3A = math.rsqrt %add3A_9 : vector<1280xf32>
    %get3A_10 = arith.constant 0 : index
    %get3A_11 = arith.constant 0 : index
    %get3A_12 = arith.constant 0 : index
    %get3A_13 = vector.load %arg1[%get3A_10, %get3A_11, %get3A_12] : memref<2x1280x32xf32, #tpu.memory_space<vmem>>, vector<1x1280x32xf32>
    %get3A_14 = vector.shape_cast %get3A_13 : vector<1x1280x32xf32> to vector<1280x32xf32>
    %get3A_15 = arith.constant 1 : index
    %get3A_16 = arith.constant 0 : index
    %get3A_17 = arith.constant 0 : index
    %get3A_18 = vector.load %arg1[%get3A_15, %get3A_16, %get3A_17] : memref<2x1280x32xf32, #tpu.memory_space<vmem>>, vector<1x1280x32xf32>
    %get3A_19 = vector.shape_cast %get3A_18 : vector<1x1280x32xf32> to vector<1280x32xf32>
    %concatenate3A = tpu.concatenate %get3A_14, %get3A_19 in 1 : vector<1280x32xf32>, vector<1280x32xf32> -> vector<1280x64xf32>
    %broadcast_in_dim3A = vector.shape_cast %rsqrt3A : vector<1280xf32> to vector<1280x1xf32>
    %mul3A = vector.broadcast %broadcast_in_dim3A : vector<1280x1xf32> to vector<1280x64xf32>
    %mul3A_20 = arith.mulf %concatenate3A, %mul3A : vector<1280x64xf32>
    %get3A_21 = arith.constant 0 : index
    %get3A_22 = vector.load %arg3[%get3A_21] : memref<64xf32, #tpu.memory_space<vmem>>, vector<64xf32>
    %broadcast_in_dim3A_23 = vector.shape_cast %get3A_22 : vector<64xf32> to vector<1x64xf32>
    %add3A_24 = vector.broadcast %broadcast_in_dim3A_23 : vector<1x64xf32> to vector<1280x64xf32>
    %add3A_25 = arith.addf %mul3A_20, %add3A_24 : vector<1280x64xf32>
    %reduce_max3A = arith.constant dense<0xFF800000> : vector<1280xf32>
    %reduce_max3A_26 = vector.multi_reduction <maximumf>, %add3A_25, %reduce_max3A [1] : vector<1280x64xf32> to vector<1280xf32>
    %broadcast_in_dim3A_27 = vector.shape_cast %reduce_max3A_26 : vector<1280xf32> to vector<1280x1xf32>
    %sub3A = vector.broadcast %broadcast_in_dim3A_27 : vector<1280x1xf32> to vector<1280x64xf32>
    %sub3A_28 = arith.subf %add3A_25, %sub3A : vector<1280x64xf32>
    %exp3A = math.exp %sub3A_28 : vector<1280x64xf32>
    %reduce_sum3A = arith.constant dense<0.000000e+00> : vector<1280xf32>
    %reduce_sum3A_29 = vector.multi_reduction <add>, %exp3A, %reduce_sum3A [1] : vector<1280x64xf32> to vector<1280xf32>
    %broadcast_in_dim3A_30 = vector.shape_cast %reduce_sum3A_29 : vector<1280xf32> to vector<1280x1xf32>
    %div3A = vector.broadcast %broadcast_in_dim3A_30 : vector<1280x1xf32> to vector<1280x64xf32>
    %div3A_31 = arith.divf %exp3A, %div3A : vector<1280x64xf32>
    %swap3A = arith.constant 0 : index
    %swap3A_32 = arith.constant 0 : index
    %swap3A_33 = vector.load %arg4[%swap3A, %swap3A_32] : memref<1280x64xf32, #tpu.memory_space<vmem>>, vector<1280x64xf32>
    tpu.vector_store %arg4[%swap3A, %swap3A_32], %div3A_31 {strides = array<i32>} : memref<1280x64xf32, #tpu.memory_space<vmem>>, vector<1280x64xf32>,
    return
  }
  func.func @transform_0(%arg0: i32) -> (i32, i32, i32) {
    %c0_i32 = arith.constant 0 : i32
    %c0_i32_0 = arith.constant 0 : i32
    %c0_i32_1 = arith.constant 0 : i32
    return %c0_i32, %arg0, %c0_i32_0 : i32, i32, i32
  }
  func.func @transform_1(%arg0: i32) -> (i32, i32) {
    %c0_i32 = arith.constant 0 : i32
    %c0_i32_0 = arith.constant 0 : i32
    return %c0_i32, %arg0 : i32, i32
  }
  func.func @transform_2(%arg0: i32) -> i32 {
    %c0_i32 = arith.constant 0 : i32
    %c0_i32_0 = arith.constant 0 : i32
    return %c0_i32 : i32
  }
  func.func @transform_3(%arg0: i32) -> (i32, i32) {
    %c0_i32 = arith.constant 0 : i32
    %c0_i32_0 = arith.constant 0 : i32
    return %arg0, %c0_i32 : i32, i32
  }
}

</mosaic_0001>

<sc_bundles>
// kernel: kernel.11.cloned.1.call-start
scs
__scs_entry_jumppad:
0x0: {  	(pc) =	sbr.rel $0x88, $3  }
0x1: {  	(tag) =	ssettag $0x0;
	lr =	simm.s32 $0x1  }
0x2: {  	[smem:$0x3F9B] =	sst lr;
	_ =	strace $0xD0000000  }
0x3: {  	_ = 	snop  }
0x4: {  	_ = 	snop  }
0x5: {  	_ = 	snop  }
0x6: {  	_ = 	snop  }
0x7: {  	_ = 	snop  }
__scs_overlays_trampoline_lowered:
0x8: {  	[smem:$0x3FAA] =	sst s0  }
0x9: {  	[smem:$0x3FAB] =	sst s1  }
0xa: {  	[smem:$0x3FAC] =	sst s2  }
0xb: {  	[smem:$0x3FAD] =	sst s3  }
0xc: {  	[smem:$0x3FAE] =	sst s4  }
0xd: {  	[smem:$0x3FAF] =	sst s5  }
0xe: {  	[smem:$0x3FB0] =	sst s6  }
0xf: {  	[smem:$0x3FB1] =	sst s7  }
0x10: {  	[smem:$0x3FB2] =	sst s8  }
0x11: {  	[smem:$0x3FB3] =	sst s9;
	s0 =	simm.s32 @!p0 $0x0  }
0x12: {  	s1 =	sld [smem:$0x3F99];
	s0 =	simm.s32 @p0 $0x1  }
0x13: {  	[smem:$0x3FB4] =	sst s0;
	s0 =	simm.s32 @!p1 $0x0  }
0x14: {  	s2 =	sld [smem:$0x3F98];
	s0 =	simm.s32 @p1 $0x1  }
0x15: {  	[smem:$0x3FB5] =	sst s0;
	s0 =	simm.s32 @!p2 $0x0  }
0x16: {  	s3 =	sld [smem:$0x3FDB];
	s0 =	simm.s32 @p2 $0x1  }
0x17: {  	s4 =	simm.s32 $0x1BF5;
	[smem:$0x3FB7] =	sst s0  }
0x18: {  	s0 =	sld [smem:$0x3F9A];
	_ =	swait.ge [sflag:s4], $0x0  }
0x19: {  	s7 =	sld [smem:$0x3F9B]  }
0x1a: {  	s8 =	sadd.s32 $0xFFFFE003, lr  }
0x1b: {  	s9 =	sadd.s32 $0xFFFFFEF7, lr;
	s5 =	simm.s32 $0xFFFFFFFF;
	p2 =	slt.u32 s8, $0xFFFFF086  }
0x1c: {  	p1 =	slt.u32 s9, $0xF7A;
	s5 =	simm.s32 @!p2 $0x0  }
0x1d: {  	s5 =	simm.s32 @p1 $0x1;
	p0 =	seq.s32 s7, s2  }
0x1e: {  	s7 =	smul.u32 @!p0 $0xF7A, s2;
	p2 =	seq.s32 @!p0 s5, $0x0  }
0x1f: {  	s9 =	smul.u32 $0xF7A, s1;
	s8 =	simm.s32 @!p0 $0x1BF5;
	p2 =	por !p2, p0  }
0x20: {  	[sflag:s8] =	ssyncset.s32 @!p0 $0xFFFFF086;
	s6 =	sadd.s32 @!p0 s3, s7;
	s7 =	simm.s32 @!p0 $0x108  }
0x21: {  	s3 =	sadd.s32 s3, s9;
	s6 =	sadd.s32 @!p0 $0x88, s6;
	s7 =	simm.s32 @p2 $0x1082  }
0x22: {  	[simem:s7], [sflag:s8] =	dma.local @!p0 [hbm:s6], $0xF7A  }
0x23: {  	s9 =	sor.u32 $0xD0000000, s2;
	s6 =	simm.s32 $0x108;
	_ =	swait.ge @!p0 [sflag:s8], $0x0  }
0x24: {  	s3 =	sadd.s32 $0x88, s3;
	s6 =	simm.s32 @!p1 $0x1082;
	[sflag:s4] =	ssyncset.s32 $0xFFFFF086  }
0x25: {  	[simem:s6], [sflag:s4] =	dma.local [hbm:s3], $0xF7A  }
0x26: {  	[smem:$0x3F9B] =	sst s1;
	(tag) =	ssettag s2;
	_ =	strace s9  }
0x27: {  	s1 =	sld [smem:$0x3FAB]  }
0x28: {  	s2 =	sld [smem:$0x3FAC]  }
0x29: {  	s4 =	sld [smem:$0x3FAE]  }
0x2a: {  	p0 =	seq.s32 s5, $0x0;
	s5 =	sld [smem:$0x3FAF]  }
0x2b: {  	s6 =	sld [smem:$0x3FB0]  }
0x2c: {  	s7 =	sld [smem:$0x3FB1]  }
0x2d: {  	s3 =	simm.s32 $0x108;
	s8 =	sld [smem:$0x3FB2]  }
0x2e: {  	s3 =	simm.s32 @!p0 $0x1082;
	s9 =	sld [smem:$0x3FB3]  }
0x2f: {  	lr =	sadd.s32 s0, s3;
	s0 =	sld [smem:$0x3FAA]  }
0x30: {  	s3 =	sld [smem:$0x3FAD]  }
0x31: {  	[smem:$0x3FB6] =	sst s10  }
0x32: {  	s10 =	sld [smem:$0x3FB4];
	_ =	sdelay $0x3  }
0x33: {  	p0 =	seq.s32 s10, $0x1;
	s10 =	sld [smem:$0x3FB6];
	_ =	sdelay $0x3  }
0x34: {  	[smem:$0x3FB6] =	sst s10  }
0x35: {  	s10 =	sld [smem:$0x3FB5];
	_ =	sdelay $0x3  }
0x36: {  	p1 =	seq.s32 s10, $0x1;
	s10 =	sld [smem:$0x3FB6];
	_ =	sdelay $0x3  }
0x37: {  	[smem:$0x3FB6] =	sst s10  }
0x38: {  	s10 =	sld [smem:$0x3FB7]  }
0x39: {  	_ = 	snop;
	(pc) =	sbr.ind lr, $3  }
0x3a: {  	_ = 	snop  }
0x3b: {  	_ = 	snop  }
0x3c: {  	p2 =	seq.s32 s10, $0x1;
	s10 =	sld [smem:$0x3FB6]  }
0x3d: {  	_ =	shalt  }
0x3e: {  	_ =	shalt  }
0x3f: {  	_ =	shalt  }
0x40: {  	_ =	shalt  }
0x41: {  	_ =	shalt  }
0x42: {  	_ =	shalt  }
0x43: {  	_ =	shalt  }
0x44: {  	_ =	shalt  }
0x45: {  	_ =	shalt  }
0x46: {  	_ =	shalt  }
0x47: {  	_ =	shalt  }
0x48: {  	_ =	shalt  }
0x49: {  	_ =	shalt  }
0x4a: {  	_ =	shalt  }
0x4b: {  	_ =	shalt  }
0x4c: {  	_ =	shalt  }
0x4d: {  	_ =	shalt  }
0x4e: {  	_ =	shalt  }
0x4f: {  	_ =	shalt  }
0x50: {  	_ =	shalt  }
0x51: {  	_ =	shalt  }
0x52: {  	_ =	shalt  }
0x53: {  	_ =	shalt  }
0x54: {  	_ =	shalt  }
0x55: {  	_ =	shalt  }
0x56: {  	_ =	shalt  }
0x57: {  	_ =	shalt  }
0x58: {  	_ =	shalt  }
0x59: {  	_ =	shalt  }
0x5a: {  	_ =	shalt  }
0x5b: {  	_ =	shalt  }
0x5c: {  	_ =	shalt  }
0x5d: {  	_ =	shalt  }
0x5e: {  	_ =	shalt  }
0x5f: {  	_ =	shalt  }
0x60: {  	_ =	shalt  }
0x61: {  	_ =	shalt  }
0x62: {  	_ =	shalt  }
0x63: {  	_ =	shalt  }
0x64: {  	_ =	shalt  }
0x65: {  	_ =	shalt  }
0x66: {  	_ =	shalt  }
0x67: {  	_ =	shalt  }
0x68: {  	_ =	shalt  }
0x69: {  	_ =	shalt  }
0x6a: {  	_ =	shalt  }
0x6b: {  	_ =	shalt  }
0x6c: {  	_ =	shalt  }
0x6d: {  	_ =	shalt  }
0x6e: {  	_ =	shalt  }
0x6f: {  	_ =	shalt  }
0x70: {  	_ =	shalt  }
0x71: {  	_ =	shalt  }
0x72: {  	_ =	shalt  }
0x73: {  	_ =	shalt  }
0x74: {  	_ =	shalt  }
0x75: {  	_ =	shalt  }
0x76: {  	_ =	shalt  }
0x77: {  	_ =	shalt  }
0x78: {  	_ =	shalt  }
0x79: {  	_ =	shalt  }
0x7a: {  	_ =	shalt  }
0x7b: {  	_ =	shalt  }
0x7c: {  	_ =	shalt  }
0x7d: {  	_ =	shalt  }
0x7e: {  	_ =	shalt  }
0x7f: {  	_ =	shalt  }
0x80: {  	_ =	shalt  }
0x81: {  	_ =	shalt  }
0x82: {  	_ =	shalt  }
0x83: {  	_ =	shalt  }
0x84: {  	_ =	shalt  }
0x85: {  	_ =	shalt  }
0x86: {  	_ =	shalt  }
0x87: {  	_ =	shalt  }
.Lfunc_end0:
.L_simem_size_0:
called_computation.1_lowered:
.L_overlay_start_0:
0x88: {  	s2 =	sld [smem:$0x3FD9]  }
0x89: {  	s3 =	sld [smem:$0x3FFE];
	_ =	sdelay $0x1  }
0x8a: {  	s1 =	srdreg.scid  }
0x8b: {  	s0 =	sand.u32 $0x1, s1  }
0x8c: {  	s17 =	sshll.u32 s0, $0xA;
	s2 =	sadd.s32 s3, s2  }
0x8d: {  	s2 =	sadd.s32 s2, s17  }
0x8e: {  	[smem:$0x3FC2] =	sst s2  }
0x8f: {  	_ = 	snop  }
0x90: {  	s2 =	sld [smem:$0x3FD0];
	(tm) =	ssettm $0x1  }
0x91: {  	s18 =	sld [smem:$0x3FFB];
	_ =	sdelay $0x3  }
0x92: {  	_ =	strace s18  }
0x93: {  	s3 =	sld [smem:$0x3FFC];
	_ =	sdelay $0x3  }
0x94: {  	_ =	strace s3  }
0x95: {  	s3 =	sld [smem:$0x3FFD];
	_ =	sdelay $0x3  }
0x96: {  	_ =	strace s3  }
0x97: {  	_ =	strace $0x8FFFFFFF  }
0x98: {  	s19 =	sld [smem:$0x3FDB];
	_ =	sdelay $0x1  }
0x99: {  	s4 =	simm.s32 $_scs_section_size  }
0x9a: {  	s5 =	simm.s32 $_size__tile_overlayer_lowered;
	s6 =	simm.s32 $_tile_overlayer_lowered  }
0x9b: {  	s22 =	simm.s32 $0x1BFF;
	s21 =	sshll.u32 s6, $0x1;
	s3 =	sadd.s32 s4, s19  }
0x9c: {  	s7 =	simm.s32 $0x0;
	s20 =	sshll.u32 s5, $0x1;
	s5 =	sadd.s32 s21, s3  }
0x9d: {  	[timem:s7], [sflag:s22] =	dma.local [hbm:s5], s20  }
0x9e: {  	_ =	swait.ge [sflag:s22], s20  }
0x9f: {  	s4 =	ssub.s32 $0x0, s20;
	[sflag:s22] =	ssyncset.done $0x0  }
0xa0: {  	[sflag:s22] =	ssyncadd.s32 s4;
	_ =	sdelay $0x1  }
0xa1: {  	s23 =	simm.s32 $0x1B8B  }
0xa2: {  	_ =	swait.ge [sflag:s23], $0x1  }
0xa3: {  	[sflag:s23] =	ssyncset.done $0x0  }
0xa4: {  	s25 =	simm.s32 $0x1B8E;
	s24 =	sld [smem:$0x3FFE];
	[sflag:s23] =	ssyncadd.s32 $0xFFFFFFFF  }
0xa5: {  	s26 =	simm.s32 $execute0_lowered;
	[smem:$0x3FD2] =	sst s25  }
0xa6: {  	s5 =	sshll.u32 s26, $0x1;
	_ =	strace $0x80000049;
	[dreg:$0x1] =	wrdreg $0xFFFFFFFF  }
0xa7: {  	s28 =	simm.s32 $_size_execute0_lowered;
	s3 =	sadd.s32 s3, s5;
	[dreg:$0x0] =	wrdreg $0x0  }
0xa8: {  	s5 =	sshll.u32 s28, $0x1;
	[dreg:$0x2] =	wrdreg s3  }
0xa9: {  	[dreg:$0x3] =	wrdreg s5  }
0xaa: {  	[dreg:$0x4] =	wrdreg $0xC0  }
0xab: {  	_ =	task [dreg:s7], $0x5FFFF  }
0xac: {  	[dreg:$0x1] =	wrdreg $0xFFFFFFFF  }
0xad: {  	[dreg:$0x0] =	wrdreg $0x60  }
0xae: {  	[dreg:$0x2] =	wrdreg s2  }
0xaf: {  	[dreg:$0x3] =	wrdreg s24  }
0xb0: {  	[dreg:$0x4] =	wrdreg $0x64000  }
0xb1: {  	[dreg:$0x5] =	wrdreg $0x104000  }
0xb2: {  	[dreg:$0x6] =	wrdreg $0x9  }
0xb3: {  	_ =	task.clear_ibuf [dreg:s7], $0x7FFFF;
	_ =	strace $0x90000049  }
0xb4: {  	s29 =	simm.s32 $0x9;
	_ =	strace $0x8000004B  }
0xb5: {  	_ =	swait.ge [sflag:s29], $0x1  }
0xb6: {  	[sflag:s29] =	ssyncadd.s32 $0xFFFFFFFF  }
0xb7: {  	_ =	strace $0x9000004B  }
0xb8: {  	_ =	sfence  }
0xb9: {  	s30 =	sld [smem:$0x0];
	_ =	sdelay $0x2  }
0xba: {  	s31 =	sshll.u32 s1, $0xD;
	s1 =	sshrl.u32 s1, $0x2  }
0xbb: {  	s3 =	sand.u32 $0x4000, s31;
	s1 =	sadd.s32 s1, s30  }
0xbc: {  	s0 =	sor.u32 s3, s0;
	s1 =	sshll.u32 s1, $0x11  }
0xbd: {  	s0 =	sor.u32 s1, s0  }
0xbe: {  	s0 =	sadd.s32 $0x8F2B, s0  }
0xbf: {  	[sflag:s0] =	ssyncadd.remote.s32 $0x1  }
0xc0: {  	_ =	sfence.sel $0xFFFF  }
0xc1: {  	[dreg:$0x0] =	wrdreg $0xFFFFFFFF;
	(pc) =	sbr.abs _section_cstart, $3  }
0xc2: {  	[dreg:$0x1] =	wrdreg $0xFFFFFFFF  }
0xc3: {  	_ =	task.clear_ibuf [dreg:s7], $0x2FFFF;
	_ =	strace $0x9FFFFFFF  }
0xc4: {  	(tm) =	ssettm $0x7FFFFFFF  }
0xc5: {  	_ =	shalt  }
tec
execute0_lowered:
.L_overlay_start_1:
0x0: {  	(tag) =	ssettag $0x1  }
0x1: {  	s0 =	rddreg [dreg:$0x0]  }
0x2: {  	s1 =	rddreg [dreg:$0x1];
	s3 =	srdreg.scid  }
0x3: {  	s2 =	rddreg [dreg:$0x2];
	s13 =	stileid.u32;
	s4 =	simm.s32 $0x0  }
0x4: {  	s16 =	simm.s32 $0x4;
	s18 =	simm.s32 $0x80;
	s21 =	simm.s32 $0x2  }
0x5: {  	s22 =	simm.s32 $0x3;
	s23 =	simm.s32 $0x0;
	s9 =	smul.u32 $0xA000, s13  }
0x6: {  	s5 =	sand.u32 $0x1, s3;
	s3 =	rddreg [dreg:$0x3];
	s10 =	smul.u32 $0x4E00, s13  }
0x7: {  	[smem:$0x7FF] =	sst s4;
	p0 =	seq.s32 s13, $0xF;
	s26 =	smul.u32 $0x9C0, s13  }
0x8: {  	s25 =	sshll.u32 s13, $0x6;
	s6 =	smul.u32 $0xA0000, s5;
	s7 =	ssub.s32 $0x2, s5  }
0x9: {  	_ =	strace $0x8000004A;
	s5 =	simm.s32 $0xA0;
	s8 =	sshrl.u32 s7, $0x1  }
0xa: {  	s5 =	simm.s32 @!p0 $0x9C;
	s12 =	sadd.s32 s9, s2;
	s24 =	sshrl.u32 s10, $0x3  }
0xb: {  	s6 =	sadd.s32 s9, s6;
	s11 =	ssub.s32 s7, s8;
	s7 =	sadd.s32 s0, s24  }
0xc: {  	s8 =	sor.u32 $0x1C04, s25;
	s31 =	sshrl.u32 s12, $0x3;
	[dreg:$0x5] =	wrdreg s7  }
0xd: {  	s9 =	sadd.s32 s9, s3;
	s28 =	sadd.s32 $0x9C40, s7;
	[dreg:$0xb] =	wrdreg s31  }
0xe: {  	s0 =	sadd.s32 s26, s0;
	s29 =	sadd.s32 $0x10, s7;
	[dreg:$0x6] =	wrdreg s28  }
0xf: {  	s6 =	sshrl.u32 s6, $0x3;
	s7 =	sadd.s32 $0x9C50, s7;
	[dreg:$0x7] =	wrdreg s29  }
0x10: {  	s30 =	smax.u32 s11, $0x1;
	s1 =	sadd.s32 s6, s1;
	[dreg:$0x8] =	wrdreg s7  }
0x11: {  	[dreg:$0xa] =	wrdreg s30;
	s6 =	sadd.s32 $0x1C00, s1;
	s1 =	sadd.s32 $0x29C00, s1  }
0x12: {  	s19 =	sadd.s32 $0x9C60, s0;
	s17 =	sshrl.u32 s9, $0x3;
	[dreg:$0x9] =	wrdreg s1  }
.LBB2_1:
0x13: {  	s0 =	rddreg [dreg:$0xb]  }
0x14: {  	[spmem:s0], [sflag:s8] =	dma.local [hbm:s6], $0x1400  }
0x15: {  	_ =	swait.ge [sflag:s16], $0x1400  }
0x16: {  	[sflag:s16] =	ssyncset.done $0x0  }
0x17: {  	[sflag:s16] =	ssyncadd.s32 $0xFFFFEC00  }
0x18: {  	[spmem:s17], [sflag:s8] =	dma.local [hbm:s6], $0x1400  }
0x19: {  	_ =	swait.ge [sflag:s16], $0x1400  }
0x1a: {  	[sflag:s16] =	ssyncset.done $0x0  }
0x1b: {  	s24 =	rddreg [dreg:$0x5];
	[sflag:s16] =	ssyncadd.s32 $0xFFFFEC00  }
0x1c: {  	[tilespmem:s4], [sflag:$0x1] =	stream.linear.gather [hbm4b:s24+s4], $0x80, $0x38;
	[tilespmem:$0x1A400] =	vst v63  }
0x1d: {  	s25 =	rddreg [dreg:$0x6];
	s24 =	simm.s32 $0x1  }
0x1e: {  	[tilespmem:s18], [sflag:$0x1] =	stream.linear.gather [hbm4b:s25+s4], $0x80, $0x38;
	[tilespmem:$0x1A400] =	vst v63  }
0x1f: {  	_ =	swait.ge [sflag:s24], $0x80  }
0x20: {  	[sflag:s24] =	ssyncset.done $0x0  }
0x21: {  	[sflag:s24] =	ssyncadd.s32 $0xFFFFFF80  }
0x22: {  	_ =	swait.ge [sflag:s24], $0x80  }
0x23: {  	[sflag:s24] =	ssyncset.done $0x0  }
0x24: {  	s1 =	simm.s32 $0x100;
	[sflag:s24] =	ssyncadd.s32 $0xFFFFFF80  }
0x25: {  	p1 =	sne.s32 s5, $0x1;
	s25 =	simm.s32 $0x400;
	[bflag:$0x0] =	sbarrier.arrive $0xFFFF  }
0x26: {  	[tilespmem:s25], [sflag:$0x2] =	stream.indirect.gather [spmem:s2], $0x40, s4, s18, $0xb8;
	[tilespmem:$0x1A400] =	vst v63  }
.Ltmp0:
0x27: {  	s31 =	simm.s32 $0x180;
	s28 =	simm.s32 $0x2400;
	(pc) =	sbr.rel @!p1 .LBB2_2-.Ltmp0, $4  }
0x28: {  	s29 =	simm.s32 $0x1;
	s9 =	smulhi.u32 $0xAAAAAAAB, s4;
	s26 =	rddreg [dreg:$0x7]  }
0x29: {  	[tilespmem:s1], [sflag:$0x1] =	stream.linear.gather [hbm4b:s26+s4], $0x80, $0x38;
	[tilespmem:$0x1A400] =	vst v63  }
0x2a: {  	p0 =	por $0x0, $0x0;
	s0 =	simm.s32 $0x200;
	s30 =	rddreg [dreg:$0x8]  }
0x2b: {  	[tilespmem:s31], [sflag:$0x1] =	stream.linear.gather [hbm4b:s30+s4], $0x80, $0x38;
	[tilespmem:$0x1A400] =	vst v63  }
0x2c: {  	s1 =	sshrl.u32 s9, $0x1  }
0x2d: {  	s14 =	simm.s32 $0x0;
	_ =	swait.ge [sflag:s21], $0x2000;
	s1 =	smul.u32 $0xFFFE8000, s1  }
0x2e: {  	p2 =	por $0x1, $0x1;
	s26 =	simm.s32 $0x2;
	s9 =	sand.u32 $0xC00, s14  }
0x2f: {  	[sflag:s21] =	ssyncset.done $0x0;
	s9 =	sshrl.u32 s9, $0x2;
	s1 =	sshra.s32 s1, $0x2  }
0x30: {  	[sflag:s21] =	ssyncadd.s32 $0xFFFFE000;
	s9 =	sor.u32 $0x80, s9;
	s1 =	sadd.s32 $0x400, s1  }
0x31: {  	[spmem:s3] =	stream.indirect.scatter.add.f32 [tilespmem:s1], [sflag:$0x3], $0x40, s9, s18, $0xb8;
	[tilespmem:$0x1A400] =	vst v63  }
0x32: {  	p1 =	sne.s32 s5, $0x2;
	p0 =	sle.u32 s5, $0x1;
	s1 =	simm.s32 @!p2 $0x3  }
0x33: {  	s31 =	simm.s32 $0x2400;
	s15 =	smulhi.u32 $0xAAAAAAAB, s24;
	_ =	swait.ge @!p2 [sflag:s1], $0x2000  }
0x34: {  	s24 =	simm.s32 $0x2;
	s28 =	simm.s32 $0x4400;
	[sflag:s1] =	ssyncset.done @!p2 $0x0  }
0x35: {  	s30 =	sadd.s32 $0x10, s19;
	s10 =	simm.s32 @!p0 $0x1;
	[sflag:s1] =	ssyncadd.s32 @!p2 $0xFFFFE000  }
0x36: {  	s14 =	smov.u32 s19;
	s9 =	sshrl.u32 s15, $0x1;
	_ =	swait.ge @!p0 [sflag:s10], $0x80  }
0x37: {  	s20 =	smul.u32 $0xFFFE8000, s9;
	s9 =	simm.s32 @!p0 $0x80;
	[sflag:s10] =	ssyncset.done @!p0 $0x0  }
0x38: {  	s1 =	sand.u32 @!p0 $0xC00, s25;
	s25 =	simm.s32 $0x800;
	[sflag:s10] =	ssyncadd.s32 @!p0 $0xFFFFFF80  }
0x39: {  	p2 =	sle.u32 s5, $0x2;
	s11 =	sshrl.u32 @!p0 s1, $0x2;
	_ =	swait.ge @!p0 [sflag:s10], $0x80  }
.Ltmp1:
0x3a: {  	s1 =	sshra.s32 s20, $0x2;
	[sflag:s10] =	ssyncset.done @!p0 $0x0;
	(pc) =	sbr.rel @!p1 .LBB2_4-.Ltmp1, $4  }
0x3b: {  	s20 =	simm.s32 @!p2 $0x0;
	s12 =	sadd.s32 $0x2400, s1;
	[sflag:s10] =	ssyncadd.s32 @!p0 $0xFFFFFF80  }
0x3c: {  	[tilespmem:s12], [sflag:$0x2] =	stream.indirect.gather @!p0 [spmem:s2], $0x40, s11, s9, $0xb8;
	[tilespmem:$0x1A400] =	vst v63  }
0x3d: {  	s1 =	simm.s32 $0x300;
	s10 =	sand.u32 @!p2 $0x300, s0;
	s11 =	sadd.s32 @!p2 $0xFFFF63C0, s19  }
0x3e: {  	s9 =	smulhi.u32 $0xAAAAAAAB, s29;
	s12 =	sor.u32 @!p2 $0x80, s10;
	p0 =	por $0x1, $0x1  }
.LBB2_5:
0x3f: {  	[tilespmem:s10], [sflag:$0x1] =	stream.linear.gather @!p2 [hbm4b:s11+s20], $0x80, $0x38;
	[tilespmem:$0x1A400] =	vst v63  }
0x40: {  	s0 =	smov.u32 s26;
	s10 =	smov.u32 s26;
	s11 =	smov.u32 s28  }
0x41: {  	s26 =	sadd.s32 $0x1, s26;
	s13 =	smov.u32 s1;
	s9 =	sshrl.u32 s9, $0x1  }
0x42: {  	[tilespmem:s12], [sflag:$0x1] =	stream.linear.gather @!p2 [hbm4b:s14+s20], $0x80, $0x38;
	[tilespmem:$0x1A400] =	vst v63  }
0x43: {  	p1 =	sne.s32 s26, s5;
	s9 =	smul.u32 $0xFFFE8000, s9;
	s12 =	sadd.s32 $0xFFFFFC00, s25  }
0x44: {  	p2 =	slt.u32 s29, $0x2;
	s12 =	sand.u32 $0xC00, s12;
	_ =	swait.ge [sflag:s21], $0x2000  }
0x45: {  	s9 =	sshra.s32 s9, $0x2;
	s12 =	sshrl.u32 s12, $0x2;
	[sflag:s21] =	ssyncset.done $0x0  }
0x46: {  	s9 =	sadd.s32 s9, s31;
	s12 =	sor.u32 $0x80, s12;
	[sflag:s21] =	ssyncadd.s32 $0xFFFFE000  }
0x47: {  	[spmem:s3] =	stream.indirect.scatter.add.f32 [tilespmem:s9], [sflag:$0x3], $0x40, s12, s18, $0xb8;
	[tilespmem:$0x1A400] =	vst v63  }
0x48: {  	s29 =	smov.u32 s10;
	s14 =	smov.u32 s30;
	s9 =	simm.s32 @!p2 $0x3  }
0x49: {  	p3 =	sge.u32 s0, s5;
	s31 =	sadd.s32 $0x2000, s31;
	_ =	swait.ge @!p2 [sflag:s9], $0x2000  }
0x4a: {  	s10 =	smulhi.u32 $0xAAAAAAAB, s24;
	s12 =	simm.s32 @!p3 $0x1;
	[sflag:s9] =	ssyncset.done @!p2 $0x0  }
0x4b: {  	s24 =	sadd.s32 $0x1, s24;
	[sflag:s9] =	ssyncadd.s32 @!p2 $0xFFFFE000;
	s9 =	sand.u32 @!p3 $0xC00, s25  }
0x4c: {  	s10 =	sshrl.u32 s10, $0x1;
	s9 =	sshrl.u32 @!p3 s9, $0x2;
	_ =	swait.ge @!p3 [sflag:s12], $0x80  }
0x4d: {  	s28 =	sadd.s32 $0x2000, s28;
	s10 =	smul.u32 $0xFFFE8000, s10;
	[sflag:s12] =	ssyncset.done @!p3 $0x0  }
0x4e: {  	s0 =	sadd.s32 $0x1, s0;
	s25 =	sadd.s32 $0x400, s25;
	[sflag:s12] =	ssyncadd.s32 @!p3 $0xFFFFFF80  }
0x4f: {  	s15 =	simm.s32 @!p3 $0x80;
	s10 =	sshra.s32 s10, $0x2;
	_ =	swait.ge @!p3 [sflag:s12], $0x80  }
.Ltmp2:
0x50: {  	s7 =	sadd.s32 s10, s11;
	[sflag:s12] =	ssyncset.done @!p3 $0x0;
	(pc) =	sbr.rel @p1 .LBB2_5-.Ltmp2, $4  }
0x51: {  	s1 =	sadd.s32 $0x100, s1;
	p2 =	sge.u32 s0, s5;
	[sflag:s12] =	ssyncadd.s32 @!p3 $0xFFFFFF80  }
0x52: {  	s10 =	sand.u32 @!p2 $0x300, s13;
	s11 =	sadd.s32 @!p2 $0xFFFF63C0, s30;
	s20 =	simm.s32 @!p2 $0x0  }
0x53: {  	[tilespmem:s7], [sflag:$0x2] =	stream.indirect.gather @!p3 [spmem:s2], $0x40, s9, s15, $0xb8;
	[tilespmem:$0x1A400] =	vst v63  }
0x54: {  	s30 =	sadd.s32 $0x10, s30;
	s12 =	sor.u32 @!p2 $0x80, s10;
	s9 =	smulhi.u32 $0xAAAAAAAB, s29  }
0x55: {  	s0 =	smov.u32 s1  }
.LBB2_7:
0x56: {  	p0 =	por p2, !p0;
	s1 =	sshrl.u32 s9, $0x1  }
0x57: {  	[tilespmem:s10], [sflag:$0x1] =	stream.linear.gather @!p0 [hbm4b:s11+s20], $0x80, $0x38;
	[tilespmem:$0x1A400] =	vst v63  }
0x58: {  	s7 =	sadd.s32 $0xFFFFFC00, s25;
	s1 =	smul.u32 $0xFFFE8000, s1  }
0x59: {  	[tilespmem:s12], [sflag:$0x1] =	stream.linear.gather @!p0 [hbm4b:s14+s20], $0x80, $0x38;
	[tilespmem:$0x1A400] =	vst v63  }
0x5a: {  	p1 =	slt.u32 s29, $0x2;
	s7 =	sand.u32 $0xC00, s7;
	_ =	swait.ge [sflag:s21], $0x2000  }
0x5b: {  	s7 =	sshrl.u32 s7, $0x2;
	s1 =	sshra.s32 s1, $0x2;
	[sflag:s21] =	ssyncset.done $0x0  }
0x5c: {  	s7 =	sor.u32 $0x80, s7;
	s1 =	sadd.s32 s1, s31;
	[sflag:s21] =	ssyncadd.s32 $0xFFFFE000  }
0x5d: {  	[spmem:s3] =	stream.indirect.scatter.add.f32 [tilespmem:s1], [sflag:$0x3], $0x40, s7, s18, $0xb8;
	[tilespmem:$0x1A400] =	vst v63  }
0x5e: {  	s1 =	simm.s32 @!p1 $0x3  }
0x5f: {  	_ =	swait.ge @!p1 [sflag:s1], $0x2000  }
0x60: {  	p0 =	sge.u32 s26, s5;
	[sflag:s1] =	ssyncset.done @!p1 $0x0  }
0x61: {  	s20 =	smulhi.u32 $0xAAAAAAAB, s24;
	s9 =	simm.s32 @!p0 $0x1;
	[sflag:s1] =	ssyncadd.s32 @!p1 $0xFFFFE000  }
0x62: {  	_ =	swait.ge @!p0 [sflag:s9], $0x80  }
0x63: {  	s24 =	sshrl.u32 s20, $0x1;
	[sflag:s9] =	ssyncset.done @!p0 $0x0  }
0x64: {  	s29 =	sadd.s32 $0x1, s26;
	s1 =	smul.u32 $0xFFFE8000, s24;
	[sflag:s9] =	ssyncadd.s32 @!p0 $0xFFFFFF80  }
0x65: {  	s11 =	simm.s32 @!p0 $0x80;
	s7 =	sand.u32 @!p0 $0xC00, s25;
	_ =	swait.ge @!p0 [sflag:s9], $0x80  }
0x66: {  	s7 =	sshrl.u32 @!p0 s7, $0x2;
	s1 =	sshra.s32 s1, $0x2;
	[sflag:s9] =	ssyncset.done @!p0 $0x0  }
0x67: {  	p1 =	sge.u32 s29, s5;
	s1 =	sadd.s32 s1, s28;
	[sflag:s9] =	ssyncadd.s32 @!p0 $0xFFFFFF80  }
0x68: {  	[tilespmem:s1], [sflag:$0x2] =	stream.indirect.gather @!p0 [spmem:s2], $0x40, s7, s11, $0xb8;
	[tilespmem:$0x1A400] =	vst v63  }
0x69: {  	s0 =	sand.u32 @!p1 $0x300, s0;
	s1 =	sadd.s32 @!p1 $0xFFFF63C0, s30;
	s7 =	simm.s32 @!p1 $0x0  }
0x6a: {  	[tilespmem:s0], [sflag:$0x1] =	stream.linear.gather @!p1 [hbm4b:s1+s7], $0x80, $0x38;
	[tilespmem:$0x1A400] =	vst v63  }
0x6b: {  	s0 =	sor.u32 @!p1 $0x80, s0  }
0x6c: {  	[tilespmem:s0], [sflag:$0x1] =	stream.linear.gather @!p1 [hbm4b:s30+s7], $0x80, $0x38;
	[tilespmem:$0x1A400] =	vst v63  }
0x6d: {  	_ =	swait.ge [sflag:s22], $0x2000  }
0x6e: {  	[sflag:s22] =	ssyncset.done $0x0  }
0x6f: {  	[sflag:s22] =	ssyncadd.s32 $0xFFFFE000  }
0x70: {  	_ =	swait.ge [sflag:s22], $0x2000  }
0x71: {  	[sflag:s22] =	ssyncset.done $0x0  }
0x72: {  	[sflag:s22] =	ssyncadd.s32 $0xFFFFE000  }
0x73: {  	[bflag:$0x0] =	sbarrier.arrive $0xFFFF  }
0x74: {  	s30 =	rddreg [dreg:$0x9]  }
0x75: {  	[hbm:s30], [sflag:s8] =	dma.local [spmem:s17], $0x1400  }
0x76: {  	_ =	swait.ge [sflag:s16], $0x1400  }
0x77: {  	s23 =	sadd.s32 $0x1, s23;
	s31 =	rddreg [dreg:$0xa]  }
0x78: {  	p0 =	sne.s32 s23, s31  }
.Ltmp3:
0x79: {  	_ = 	snop;
	(pc) =	sbr.rel @p0 .LBB2_1-.Ltmp3, $4  }
.Ltmp4:
0x7a: {  	_ = 	snop;
	(pc) =	sbr.rel @!p0 .LBB2_8-.Ltmp4, $4  }
0x7b: {  	_ = 	snop  }
0x7c: {  	[sflag:s16] =	ssyncset.done $0x0  }
0x7d: {  	[sflag:s16] =	ssyncadd.s32 $0xFFFFEC00  }
0x7e: {  	_ = 	snop  }
.LBB2_2:
.Ltmp5:
0x7f: {  	(pc) =	sbr.rel .LBB2_7-.Ltmp5, $3  }
0x80: {  	_ =	sdelay $0x1  }
0x81: {  	s26 =	simm.s32 $0x1  }
0x82: {  	s29 =	simm.s32 $0x0;
	s31 =	simm.s32 $0x400;
	s30 =	smov.u32 s19  }
.LBB2_4:
.Ltmp6:
0x83: {  	(pc) =	sbr.rel .LBB2_7-.Ltmp6, $2  }
0x84: {  	_ =	sdelay $0x2  }
0x85: {  	s0 =	simm.s32 $0x300;
	s14 =	smov.u32 s19  }
.LBB2_8:
0x86: {  	_ =	sfence.sel $0x180000  }
0x87: {  	[bflag:$0x0] =	sbarrier.arrive $0xFFFF  }
0x88: {  	_ =	strace $0x9000004A  }
0x89: {  	s0 =	stileid.u32;
	[bflag:$0x2] =	sbarrier.arrive $0xFFFF  }
0x8a: {  	p0 =	sne.s32 s0, $0x0;
	s0 =	rddreg [dreg:$0x4]  }
0x8b: {  	s0 =	sadd.s32 @!p0 $0x100000, s0  }
0x8c: {  	[sflag:s0] =	ssyncadd.tile.s32 @!p0 $0x1;
	_ =	shalt  }
.Lfunc_end2:
_tile_overlayer_lowered:
.L_overlay_start_2:
0x8d: {  	(tag) =	ssettag $0x2  }
0x8e: {  	s0 =	rddreg [dreg:$0x0];
	s2 =	stileid.u32  }
0x8f: {  	s1 =	rddreg [dreg:$0x1];
	p0 =	sne.s32 s2, $0x0  }
0x90: {  	s3 =	rddreg [dreg:$0x2];
	[bflag:$0x3] =	sbarrier.arrive $0xFFFF;
	s2 =	simm.s32 @!p0 $0x1C04  }
0x91: {  	[timem:s3], [sflag:s2] =	dma.local @!p0 [hbm:s0], s1  }
0x92: {  	s0 =	simm.s32 @!p0 $0x4  }
0x93: {  	_ =	swait.ge @!p0 [sflag:s0], s1  }
0x94: {  	s1 =	ssub.s32 @!p0 $0x0, s1;
	[sflag:s0] =	ssyncset.done @!p0 $0x0  }
0x95: {  	[sflag:s0] =	ssyncadd.s32 @!p0 s1  }
0x96: {  	[bflag:$0x3] =	sbarrier.arrive $0xFFFF  }
0x97: {  	_ =	shalt  }

// kernel: kernel.14.cloned.1.call-start
scs
__scs_entry_jumppad:
0x0: {  	(pc) =	sbr.rel $0x88, $3  }
0x1: {  	(tag) =	ssettag $0x0;
	lr =	simm.s32 $0x1  }
0x2: {  	[smem:$0x3F9B] =	sst lr;
	_ =	strace $0xD0000000  }
0x3: {  	_ = 	snop  }
0x4: {  	_ = 	snop  }
0x5: {  	_ = 	snop  }
0x6: {  	_ = 	snop  }
0x7: {  	_ = 	snop  }
__scs_overlays_trampoline_lowered:
0x8: {  	[smem:$0x3FAA] =	sst s0  }
0x9: {  	[smem:$0x3FAB] =	sst s1  }
0xa: {  	[smem:$0x3FAC] =	sst s2  }
0xb: {  	[smem:$0x3FAD] =	sst s3  }
0xc: {  	[smem:$0x3FAE] =	sst s4  }
0xd: {  	[smem:$0x3FAF] =	sst s5  }
0xe: {  	[smem:$0x3FB0] =	sst s6  }
0xf: {  	[smem:$0x3FB1] =	sst s7  }
0x10: {  	[smem:$0x3FB2] =	sst s8  }
0x11: {  	[smem:$0x3FB3] =	sst s9;
	s0 =	simm.s32 @!p0 $0x0  }
0x12: {  	s1 =	sld [smem:$0x3F99];
	s0 =	simm.s32 @p0 $0x1  }
0x13: {  	[smem:$0x3FB4] =	sst s0;
	s0 =	simm.s32 @!p1 $0x0  }
0x14: {  	s2 =	sld [smem:$0x3F98];
	s0 =	simm.s32 @p1 $0x1  }
0x15: {  	[smem:$0x3FB5] =	sst s0;
	s0 =	simm.s32 @!p2 $0x0  }
0x16: {  	s3 =	sld [smem:$0x3FDB];
	s0 =	simm.s32 @p2 $0x1  }
0x17: {  	s4 =	simm.s32 $0x1BF5;
	[smem:$0x3FB7] =	sst s0  }
0x18: {  	s0 =	sld [smem:$0x3F9A];
	_ =	swait.ge [sflag:s4], $0x0  }
0x19: {  	s7 =	sld [smem:$0x3F9B]  }
0x1a: {  	s8 =	sadd.s32 $0xFFFFE003, lr  }
0x1b: {  	s9 =	sadd.s32 $0xFFFFFEF7, lr;
	s5 =	simm.s32 $0xFFFFFFFF;
	p2 =	slt.u32 s8, $0xFFFFF086  }
0x1c: {  	p1 =	slt.u32 s9, $0xF7A;
	s5 =	simm.s32 @!p2 $0x0  }
0x1d: {  	s5 =	simm.s32 @p1 $0x1;
	p0 =	seq.s32 s7, s2  }
0x1e: {  	s7 =	smul.u32 @!p0 $0xF7A, s2;
	p2 =	seq.s32 @!p0 s5, $0x0  }
0x1f: {  	s9 =	smul.u32 $0xF7A, s1;
	s8 =	simm.s32 @!p0 $0x1BF5;
	p2 =	por !p2, p0  }
0x20: {  	[sflag:s8] =	ssyncset.s32 @!p0 $0xFFFFF086;
	s6 =	sadd.s32 @!p0 s3, s7;
	s7 =	simm.s32 @!p0 $0x108  }
0x21: {  	s3 =	sadd.s32 s3, s9;
	s6 =	sadd.s32 @!p0 $0x88, s6;
	s7 =	simm.s32 @p2 $0x1082  }
0x22: {  	[simem:s7], [sflag:s8] =	dma.local @!p0 [hbm:s6], $0xF7A  }
0x23: {  	s9 =	sor.u32 $0xD0000000, s2;
	s6 =	simm.s32 $0x108;
	_ =	swait.ge @!p0 [sflag:s8], $0x0  }
0x24: {  	s3 =	sadd.s32 $0x88, s3;
	s6 =	simm.s32 @!p1 $0x1082;
	[sflag:s4] =	ssyncset.s32 $0xFFFFF086  }
0x25: {  	[simem:s6], [sflag:s4] =	dma.local [hbm:s3], $0xF7A  }
0x26: {  	[smem:$0x3F9B] =	sst s1;
	(tag) =	ssettag s2;
	_ =	strace s9  }
0x27: {  	s1 =	sld [smem:$0x3FAB]  }
0x28: {  	s2 =	sld [smem:$0x3FAC]  }
0x29: {  	s4 =	sld [smem:$0x3FAE]  }
0x2a: {  	p0 =	seq.s32 s5, $0x0;
	s5 =	sld [smem:$0x3FAF]  }
0x2b: {  	s6 =	sld [smem:$0x3FB0]  }
0x2c: {  	s7 =	sld [smem:$0x3FB1]  }
0x2d: {  	s3 =	simm.s32 $0x108;
	s8 =	sld [smem:$0x3FB2]  }
0x2e: {  	s3 =	simm.s32 @!p0 $0x1082;
	s9 =	sld [smem:$0x3FB3]  }
0x2f: {  	lr =	sadd.s32 s0, s3;
	s0 =	sld [smem:$0x3FAA]  }
0x30: {  	s3 =	sld [smem:$0x3FAD]  }
0x31: {  	[smem:$0x3FB6] =	sst s10  }
0x32: {  	s10 =	sld [smem:$0x3FB4];
	_ =	sdelay $0x3  }
0x33: {  	p0 =	seq.s32 s10, $0x1;
	s10 =	sld [smem:$0x3FB6];
	_ =	sdelay $0x3  }
0x34: {  	[smem:$0x3FB6] =	sst s10  }
0x35: {  	s10 =	sld [smem:$0x3FB5];
	_ =	sdelay $0x3  }
0x36: {  	p1 =	seq.s32 s10, $0x1;
	s10 =	sld [smem:$0x3FB6];
	_ =	sdelay $0x3  }
0x37: {  	[smem:$0x3FB6] =	sst s10  }
0x38: {  	s10 =	sld [smem:$0x3FB7]  }
0x39: {  	_ = 	snop;
	(pc) =	sbr.ind lr, $3  }
0x3a: {  	_ = 	snop  }
0x3b: {  	_ = 	snop  }
0x3c: {  	p2 =	seq.s32 s10, $0x1;
	s10 =	sld [smem:$0x3FB6]  }
0x3d: {  	_ =	shalt  }
0x3e: {  	_ =	shalt  }
0x3f: {  	_ =	shalt  }
0x40: {  	_ =	shalt  }
0x41: {  	_ =	shalt  }
0x42: {  	_ =	shalt  }
0x43: {  	_ =	shalt  }
0x44: {  	_ =	shalt  }
0x45: {  	_ =	shalt  }
0x46: {  	_ =	shalt  }
0x47: {  	_ =	shalt  }
0x48: {  	_ =	shalt  }
0x49: {  	_ =	shalt  }
0x4a: {  	_ =	shalt  }
0x4b: {  	_ =	shalt  }
0x4c: {  	_ =	shalt  }
0x4d: {  	_ =	shalt  }
0x4e: {  	_ =	shalt  }
0x4f: {  	_ =	shalt  }
0x50: {  	_ =	shalt  }
0x51: {  	_ =	shalt  }
0x52: {  	_ =	shalt  }
0x53: {  	_ =	shalt  }
0x54: {  	_ =	shalt  }
0x55: {  	_ =	shalt  }
0x56: {  	_ =	shalt  }
0x57: {  	_ =	shalt  }
0x58: {  	_ =	shalt  }
0x59: {  	_ =	shalt  }
0x5a: {  	_ =	shalt  }
0x5b: {  	_ =	shalt  }
0x5c: {  	_ =	shalt  }
0x5d: {  	_ =	shalt  }
0x5e: {  	_ =	shalt  }
0x5f: {  	_ =	shalt  }
0x60: {  	_ =	shalt  }
0x61: {  	_ =	shalt  }
0x62: {  	_ =	shalt  }
0x63: {  	_ =	shalt  }
0x64: {  	_ =	shalt  }
0x65: {  	_ =	shalt  }
0x66: {  	_ =	shalt  }
0x67: {  	_ =	shalt  }
0x68: {  	_ =	shalt  }
0x69: {  	_ =	shalt  }
0x6a: {  	_ =	shalt  }
0x6b: {  	_ =	shalt  }
0x6c: {  	_ =	shalt  }
0x6d: {  	_ =	shalt  }
0x6e: {  	_ =	shalt  }
0x6f: {  	_ =	shalt  }
0x70: {  	_ =	shalt  }
0x71: {  	_ =	shalt  }
0x72: {  	_ =	shalt  }
0x73: {  	_ =	shalt  }
0x74: {  	_ =	shalt  }
0x75: {  	_ =	shalt  }
0x76: {  	_ =	shalt  }
0x77: {  	_ =	shalt  }
0x78: {  	_ =	shalt  }
0x79: {  	_ =	shalt  }
0x7a: {  	_ =	shalt  }
0x7b: {  	_ =	shalt  }
0x7c: {  	_ =	shalt  }
0x7d: {  	_ =	shalt  }
0x7e: {  	_ =	shalt  }
0x7f: {  	_ =	shalt  }
0x80: {  	_ =	shalt  }
0x81: {  	_ =	shalt  }
0x82: {  	_ =	shalt  }
0x83: {  	_ =	shalt  }
0x84: {  	_ =	shalt  }
0x85: {  	_ =	shalt  }
0x86: {  	_ =	shalt  }
0x87: {  	_ =	shalt  }
.Lfunc_end0:
.L_simem_size_0:
called_computation.2_lowered:
.L_overlay_start_0:
0x88: {  	s2 =	sld [smem:$0x3FD9]  }
0x89: {  	s3 =	sld [smem:$0x3FFE];
	_ =	sdelay $0x1  }
0x8a: {  	s1 =	srdreg.scid  }
0x8b: {  	s0 =	sand.u32 $0x1, s1  }
0x8c: {  	s17 =	sshll.u32 s0, $0xA;
	s2 =	sadd.s32 s3, s2  }
0x8d: {  	s2 =	sadd.s32 s2, s17  }
0x8e: {  	[smem:$0x3FC2] =	sst s2  }
0x8f: {  	_ = 	snop  }
0x90: {  	s2 =	sld [smem:$0x3FD0];
	(tm) =	ssettm $0x1  }
0x91: {  	s18 =	sld [smem:$0x3FFB];
	_ =	sdelay $0x3  }
0x92: {  	_ =	strace s18  }
0x93: {  	s3 =	sld [smem:$0x3FFC];
	_ =	sdelay $0x3  }
0x94: {  	_ =	strace s3  }
0x95: {  	s3 =	sld [smem:$0x3FFD];
	_ =	sdelay $0x3  }
0x96: {  	_ =	strace s3  }
0x97: {  	_ =	strace $0x8FFFFFFF  }
0x98: {  	s19 =	sld [smem:$0x3FDB];
	_ =	sdelay $0x1  }
0x99: {  	s4 =	simm.s32 $_scs_section_size  }
0x9a: {  	s5 =	simm.s32 $_size__tile_overlayer_lowered;
	s6 =	simm.s32 $_tile_overlayer_lowered  }
0x9b: {  	s22 =	simm.s32 $0x1BFF;
	s21 =	sshll.u32 s6, $0x1;
	s3 =	sadd.s32 s4, s19  }
0x9c: {  	s7 =	simm.s32 $0x0;
	s20 =	sshll.u32 s5, $0x1;
	s5 =	sadd.s32 s21, s3  }
0x9d: {  	[timem:s7], [sflag:s22] =	dma.local [hbm:s5], s20  }
0x9e: {  	_ =	swait.ge [sflag:s22], s20  }
0x9f: {  	s4 =	ssub.s32 $0x0, s20;
	[sflag:s22] =	ssyncset.done $0x0  }
0xa0: {  	[sflag:s22] =	ssyncadd.s32 s4;
	_ =	sdelay $0x1  }
0xa1: {  	s23 =	simm.s32 $0x1B8B  }
0xa2: {  	_ =	swait.ge [sflag:s23], $0x1  }
0xa3: {  	[sflag:s23] =	ssyncset.done $0x0  }
0xa4: {  	s25 =	simm.s32 $0x1B8E;
	s24 =	sld [smem:$0x3FFE];
	[sflag:s23] =	ssyncadd.s32 $0xFFFFFFFF  }
0xa5: {  	s26 =	simm.s32 $execute0_lowered;
	[smem:$0x3FD2] =	sst s25  }
0xa6: {  	s5 =	sshll.u32 s26, $0x1;
	_ =	strace $0x8000004C;
	[dreg:$0x1] =	wrdreg $0xFFFFFFFF  }
0xa7: {  	s28 =	simm.s32 $_size_execute0_lowered;
	s3 =	sadd.s32 s3, s5;
	[dreg:$0x0] =	wrdreg $0x0  }
0xa8: {  	s5 =	sshll.u32 s28, $0x1;
	[dreg:$0x2] =	wrdreg s3  }
0xa9: {  	[dreg:$0x3] =	wrdreg s5  }
0xaa: {  	[dreg:$0x4] =	wrdreg $0xC0  }
0xab: {  	_ =	task [dreg:s7], $0x5FFFF  }
0xac: {  	[dreg:$0x1] =	wrdreg $0xFFFFFFFF  }
0xad: {  	[dreg:$0x0] =	wrdreg $0x60  }
0xae: {  	[dreg:$0x2] =	wrdreg s2  }
0xaf: {  	[dreg:$0x3] =	wrdreg s24  }
0xb0: {  	[dreg:$0x4] =	wrdreg $0x34000  }
0xb1: {  	[dreg:$0x5] =	wrdreg $0x84000  }
0xb2: {  	[dreg:$0x6] =	wrdreg $0x9  }
0xb3: {  	_ =	task.clear_ibuf [dreg:s7], $0x7FFFF;
	_ =	strace $0x9000004C  }
0xb4: {  	s29 =	simm.s32 $0x9;
	_ =	strace $0x8000004E  }
0xb5: {  	_ =	swait.ge [sflag:s29], $0x1  }
0xb6: {  	[sflag:s29] =	ssyncadd.s32 $0xFFFFFFFF  }
0xb7: {  	_ =	strace $0x9000004E  }
0xb8: {  	_ =	sfence  }
0xb9: {  	s30 =	sld [smem:$0x0];
	_ =	sdelay $0x2  }
0xba: {  	s31 =	sshll.u32 s1, $0xD;
	s1 =	sshrl.u32 s1, $0x2  }
0xbb: {  	s3 =	sand.u32 $0x4000, s31;
	s1 =	sadd.s32 s1, s30  }
0xbc: {  	s0 =	sor.u32 s3, s0;
	s1 =	sshll.u32 s1, $0x11  }
0xbd: {  	s0 =	sor.u32 s1, s0  }
0xbe: {  	s0 =	sadd.s32 $0x8F2B, s0  }
0xbf: {  	[sflag:s0] =	ssyncadd.remote.s32 $0x1  }
0xc0: {  	_ =	sfence.sel $0xFFFF  }
0xc1: {  	[dreg:$0x0] =	wrdreg $0xFFFFFFFF;
	(pc) =	sbr.abs _section_cstart, $3  }
0xc2: {  	[dreg:$0x1] =	wrdreg $0xFFFFFFFF  }
0xc3: {  	_ =	task.clear_ibuf [dreg:s7], $0x2FFFF;
	_ =	strace $0x9FFFFFFF  }
0xc4: {  	(tm) =	ssettm $0x7FFFFFFF  }
0xc5: {  	_ =	shalt  }
tec
execute0_lowered:
.L_overlay_start_1:
0x0: {  	(tag) =	ssettag $0x1  }
0x1: {  	s0 =	rddreg [dreg:$0x0]  }
0x2: {  	s1 =	rddreg [dreg:$0x1];
	s3 =	srdreg.scid  }
0x3: {  	s2 =	rddreg [dreg:$0x2];
	s13 =	stileid.u32;
	s4 =	simm.s32 $0x0  }
0x4: {  	s16 =	simm.s32 $0x4;
	s18 =	simm.s32 $0x80;
	s21 =	simm.s32 $0x2  }
0x5: {  	s22 =	simm.s32 $0x3;
	s23 =	simm.s32 $0x0;
	s9 =	smul.u32 $0x5000, s13  }
0x6: {  	s5 =	sand.u32 $0x1, s3;
	s3 =	rddreg [dreg:$0x3];
	s10 =	smul.u32 $0x4E00, s13  }
0x7: {  	[smem:$0x7FF] =	sst s4;
	p0 =	seq.s32 s13, $0xF;
	s26 =	smul.u32 $0x9C0, s13  }
0x8: {  	s25 =	sshll.u32 s13, $0x6;
	s6 =	smul.u32 $0x50000, s5;
	s7 =	ssub.s32 $0x2, s5  }
0x9: {  	_ =	strace $0x8000004D;
	s5 =	simm.s32 $0xA0;
	s8 =	sshrl.u32 s7, $0x1  }
0xa: {  	s5 =	simm.s32 @!p0 $0x9C;
	s12 =	sadd.s32 s9, s2;
	s24 =	sshrl.u32 s10, $0x3  }
0xb: {  	s6 =	sadd.s32 s9, s6;
	s11 =	ssub.s32 s7, s8;
	s7 =	sadd.s32 s0, s24  }
0xc: {  	s8 =	sor.u32 $0x1C04, s25;
	s31 =	sshrl.u32 s12, $0x3;
	[dreg:$0x5] =	wrdreg s7  }
0xd: {  	s9 =	sadd.s32 s9, s3;
	s28 =	sadd.s32 $0x9C40, s7;
	[dreg:$0xb] =	wrdreg s31  }
0xe: {  	s0 =	sadd.s32 s26, s0;
	s29 =	sadd.s32 $0x10, s7;
	[dreg:$0x6] =	wrdreg s28  }
0xf: {  	s6 =	sshrl.u32 s6, $0x3;
	s7 =	sadd.s32 $0x9C50, s7;
	[dreg:$0x7] =	wrdreg s29  }
0x10: {  	s30 =	smax.u32 s11, $0x1;
	s1 =	sadd.s32 s6, s1;
	[dreg:$0x8] =	wrdreg s7  }
0x11: {  	[dreg:$0xa] =	wrdreg s30;
	s6 =	sadd.s32 $0x1C00, s1;
	s1 =	sadd.s32 $0x15C00, s1  }
0x12: {  	s19 =	sadd.s32 $0x9C60, s0;
	s17 =	sshrl.u32 s9, $0x3;
	[dreg:$0x9] =	wrdreg s1  }
.LBB2_1:
0x13: {  	s0 =	rddreg [dreg:$0xb]  }
0x14: {  	[spmem:s0], [sflag:s8] =	dma.local [hbm:s6], $0xA00  }
0x15: {  	_ =	swait.ge [sflag:s16], $0xA00  }
0x16: {  	[sflag:s16] =	ssyncset.done $0x0  }
0x17: {  	[sflag:s16] =	ssyncadd.s32 $0xFFFFF600  }
0x18: {  	[spmem:s17], [sflag:s8] =	dma.local [hbm:s6], $0xA00  }
0x19: {  	_ =	swait.ge [sflag:s16], $0xA00  }
0x1a: {  	[sflag:s16] =	ssyncset.done $0x0  }
0x1b: {  	s24 =	rddreg [dreg:$0x5];
	[sflag:s16] =	ssyncadd.s32 $0xFFFFF600  }
0x1c: {  	[tilespmem:s4], [sflag:$0x1] =	stream.linear.gather [hbm4b:s24+s4], $0x80, $0x38;
	[tilespmem:$0xD400] =	vst v63  }
0x1d: {  	s25 =	rddreg [dreg:$0x6];
	s24 =	simm.s32 $0x1  }
0x1e: {  	[tilespmem:s18], [sflag:$0x1] =	stream.linear.gather [hbm4b:s25+s4], $0x80, $0x38;
	[tilespmem:$0xD400] =	vst v63  }
0x1f: {  	_ =	swait.ge [sflag:s24], $0x80  }
0x20: {  	[sflag:s24] =	ssyncset.done $0x0  }
0x21: {  	[sflag:s24] =	ssyncadd.s32 $0xFFFFFF80  }
0x22: {  	_ =	swait.ge [sflag:s24], $0x80  }
0x23: {  	[sflag:s24] =	ssyncset.done $0x0  }
0x24: {  	s1 =	simm.s32 $0x100;
	[sflag:s24] =	ssyncadd.s32 $0xFFFFFF80  }
0x25: {  	p1 =	sne.s32 s5, $0x1;
	s25 =	simm.s32 $0x400;
	[bflag:$0x0] =	sbarrier.arrive $0xFFFF  }
0x26: {  	[tilespmem:s25], [sflag:$0x2] =	stream.indirect.gather [spmem:s2], $0x20, s4, s18, $0xb8;
	[tilespmem:$0xD400] =	vst v63  }
.Ltmp0:
0x27: {  	s31 =	simm.s32 $0x180;
	s28 =	simm.s32 $0x1400;
	(pc) =	sbr.rel @!p1 .LBB2_2-.Ltmp0, $4  }
0x28: {  	s29 =	simm.s32 $0x1;
	s9 =	smulhi.u32 $0xAAAAAAAB, s4;
	s26 =	rddreg [dreg:$0x7]  }
0x29: {  	[tilespmem:s1], [sflag:$0x1] =	stream.linear.gather [hbm4b:s26+s4], $0x80, $0x38;
	[tilespmem:$0xD400] =	vst v63  }
0x2a: {  	p0 =	por $0x0, $0x0;
	s0 =	simm.s32 $0x200;
	s30 =	rddreg [dreg:$0x8]  }
0x2b: {  	[tilespmem:s31], [sflag:$0x1] =	stream.linear.gather [hbm4b:s30+s4], $0x80, $0x38;
	[tilespmem:$0xD400] =	vst v63  }
0x2c: {  	s1 =	sshrl.u32 s9, $0x1  }
0x2d: {  	s14 =	simm.s32 $0x0;
	_ =	swait.ge [sflag:s21], $0x1000;
	s1 =	smul.u32 $0xFFFF4000, s1  }
0x2e: {  	p2 =	por $0x1, $0x1;
	s26 =	simm.s32 $0x2;
	s9 =	sand.u32 $0xC00, s14  }
0x2f: {  	[sflag:s21] =	ssyncset.done $0x0;
	s9 =	sshrl.u32 s9, $0x2;
	s1 =	sshra.s32 s1, $0x2  }
0x30: {  	[sflag:s21] =	ssyncadd.s32 $0xFFFFF000;
	s9 =	sor.u32 $0x80, s9;
	s1 =	sadd.s32 $0x400, s1  }
0x31: {  	[spmem:s3] =	stream.indirect.scatter.add.f32 [tilespmem:s1], [sflag:$0x3], $0x20, s9, s18, $0xb8;
	[tilespmem:$0xD400] =	vst v63  }
0x32: {  	p1 =	sne.s32 s5, $0x2;
	p0 =	sle.u32 s5, $0x1;
	s1 =	simm.s32 @!p2 $0x3  }
0x33: {  	s31 =	simm.s32 $0x1400;
	s15 =	smulhi.u32 $0xAAAAAAAB, s24;
	_ =	swait.ge @!p2 [sflag:s1], $0x1000  }
0x34: {  	s24 =	simm.s32 $0x2;
	s28 =	simm.s32 $0x2400;
	[sflag:s1] =	ssyncset.done @!p2 $0x0  }
0x35: {  	s30 =	sadd.s32 $0x10, s19;
	s10 =	simm.s32 @!p0 $0x1;
	[sflag:s1] =	ssyncadd.s32 @!p2 $0xFFFFF000  }
0x36: {  	s14 =	smov.u32 s19;
	s9 =	sshrl.u32 s15, $0x1;
	_ =	swait.ge @!p0 [sflag:s10], $0x80  }
0x37: {  	s20 =	smul.u32 $0xFFFF4000, s9;
	s9 =	simm.s32 @!p0 $0x80;
	[sflag:s10] =	ssyncset.done @!p0 $0x0  }
0x38: {  	s1 =	sand.u32 @!p0 $0xC00, s25;
	s25 =	simm.s32 $0x800;
	[sflag:s10] =	ssyncadd.s32 @!p0 $0xFFFFFF80  }
0x39: {  	p2 =	sle.u32 s5, $0x2;
	s11 =	sshrl.u32 @!p0 s1, $0x2;
	_ =	swait.ge @!p0 [sflag:s10], $0x80  }
.Ltmp1:
0x3a: {  	s1 =	sshra.s32 s20, $0x2;
	[sflag:s10] =	ssyncset.done @!p0 $0x0;
	(pc) =	sbr.rel @!p1 .LBB2_4-.Ltmp1, $4  }
0x3b: {  	s20 =	simm.s32 @!p2 $0x0;
	s12 =	sadd.s32 $0x1400, s1;
	[sflag:s10] =	ssyncadd.s32 @!p0 $0xFFFFFF80  }
0x3c: {  	[tilespmem:s12], [sflag:$0x2] =	stream.indirect.gather @!p0 [spmem:s2], $0x20, s11, s9, $0xb8;
	[tilespmem:$0xD400] =	vst v63  }
0x3d: {  	s1 =	simm.s32 $0x300;
	s10 =	sand.u32 @!p2 $0x300, s0;
	s11 =	sadd.s32 @!p2 $0xFFFF63C0, s19  }
0x3e: {  	s9 =	smulhi.u32 $0xAAAAAAAB, s29;
	s12 =	sor.u32 @!p2 $0x80, s10;
	p0 =	por $0x1, $0x1  }
.LBB2_5:
0x3f: {  	[tilespmem:s10], [sflag:$0x1] =	stream.linear.gather @!p2 [hbm4b:s11+s20], $0x80, $0x38;
	[tilespmem:$0xD400] =	vst v63  }
0x40: {  	s0 =	smov.u32 s26;
	s10 =	smov.u32 s26;
	s11 =	smov.u32 s28  }
0x41: {  	s26 =	sadd.s32 $0x1, s26;
	s13 =	smov.u32 s1;
	s9 =	sshrl.u32 s9, $0x1  }
0x42: {  	[tilespmem:s12], [sflag:$0x1] =	stream.linear.gather @!p2 [hbm4b:s14+s20], $0x80, $0x38;
	[tilespmem:$0xD400] =	vst v63  }
0x43: {  	p1 =	sne.s32 s26, s5;
	s9 =	smul.u32 $0xFFFF4000, s9;
	s12 =	sadd.s32 $0xFFFFFC00, s25  }
0x44: {  	p2 =	slt.u32 s29, $0x2;
	s12 =	sand.u32 $0xC00, s12;
	_ =	swait.ge [sflag:s21], $0x1000  }
0x45: {  	s9 =	sshra.s32 s9, $0x2;
	s12 =	sshrl.u32 s12, $0x2;
	[sflag:s21] =	ssyncset.done $0x0  }
0x46: {  	s9 =	sadd.s32 s9, s31;
	s12 =	sor.u32 $0x80, s12;
	[sflag:s21] =	ssyncadd.s32 $0xFFFFF000  }
0x47: {  	[spmem:s3] =	stream.indirect.scatter.add.f32 [tilespmem:s9], [sflag:$0x3], $0x20, s12, s18, $0xb8;
	[tilespmem:$0xD400] =	vst v63  }
0x48: {  	s29 =	smov.u32 s10;
	s14 =	smov.u32 s30;
	s9 =	simm.s32 @!p2 $0x3  }
0x49: {  	p3 =	sge.u32 s0, s5;
	s31 =	sadd.s32 $0x1000, s31;
	_ =	swait.ge @!p2 [sflag:s9], $0x1000  }
0x4a: {  	s10 =	smulhi.u32 $0xAAAAAAAB, s24;
	s12 =	simm.s32 @!p3 $0x1;
	[sflag:s9] =	ssyncset.done @!p2 $0x0  }
0x4b: {  	s24 =	sadd.s32 $0x1, s24;
	[sflag:s9] =	ssyncadd.s32 @!p2 $0xFFFFF000;
	s9 =	sand.u32 @!p3 $0xC00, s25  }
0x4c: {  	s10 =	sshrl.u32 s10, $0x1;
	s9 =	sshrl.u32 @!p3 s9, $0x2;
	_ =	swait.ge @!p3 [sflag:s12], $0x80  }
0x4d: {  	s28 =	sadd.s32 $0x1000, s28;
	s10 =	smul.u32 $0xFFFF4000, s10;
	[sflag:s12] =	ssyncset.done @!p3 $0x0  }
0x4e: {  	s0 =	sadd.s32 $0x1, s0;
	s25 =	sadd.s32 $0x400, s25;
	[sflag:s12] =	ssyncadd.s32 @!p3 $0xFFFFFF80  }
0x4f: {  	s15 =	simm.s32 @!p3 $0x80;
	s10 =	sshra.s32 s10, $0x2;
	_ =	swait.ge @!p3 [sflag:s12], $0x80  }
.Ltmp2:
0x50: {  	s7 =	sadd.s32 s10, s11;
	[sflag:s12] =	ssyncset.done @!p3 $0x0;
	(pc) =	sbr.rel @p1 .LBB2_5-.Ltmp2, $4  }
0x51: {  	s1 =	sadd.s32 $0x100, s1;
	p2 =	sge.u32 s0, s5;
	[sflag:s12] =	ssyncadd.s32 @!p3 $0xFFFFFF80  }
0x52: {  	s10 =	sand.u32 @!p2 $0x300, s13;
	s11 =	sadd.s32 @!p2 $0xFFFF63C0, s30;
	s20 =	simm.s32 @!p2 $0x0  }
0x53: {  	[tilespmem:s7], [sflag:$0x2] =	stream.indirect.gather @!p3 [spmem:s2], $0x20, s9, s15, $0xb8;
	[tilespmem:$0xD400] =	vst v63  }
0x54: {  	s30 =	sadd.s32 $0x10, s30;
	s12 =	sor.u32 @!p2 $0x80, s10;
	s9 =	smulhi.u32 $0xAAAAAAAB, s29  }
0x55: {  	s0 =	smov.u32 s1  }
.LBB2_7:
0x56: {  	p0 =	por p2, !p0;
	s1 =	sshrl.u32 s9, $0x1  }
0x57: {  	[tilespmem:s10], [sflag:$0x1] =	stream.linear.gather @!p0 [hbm4b:s11+s20], $0x80, $0x38;
	[tilespmem:$0xD400] =	vst v63  }
0x58: {  	s7 =	sadd.s32 $0xFFFFFC00, s25;
	s1 =	smul.u32 $0xFFFF4000, s1  }
0x59: {  	[tilespmem:s12], [sflag:$0x1] =	stream.linear.gather @!p0 [hbm4b:s14+s20], $0x80, $0x38;
	[tilespmem:$0xD400] =	vst v63  }
0x5a: {  	p1 =	slt.u32 s29, $0x2;
	s7 =	sand.u32 $0xC00, s7;
	_ =	swait.ge [sflag:s21], $0x1000  }
0x5b: {  	s7 =	sshrl.u32 s7, $0x2;
	s1 =	sshra.s32 s1, $0x2;
	[sflag:s21] =	ssyncset.done $0x0  }
0x5c: {  	s7 =	sor.u32 $0x80, s7;
	s1 =	sadd.s32 s1, s31;
	[sflag:s21] =	ssyncadd.s32 $0xFFFFF000  }
0x5d: {  	[spmem:s3] =	stream.indirect.scatter.add.f32 [tilespmem:s1], [sflag:$0x3], $0x20, s7, s18, $0xb8;
	[tilespmem:$0xD400] =	vst v63  }
0x5e: {  	s1 =	simm.s32 @!p1 $0x3  }
0x5f: {  	_ =	swait.ge @!p1 [sflag:s1], $0x1000  }
0x60: {  	p0 =	sge.u32 s26, s5;
	[sflag:s1] =	ssyncset.done @!p1 $0x0  }
0x61: {  	s20 =	smulhi.u32 $0xAAAAAAAB, s24;
	s9 =	simm.s32 @!p0 $0x1;
	[sflag:s1] =	ssyncadd.s32 @!p1 $0xFFFFF000  }
0x62: {  	_ =	swait.ge @!p0 [sflag:s9], $0x80  }
0x63: {  	s24 =	sshrl.u32 s20, $0x1;
	[sflag:s9] =	ssyncset.done @!p0 $0x0  }
0x64: {  	s29 =	sadd.s32 $0x1, s26;
	s1 =	smul.u32 $0xFFFF4000, s24;
	[sflag:s9] =	ssyncadd.s32 @!p0 $0xFFFFFF80  }
0x65: {  	s11 =	simm.s32 @!p0 $0x80;
	s7 =	sand.u32 @!p0 $0xC00, s25;
	_ =	swait.ge @!p0 [sflag:s9], $0x80  }
0x66: {  	s7 =	sshrl.u32 @!p0 s7, $0x2;
	s1 =	sshra.s32 s1, $0x2;
	[sflag:s9] =	ssyncset.done @!p0 $0x0  }
0x67: {  	p1 =	sge.u32 s29, s5;
	s1 =	sadd.s32 s1, s28;
	[sflag:s9] =	ssyncadd.s32 @!p0 $0xFFFFFF80  }
0x68: {  	[tilespmem:s1], [sflag:$0x2] =	stream.indirect.gather @!p0 [spmem:s2], $0x20, s7, s11, $0xb8;
	[tilespmem:$0xD400] =	vst v63  }
0x69: {  	s0 =	sand.u32 @!p1 $0x300, s0;
	s1 =	sadd.s32 @!p1 $0xFFFF63C0, s30;
	s7 =	simm.s32 @!p1 $0x0  }
0x6a: {  	[tilespmem:s0], [sflag:$0x1] =	stream.linear.gather @!p1 [hbm4b:s1+s7], $0x80, $0x38;
	[tilespmem:$0xD400] =	vst v63  }
0x6b: {  	s0 =	sor.u32 @!p1 $0x80, s0  }
0x6c: {  	[tilespmem:s0], [sflag:$0x1] =	stream.linear.gather @!p1 [hbm4b:s30+s7], $0x80, $0x38;
	[tilespmem:$0xD400] =	vst v63  }
0x6d: {  	_ =	swait.ge [sflag:s22], $0x1000  }
0x6e: {  	[sflag:s22] =	ssyncset.done $0x0  }
0x6f: {  	[sflag:s22] =	ssyncadd.s32 $0xFFFFF000  }
0x70: {  	_ =	swait.ge [sflag:s22], $0x1000  }
0x71: {  	[sflag:s22] =	ssyncset.done $0x0  }
0x72: {  	[sflag:s22] =	ssyncadd.s32 $0xFFFFF000  }
0x73: {  	[bflag:$0x0] =	sbarrier.arrive $0xFFFF  }
0x74: {  	s30 =	rddreg [dreg:$0x9]  }
0x75: {  	[hbm:s30], [sflag:s8] =	dma.local [spmem:s17], $0xA00  }
0x76: {  	_ =	swait.ge [sflag:s16], $0xA00  }
0x77: {  	s23 =	sadd.s32 $0x1, s23;
	s31 =	rddreg [dreg:$0xa]  }
0x78: {  	p0 =	sne.s32 s23, s31  }
.Ltmp3:
0x79: {  	_ = 	snop;
	(pc) =	sbr.rel @p0 .LBB2_1-.Ltmp3, $4  }
.Ltmp4:
0x7a: {  	_ = 	snop;
	(pc) =	sbr.rel @!p0 .LBB2_8-.Ltmp4, $4  }
0x7b: {  	_ = 	snop  }
0x7c: {  	[sflag:s16] =	ssyncset.done $0x0  }
0x7d: {  	[sflag:s16] =	ssyncadd.s32 $0xFFFFF600  }
0x7e: {  	_ = 	snop  }
.LBB2_2:
.Ltmp5:
0x7f: {  	(pc) =	sbr.rel .LBB2_7-.Ltmp5, $3  }
0x80: {  	_ =	sdelay $0x1  }
0x81: {  	s26 =	simm.s32 $0x1  }
0x82: {  	s29 =	simm.s32 $0x0;
	s31 =	simm.s32 $0x400;
	s30 =	smov.u32 s19  }
.LBB2_4:
.Ltmp6:
0x83: {  	(pc) =	sbr.rel .LBB2_7-.Ltmp6, $2  }
0x84: {  	_ =	sdelay $0x2  }
0x85: {  	s0 =	simm.s32 $0x300;
	s14 =	smov.u32 s19  }
.LBB2_8:
0x86: {  	_ =	sfence.sel $0x180000  }
0x87: {  	[bflag:$0x0] =	sbarrier.arrive $0xFFFF  }
0x88: {  	_ =	strace $0x9000004D  }
0x89: {  	s0 =	stileid.u32;
	[bflag:$0x2] =	sbarrier.arrive $0xFFFF  }
0x8a: {  	p0 =	sne.s32 s0, $0x0;
	s0 =	rddreg [dreg:$0x4]  }
0x8b: {  	s0 =	sadd.s32 @!p0 $0x100000, s0  }
0x8c: {  	[sflag:s0] =	ssyncadd.tile.s32 @!p0 $0x1;
	_ =	shalt  }
.Lfunc_end2:
_tile_overlayer_lowered:
.L_overlay_start_2:
0x8d: {  	(tag) =	ssettag $0x2  }
0x8e: {  	s0 =	rddreg [dreg:$0x0];
	s2 =	stileid.u32  }
0x8f: {  	s1 =	rddreg [dreg:$0x1];
	p0 =	sne.s32 s2, $0x0  }
0x90: {  	s3 =	rddreg [dreg:$0x2];
	[bflag:$0x3] =	sbarrier.arrive $0xFFFF;
	s2 =	simm.s32 @!p0 $0x1C04  }
0x91: {  	[timem:s3], [sflag:s2] =	dma.local @!p0 [hbm:s0], s1  }
0x92: {  	s0 =	simm.s32 @!p0 $0x4  }
0x93: {  	_ =	swait.ge @!p0 [sflag:s0], s1  }
0x94: {  	s1 =	ssub.s32 @!p0 $0x0, s1;
	[sflag:s0] =	ssyncset.done @!p0 $0x0  }
0x95: {  	[sflag:s0] =	ssyncadd.s32 @!p0 s1  }
0x96: {  	[bflag:$0x3] =	sbarrier.arrive $0xFFFF  }
0x97: {  	_ =	shalt  }

// kernel: kernel.8.cloned.1.call-start
scs
__scs_entry_jumppad:
0x0: {  	(pc) =	sbr.rel $0x88, $3  }
0x1: {  	(tag) =	ssettag $0x0;
	lr =	simm.s32 $0x1  }
0x2: {  	[smem:$0x3F9B] =	sst lr;
	_ =	strace $0xD0000000  }
0x3: {  	_ = 	snop  }
0x4: {  	_ = 	snop  }
0x5: {  	_ = 	snop  }
0x6: {  	_ = 	snop  }
0x7: {  	_ = 	snop  }
__scs_overlays_trampoline_lowered:
0x8: {  	[smem:$0x3FAA] =	sst s0  }
0x9: {  	[smem:$0x3FAB] =	sst s1  }
0xa: {  	[smem:$0x3FAC] =	sst s2  }
0xb: {  	[smem:$0x3FAD] =	sst s3  }
0xc: {  	[smem:$0x3FAE] =	sst s4  }
0xd: {  	[smem:$0x3FAF] =	sst s5  }
0xe: {  	[smem:$0x3FB0] =	sst s6  }
0xf: {  	[smem:$0x3FB1] =	sst s7  }
0x10: {  	[smem:$0x3FB2] =	sst s8  }
0x11: {  	[smem:$0x3FB3] =	sst s9;
	s0 =	simm.s32 @!p0 $0x0  }
0x12: {  	s1 =	sld [smem:$0x3F99];
	s0 =	simm.s32 @p0 $0x1  }
0x13: {  	[smem:$0x3FB4] =	sst s0;
	s0 =	simm.s32 @!p1 $0x0  }
0x14: {  	s2 =	sld [smem:$0x3F98];
	s0 =	simm.s32 @p1 $0x1  }
0x15: {  	[smem:$0x3FB5] =	sst s0;
	s0 =	simm.s32 @!p2 $0x0  }
0x16: {  	s3 =	sld [smem:$0x3FDB];
	s0 =	simm.s32 @p2 $0x1  }
0x17: {  	s4 =	simm.s32 $0x1BF5;
	[smem:$0x3FB7] =	sst s0  }
0x18: {  	s0 =	sld [smem:$0x3F9A];
	_ =	swait.ge [sflag:s4], $0x0  }
0x19: {  	s7 =	sld [smem:$0x3F9B]  }
0x1a: {  	s8 =	sadd.s32 $0xFFFFE003, lr  }
0x1b: {  	s9 =	sadd.s32 $0xFFFFFEF7, lr;
	s5 =	simm.s32 $0xFFFFFFFF;
	p2 =	slt.u32 s8, $0xFFFFF086  }
0x1c: {  	p1 =	slt.u32 s9, $0xF7A;
	s5 =	simm.s32 @!p2 $0x0  }
0x1d: {  	s5 =	simm.s32 @p1 $0x1;
	p0 =	seq.s32 s7, s2  }
0x1e: {  	s7 =	smul.u32 @!p0 $0xF7A, s2;
	p2 =	seq.s32 @!p0 s5, $0x0  }
0x1f: {  	s9 =	smul.u32 $0xF7A, s1;
	s8 =	simm.s32 @!p0 $0x1BF5;
	p2 =	por !p2, p0  }
0x20: {  	[sflag:s8] =	ssyncset.s32 @!p0 $0xFFFFF086;
	s6 =	sadd.s32 @!p0 s3, s7;
	s7 =	simm.s32 @!p0 $0x108  }
0x21: {  	s3 =	sadd.s32 s3, s9;
	s6 =	sadd.s32 @!p0 $0x88, s6;
	s7 =	simm.s32 @p2 $0x1082  }
0x22: {  	[simem:s7], [sflag:s8] =	dma.local @!p0 [hbm:s6], $0xF7A  }
0x23: {  	s9 =	sor.u32 $0xD0000000, s2;
	s6 =	simm.s32 $0x108;
	_ =	swait.ge @!p0 [sflag:s8], $0x0  }
0x24: {  	s3 =	sadd.s32 $0x88, s3;
	s6 =	simm.s32 @!p1 $0x1082;
	[sflag:s4] =	ssyncset.s32 $0xFFFFF086  }
0x25: {  	[simem:s6], [sflag:s4] =	dma.local [hbm:s3], $0xF7A  }
0x26: {  	[smem:$0x3F9B] =	sst s1;
	(tag) =	ssettag s2;
	_ =	strace s9  }
0x27: {  	s1 =	sld [smem:$0x3FAB]  }
0x28: {  	s2 =	sld [smem:$0x3FAC]  }
0x29: {  	s4 =	sld [smem:$0x3FAE]  }
0x2a: {  	p0 =	seq.s32 s5, $0x0;
	s5 =	sld [smem:$0x3FAF]  }
0x2b: {  	s6 =	sld [smem:$0x3FB0]  }
0x2c: {  	s7 =	sld [smem:$0x3FB1]  }
0x2d: {  	s3 =	simm.s32 $0x108;
	s8 =	sld [smem:$0x3FB2]  }
0x2e: {  	s3 =	simm.s32 @!p0 $0x1082;
	s9 =	sld [smem:$0x3FB3]  }
0x2f: {  	lr =	sadd.s32 s0, s3;
	s0 =	sld [smem:$0x3FAA]  }
0x30: {  	s3 =	sld [smem:$0x3FAD]  }
0x31: {  	[smem:$0x3FB6] =	sst s10  }
0x32: {  	s10 =	sld [smem:$0x3FB4];
	_ =	sdelay $0x3  }
0x33: {  	p0 =	seq.s32 s10, $0x1;
	s10 =	sld [smem:$0x3FB6];
	_ =	sdelay $0x3  }
0x34: {  	[smem:$0x3FB6] =	sst s10  }
0x35: {  	s10 =	sld [smem:$0x3FB5];
	_ =	sdelay $0x3  }
0x36: {  	p1 =	seq.s32 s10, $0x1;
	s10 =	sld [smem:$0x3FB6];
	_ =	sdelay $0x3  }
0x37: {  	[smem:$0x3FB6] =	sst s10  }
0x38: {  	s10 =	sld [smem:$0x3FB7]  }
0x39: {  	_ = 	snop;
	(pc) =	sbr.ind lr, $3  }
0x3a: {  	_ = 	snop  }
0x3b: {  	_ = 	snop  }
0x3c: {  	p2 =	seq.s32 s10, $0x1;
	s10 =	sld [smem:$0x3FB6]  }
0x3d: {  	_ =	shalt  }
0x3e: {  	_ =	shalt  }
0x3f: {  	_ =	shalt  }
0x40: {  	_ =	shalt  }
0x41: {  	_ =	shalt  }
0x42: {  	_ =	shalt  }
0x43: {  	_ =	shalt  }
0x44: {  	_ =	shalt  }
0x45: {  	_ =	shalt  }
0x46: {  	_ =	shalt  }
0x47: {  	_ =	shalt  }
0x48: {  	_ =	shalt  }
0x49: {  	_ =	shalt  }
0x4a: {  	_ =	shalt  }
0x4b: {  	_ =	shalt  }
0x4c: {  	_ =	shalt  }
0x4d: {  	_ =	shalt  }
0x4e: {  	_ =	shalt  }
0x4f: {  	_ =	shalt  }
0x50: {  	_ =	shalt  }
0x51: {  	_ =	shalt  }
0x52: {  	_ =	shalt  }
0x53: {  	_ =	shalt  }
0x54: {  	_ =	shalt  }
0x55: {  	_ =	shalt  }
0x56: {  	_ =	shalt  }
0x57: {  	_ =	shalt  }
0x58: {  	_ =	shalt  }
0x59: {  	_ =	shalt  }
0x5a: {  	_ =	shalt  }
0x5b: {  	_ =	shalt  }
0x5c: {  	_ =	shalt  }
0x5d: {  	_ =	shalt  }
0x5e: {  	_ =	shalt  }
0x5f: {  	_ =	shalt  }
0x60: {  	_ =	shalt  }
0x61: {  	_ =	shalt  }
0x62: {  	_ =	shalt  }
0x63: {  	_ =	shalt  }
0x64: {  	_ =	shalt  }
0x65: {  	_ =	shalt  }
0x66: {  	_ =	shalt  }
0x67: {  	_ =	shalt  }
0x68: {  	_ =	shalt  }
0x69: {  	_ =	shalt  }
0x6a: {  	_ =	shalt  }
0x6b: {  	_ =	shalt  }
0x6c: {  	_ =	shalt  }
0x6d: {  	_ =	shalt  }
0x6e: {  	_ =	shalt  }
0x6f: {  	_ =	shalt  }
0x70: {  	_ =	shalt  }
0x71: {  	_ =	shalt  }
0x72: {  	_ =	shalt  }
0x73: {  	_ =	shalt  }
0x74: {  	_ =	shalt  }
0x75: {  	_ =	shalt  }
0x76: {  	_ =	shalt  }
0x77: {  	_ =	shalt  }
0x78: {  	_ =	shalt  }
0x79: {  	_ =	shalt  }
0x7a: {  	_ =	shalt  }
0x7b: {  	_ =	shalt  }
0x7c: {  	_ =	shalt  }
0x7d: {  	_ =	shalt  }
0x7e: {  	_ =	shalt  }
0x7f: {  	_ =	shalt  }
0x80: {  	_ =	shalt  }
0x81: {  	_ =	shalt  }
0x82: {  	_ =	shalt  }
0x83: {  	_ =	shalt  }
0x84: {  	_ =	shalt  }
0x85: {  	_ =	shalt  }
0x86: {  	_ =	shalt  }
0x87: {  	_ =	shalt  }
.Lfunc_end0:
.L_simem_size_0:
called_computation_lowered:
.L_overlay_start_0:
0x88: {  	s2 =	sld [smem:$0x3FD9]  }
0x89: {  	s3 =	sld [smem:$0x3FFE];
	_ =	sdelay $0x1  }
0x8a: {  	s1 =	srdreg.scid  }
0x8b: {  	s0 =	sand.u32 $0x1, s1  }
0x8c: {  	s17 =	sshll.u32 s0, $0xA;
	s2 =	sadd.s32 s3, s2  }
0x8d: {  	s2 =	sadd.s32 s2, s17  }
0x8e: {  	[smem:$0x3FC2] =	sst s2  }
0x8f: {  	_ = 	snop  }
0x90: {  	s2 =	sld [smem:$0x3FD0];
	(tm) =	ssettm $0x1  }
0x91: {  	s18 =	sld [smem:$0x3FFB];
	_ =	sdelay $0x3  }
0x92: {  	_ =	strace s18  }
0x93: {  	s3 =	sld [smem:$0x3FFC];
	_ =	sdelay $0x3  }
0x94: {  	_ =	strace s3  }
0x95: {  	s3 =	sld [smem:$0x3FFD];
	_ =	sdelay $0x3  }
0x96: {  	_ =	strace s3  }
0x97: {  	_ =	strace $0x8FFFFFFF  }
0x98: {  	s19 =	sld [smem:$0x3FDB];
	_ =	sdelay $0x1  }
0x99: {  	s4 =	simm.s32 $_scs_section_size  }
0x9a: {  	s5 =	simm.s32 $_size__tile_overlayer_lowered;
	s6 =	simm.s32 $_tile_overlayer_lowered  }
0x9b: {  	s22 =	simm.s32 $0x1BFF;
	s21 =	sshll.u32 s6, $0x1;
	s3 =	sadd.s32 s4, s19  }
0x9c: {  	s7 =	simm.s32 $0x0;
	s20 =	sshll.u32 s5, $0x1;
	s5 =	sadd.s32 s21, s3  }
0x9d: {  	[timem:s7], [sflag:s22] =	dma.local [hbm:s5], s20  }
0x9e: {  	_ =	swait.ge [sflag:s22], s20  }
0x9f: {  	s4 =	ssub.s32 $0x0, s20;
	[sflag:s22] =	ssyncset.done $0x0  }
0xa0: {  	[sflag:s22] =	ssyncadd.s32 s4;
	_ =	sdelay $0x1  }
0xa1: {  	s23 =	simm.s32 $0x1B8B  }
0xa2: {  	_ =	swait.ge [sflag:s23], $0x1  }
0xa3: {  	[sflag:s23] =	ssyncset.done $0x0  }
0xa4: {  	s25 =	simm.s32 $0x1B8E;
	s24 =	sld [smem:$0x3FFE];
	[sflag:s23] =	ssyncadd.s32 $0xFFFFFFFF  }
0xa5: {  	s26 =	simm.s32 $execute0_lowered;
	[smem:$0x3FD2] =	sst s25  }
0xa6: {  	s5 =	sshll.u32 s26, $0x1;
	_ =	strace $0x80000046;
	[dreg:$0x1] =	wrdreg $0xFFFFFFFF  }
0xa7: {  	s28 =	simm.s32 $_size_execute0_lowered;
	s3 =	sadd.s32 s3, s5;
	[dreg:$0x0] =	wrdreg $0x0  }
0xa8: {  	s5 =	sshll.u32 s28, $0x1;
	[dreg:$0x2] =	wrdreg s3  }
0xa9: {  	[dreg:$0x3] =	wrdreg s5  }
0xaa: {  	[dreg:$0x4] =	wrdreg $0xC0  }
0xab: {  	_ =	task [dreg:s7], $0x5FFFF  }
0xac: {  	[dreg:$0x1] =	wrdreg $0xFFFFFFFF  }
0xad: {  	[dreg:$0x0] =	wrdreg $0x60  }
0xae: {  	[dreg:$0x2] =	wrdreg s2  }
0xaf: {  	[dreg:$0x3] =	wrdreg s24  }
0xb0: {  	[dreg:$0x4] =	wrdreg $0x29800  }
0xb1: {  	[dreg:$0x5] =	wrdreg $0x9  }
0xb2: {  	_ =	task.clear_ibuf [dreg:s7], $0x6FFFF;
	_ =	strace $0x90000046  }
0xb3: {  	s29 =	simm.s32 $0x9;
	_ =	strace $0x80000048  }
0xb4: {  	_ =	swait.ge [sflag:s29], $0x1  }
0xb5: {  	[sflag:s29] =	ssyncadd.s32 $0xFFFFFFFF  }
0xb6: {  	_ =	strace $0x90000048  }
0xb7: {  	_ =	sfence  }
0xb8: {  	s30 =	sld [smem:$0x0];
	_ =	sdelay $0x2  }
0xb9: {  	s31 =	sshll.u32 s1, $0xD;
	s1 =	sshrl.u32 s1, $0x2  }
0xba: {  	s3 =	sand.u32 $0x4000, s31;
	s1 =	sadd.s32 s1, s30  }
0xbb: {  	s0 =	sor.u32 s3, s0;
	s1 =	sshll.u32 s1, $0x11  }
0xbc: {  	s0 =	sor.u32 s1, s0  }
0xbd: {  	s0 =	sadd.s32 $0x8F2B, s0  }
0xbe: {  	[sflag:s0] =	ssyncadd.remote.s32 $0x1  }
0xbf: {  	_ =	sfence.sel $0xFFFF  }
0xc0: {  	[dreg:$0x0] =	wrdreg $0xFFFFFFFF;
	(pc) =	sbr.abs _section_cstart, $3  }
0xc1: {  	[dreg:$0x1] =	wrdreg $0xFFFFFFFF  }
0xc2: {  	_ =	task.clear_ibuf [dreg:s7], $0x2FFFF;
	_ =	strace $0x9FFFFFFF  }
0xc3: {  	(tm) =	ssettm $0x7FFFFFFF  }
tec
execute0_lowered:
.L_overlay_start_1:
0x0: {  	(tag) =	ssettag $0x1  }
0x1: {  	s8 =	rddreg [dreg:$0x0]  }
0x2: {  	s4 =	rddreg [dreg:$0x1]  }
0x3: {  	s2 =	rddreg [dreg:$0x2]  }
0x4: {  	s0 =	rddreg [dreg:$0x3]  }
0x5: {  	s1 =	stileid.u32;
	s5 =	srdreg.scid  }
0x6: {  	s3 =	simm.s32 $0x0;
	s14 =	simm.s32 $0x2900;
	s15 =	simm.s32 $0x0  }
0x7: {  	s6 =	smul.u32 $0x280, s1;
	s5 =	sand.u32 $0x1, s5;
	[smem:$0x7FF] =	sst s3  }
0x8: {  	s31 =	sshll.u32 s1, $0x6;
	s7 =	smul.u32 $0x2800, s5;
	_ =	strace $0x80000047  }
0x9: {  	s10 =	sshll.u32 s5, $0x4;
	s5 =	ssub.s32 $0x2, s5;
	s9 =	sshrl.u32 s6, $0x3  }
0xa: {  	s11 =	sor.u32 s1, s10;
	s12 =	sshrl.u32 s5, $0x1;
	s13 =	sadd.s32 s6, s2  }
0xb: {  	s7 =	sadd.s32 s6, s7;
	s9 =	sadd.s32 s9, s4;
	s29 =	smul.u32 $0x2700, s11  }
0xc: {  	p0 =	seq.s32 s11, $0x1F;
	s12 =	ssub.s32 s5, s12;
	s6 =	sor.u32 $0x1C01, s31  }
0xd: {  	s7 =	sshrl.u32 s7, $0x3;
	s5 =	sadd.s32 $0x1C00, s9;
	s10 =	smax.u32 s12, $0x1  }
0xe: {  	s28 =	sadd.s32 s7, s4;
	s4 =	simm.s32 $0x52;
	s30 =	sshrl.u32 s29, $0x3  }
0xf: {  	s12 =	simm.s32 $0x1;
	s4 =	simm.s32 @!p0 $0x4E;
	s7 =	sadd.s32 s8, s30  }
0x10: {  	s8 =	sadd.s32 $0x13360, s8;
	s9 =	sadd.s32 $0x2200, s28;
	p0 =	sne.s32 s11, $0x1F  }
0x11: {  	v0 =	vimm.f32 $1.000000000e+00;
	s11 =	sshrl.u32 s13, $0x3;
	s13 =	simm.s32 $0x80;
	s7 =	sadd.s32 $0x9C40, s7  }
.LBB2_1:
0x12: {  	[tilespmem:$0x2900] =	vst v0  }
0x13: {  	[tilespmem:$0x2910] =	vst v0  }
0x14: {  	[tilespmem:$0x2920] =	vst v0  }
0x15: {  	[tilespmem:$0x2930] =	vst v0  }
0x16: {  	[tilespmem:$0x2940] =	vst v0  }
0x17: {  	[tilespmem:$0x2950] =	vst v0  }
0x18: {  	[tilespmem:$0x2960] =	vst v0  }
0x19: {  	[tilespmem:$0x2970] =	vst v0  }
0x1a: {  	[spmem:s11], [sflag:s6] =	dma.local [hbm:s5], $0x50  }
0x1b: {  	_ =	swait.ge [sflag:s12], $0x50  }
0x1c: {  	[sflag:s12] =	ssyncset.done $0x0  }
0x1d: {  	s16 =	simm.s32 @p0 $0x0;
	[sflag:s12] =	ssyncadd.s32 $0xFFFFFFB0  }
0x1e: {  	[tilespmem:s16], [sflag:$0x1] =	stream.linear.gather @p0 [hbm4b:s7+s16], $0x2700, $0x38;
	[tilespmem:$0x2C00] =	vst v63  }
0x1f: {  	s16 =	simm.s32 @p0 $0x1  }
0x20: {  	_ =	swait.ge @p0 [sflag:s16], $0x2700  }
0x21: {  	[sflag:s16] =	ssyncset.done @p0 $0x0  }
0x22: {  	[sflag:s16] =	ssyncadd.s32 @p0 $0xFFFFD900;
	s16 =	simm.s32 @!p0 $0x0  }
0x23: {  	[tilespmem:s16], [sflag:$0x1] =	stream.linear.gather @!p0 [hbm4b:s8+s16], $0x2900, $0x38;
	[tilespmem:$0x2C00] =	vst v63  }
0x24: {  	s16 =	simm.s32 @!p0 $0x1  }
0x25: {  	_ =	swait.ge @!p0 [sflag:s16], $0x2900  }
0x26: {  	p1 =	sne.s32 s4, $0x1;
	[sflag:s16] =	ssyncset.done @!p0 $0x0  }
.Ltmp0:
0x27: {  	[sflag:s16] =	ssyncadd.s32 @!p0 $0xFFFFD700;
	(pc) =	sbr.rel @!p1 .LBB2_3-.Ltmp0, $4  }
0x28: {  	[bflag:$0x0] =	sbarrier.arrive $0xFFFF  }
0x29: {  	[spmem:s2] =	stream.indirect.scatter.add.f32 [tilespmem:s14], [sflag:$0x1], $0x1, s3, s13, $0xb8;
	[tilespmem:$0x2C00] =	vst v63  }
0x2a: {  	_ =	swait.ge [sflag:s12], $0x80  }
0x2b: {  	s17 =	simm.s32 $0x0;
	s16 =	sadd.s32 $0xFFFFFFFF, s4;
	[sflag:s12] =	ssyncset.done $0x0  }
.LBB2_2:
0x2c: {  	p1 =	sne.s32 s16, $0x1;
	[sflag:s12] =	ssyncadd.s32 $0xFFFFFF80;
	s17 =	sadd.s32 $0x80, s17  }
.Ltmp1:
0x2d: {  	s16 =	sadd.s32 $0xFFFFFFFF, s16;
	(pc) =	sbr.rel @p1 .LBB2_2-.Ltmp1, $4  }
0x2e: {  	_ = 	snop  }
0x2f: {  	[spmem:s2] =	stream.indirect.scatter.add.f32 [tilespmem:s14], [sflag:$0x1], $0x1, s17, s13, $0xb8;
	[tilespmem:$0x2C00] =	vst v63  }
0x30: {  	_ =	swait.ge [sflag:s12], $0x80  }
0x31: {  	[sflag:s12] =	ssyncset.done $0x0  }
.LBB2_3:
0x32: {  	s15 =	sadd.s32 $0x1, s15  }
0x33: {  	[sflag:s12] =	ssyncadd.s32 $0xFFFFFF80;
	p1 =	sne.s32 s15, s10  }
.Ltmp2:
0x34: {  	[bflag:$0x0] =	sbarrier.arrive $0xFFFF;
	(pc) =	sbr.rel @p1 .LBB2_1-.Ltmp2, $4  }
0x35: {  	[hbm:s9], [sflag:s6] =	dma.local [spmem:s11], $0x50  }
0x36: {  	_ =	swait.ge [sflag:s12], $0x50  }
0x37: {  	[sflag:s12] =	ssyncset.done $0x0  }
0x38: {  	[sflag:s12] =	ssyncadd.s32 $0xFFFFFFB0  }
0x39: {  	_ =	sfence.sel $0x180000  }
0x3a: {  	[bflag:$0x0] =	sbarrier.arrive $0xFFFF  }
0x3b: {  	p0 =	sne.s32 s1, $0x0;
	_ =	strace $0x90000047  }
0x3c: {  	s0 =	sadd.s32 @!p0 $0x100000, s0;
	[bflag:$0x2] =	sbarrier.arrive $0xFFFF  }
0x3d: {  	[sflag:s0] =	ssyncadd.tile.s32 @!p0 $0x1;
	_ =	shalt  }
.Lfunc_end2:
_tile_overlayer_lowered:
.L_overlay_start_2:
0x3e: {  	(tag) =	ssettag $0x2  }
0x3f: {  	s0 =	rddreg [dreg:$0x0];
	s2 =	stileid.u32  }
0x40: {  	s1 =	rddreg [dreg:$0x1];
	p0 =	sne.s32 s2, $0x0  }
0x41: {  	s3 =	rddreg [dreg:$0x2];
	[bflag:$0x3] =	sbarrier.arrive $0xFFFF;
	s2 =	simm.s32 @!p0 $0x1C01  }
0x42: {  	[timem:s3], [sflag:s2] =	dma.local @!p0 [hbm:s0], s1  }
0x43: {  	s0 =	simm.s32 @!p0 $0x1  }
0x44: {  	_ =	swait.ge @!p0 [sflag:s0], s1  }
0x45: {  	s1 =	ssub.s32 @!p0 $0x0, s1;
	[sflag:s0] =	ssyncset.done @!p0 $0x0  }
0x46: {  	[sflag:s0] =	ssyncadd.s32 @!p0 s1  }
0x47: {  	[bflag:$0x3] =	sbarrier.arrive $0xFFFF  }
0x48: {  	_ =	shalt  }

</sc_bundles>
